<compile_context>
chip_gen: v7x
topology: tpu7x:2x2x1
jax: 0.10.2.dev20260603
libtpu: 0.0.44.dev20260713+nightly
codegen_flags: <defaults>
</compile_context>

<pallas_src>
import functools

import jax
import jax.numpy as jnp
from jax import lax
from jax.experimental import pallas as pl
from jax.experimental.pallas import tpu as pltpu
from jax.experimental.pallas import tpu_sc as plsc

_L = 16
_C = 10
_CB = _C * _L


def _make_sc_sampler(nrows, n, ns):
    nb = n // _CB
    nbv = (nb + _L - 1) // _L
    nbp = nbv * _L
    mesh = plsc.VectorSubcoreMesh(core_axis_name="c", subcore_axis_name="s")

    @functools.partial(
        pl.kernel,
        mesh=mesh,
        out_type=jax.ShapeDtypeStruct((nrows, _L), jnp.int32),
        scratch_types=[
            pltpu.VMEM((n,), jnp.float32),
            pltpu.VMEM((_L,), jnp.float32),
            pltpu.SMEM((nbp,), jnp.float32),
            pltpu.VMEM((_L,), jnp.int32),
        ],
        compiler_params=pltpu.CompilerParams(needs_layout_passes=False),
    )
    def sampler(x_hbm, u_hbm, out_hbm, row_v, u_v, coarse_s, res_v):
        wid = lax.axis_index("s") * 2 + lax.axis_index("c")
        pltpu.sync_copy(x_hbm.at[wid], row_v)
        pltpu.sync_copy(u_hbm.at[wid], u_v)

        def blk(b, total):
            acc = jnp.zeros((_L,), jnp.float32)
            base = b * _CB
            for c in range(_C):
                acc = acc + row_v[pl.ds(base + c * _L, _L)]
            total = total + jnp.sum(acc)
            coarse_s[b] = total
            return total

        total = lax.fori_loop(0, nb, blk, jnp.float32(0.0), unroll=2)

        iota = lax.iota(jnp.int32, _L)
        u_vec = u_v[...]

        def sample(k, res):
            u_k = jnp.sum(jnp.where(iota == k, u_vec, 0.0))
            t_k = u_k * total
            tks = jnp.full((_L,), t_k, jnp.float32)

            def bstep(_, lohi):
                lo, hi = lohi
                mid = lax.shift_right_logical(lo + hi, 1)
                val = coarse_s[jnp.minimum(mid, nb - 1)]
                active = lo < hi
                go = jnp.logical_and(val <= t_k, active)
                lo2 = jnp.where(go, mid + 1, lo)
                hi2 = jnp.where(go, hi, jnp.where(active, mid, hi))
                return lo2, hi2

            nfull, _ = lax.fori_loop(
                0, nb.bit_length(), bstep, (jnp.int32(0), jnp.int32(nb)))
            pe = jnp.where(
                nfull > 0, coarse_s[jnp.maximum(nfull - 1, 0)], 0.0)
            bb = jnp.minimum(nfull, nb - 1)
            fbase = bb * _CB

            def fine(c, st):
                carry, cntv = st
                v = row_v[pl.ds(fbase + c * _L, _L)]
                pref = plsc.cumsum(v) + carry
                cntv = cntv + jnp.where(pref <= tks, 1, 0)
                return carry + jnp.sum(v), cntv

            st = (pe, jnp.zeros((_L,), jnp.int32))
            for c in range(_C):
                st = fine(c, st)
            _, cntv = st
            idx_k = jnp.minimum(nfull * _CB + jnp.sum(cntv), n - 1)
            return jnp.where(iota == k, idx_k, res)

        res = jnp.zeros((_L,), jnp.int32)
        for k in range(ns):
            res = sample(k, res)
        res_v[...] = res
        pltpu.sync_copy(res_v, out_hbm.at[wid])

    return sampler


@functools.lru_cache(maxsize=None)
def _sampler_cached(nrows, n, ns):
    return _make_sc_sampler(nrows, n, ns)


def kernel(x, num_samples, replacement, out):
    del replacement
    nrows, n = x.shape
    ns = out.shape[-1]
    u = jax.random.uniform(jax.random.key(42), (nrows, ns), dtype=x.dtype)
    u16 = jnp.concatenate(
        [u, jnp.ones((nrows, _L - ns), dtype=u.dtype)], axis=1)
    res = _sampler_cached(nrows, n, ns)(x, u16)
    idx = res[:, :ns]
    idx = idx + (jnp.asarray(num_samples, dtype=idx.dtype) - ns)
    return idx.astype(out.dtype)

# --- scband reference (transcript-rebuilt; emitter-appended) ---
"""Pipeline reference for scband-torch-ops-aten-multinomial-out-module-66236985639422 (READ-ONLY COPY).

The authoritative reference and input builder live on the scoring server;
editing this copy changes nothing except your own understanding.
"""

import jax, jax.numpy as jnp
import numpy as np


def setup_inputs(seed: int = 0) -> dict:
    key = jax.random.key(seed)
    k1, _ = jax.random.split(key)
    x = jax.random.uniform(k1, (32, 100000), dtype=jnp.float32)
    out = jnp.zeros((32, 8), dtype=jnp.int32)
    return {"x": x, "num_samples": 8, "replacement": True, "out": out}


def reference(x, num_samples, replacement, out):
    # aten.multinomial.out with replacement=True:
    # treat each row of x as unnormalized nonnegative weights,
    # draw num_samples category indices i.i.d. per row.
    key = jax.random.key(42)
    row_sum = jnp.sum(x, axis=-1, keepdims=True)
    p = x / row_sum
    cdf = jnp.cumsum(p, axis=-1)
    ns = out.shape[-1]
    u = jax.random.uniform(key, (x.shape[0], ns), dtype=x.dtype)
    # per-row inverse-CDF sampling via binary search (searchsorted)
    idx = jax.vmap(lambda c, uu: jnp.searchsorted(c, uu, side='right'))(cdf, u)
    idx = jnp.clip(idx, 0, x.shape[-1] - 1)
    idx = idx + (jnp.asarray(num_samples, dtype=idx.dtype) - ns)
    return idx.astype(out.dtype)

if __name__ == "__main__":
    import jax
    _d = setup_inputs()
    print(jax.jit(kernel)(*tuple(_d.values())))

</pallas_src>

<mosaic_0001>
#map = affine_map<(d0, d1) -> (0, 0)>
module attributes {stable_mosaic.version = 14 : i64} {
  func.func @sampler(%arg0: i32, %arg1: i32, %arg2: memref<32x100000xf32, #tpu.memory_space<hbm>>, %arg3: memref<32x16xf32, #tpu.memory_space<hbm>>, %arg4: memref<32x16xi32, #tpu.memory_space<hbm>>, %arg5: memref<100000xf32, #tpu.memory_space<vmem>>, %arg6: memref<16xf32, #tpu.memory_space<vmem>>, %arg7: memref<640xf32, #tpu.memory_space<smem>>, %arg8: memref<16xi32, #tpu.memory_space<vmem>>) attributes {dimension_semantics = [#tpu.dimension_semantics<core_parallel>, #tpu.dimension_semantics<subcore_parallel>], iteration_bounds = array<i64: 2, 16>, scalar_prefetch = 0 : i64, scratch_operands = 4 : i64, tpu.core_type = #tpu.core_type<sc_vector_subcore>, window_params = [{transform_indices = #map}, {transform_indices = #map}, {transform_indices = #map}]} {
    %mul3A = arith.constant 2 : i32
    %mul3A_0 = arith.muli %arg1, %mul3A : i32
    %add3A = arith.addi %mul3A_0, %arg0 : i32
    "tpu.region"() ({
      %run_scoped3A = tpu.sem_alloc : memref<!tpu.dma_semaphore, #tpu.memory_space<semaphore_mem>>
      %dma_start3A = arith.constant 0 : i32
      %dma_start3A_2143 = tpu.memref_slice %arg2[%add3A, %dma_start3A] : memref<32x100000xf32, #tpu.memory_space<hbm>> -> memref<1x100000xf32, #tpu.memory_space<hbm>>
      %dma_start3A_2144 = tpu.memref_squeeze %dma_start3A_2143 : memref<1x100000xf32, #tpu.memory_space<hbm>> -> memref<100000xf32, #tpu.memory_space<hbm>>
      %dma_start3A_2145 = arith.constant 0 : i32
      %dma_start3A_2146 = tpu.memref_slice %arg2[%add3A, %dma_start3A_2145] : memref<32x100000xf32, #tpu.memory_space<hbm>> -> memref<1x100000xf32, #tpu.memory_space<hbm>>
      %dma_start3A_2147 = tpu.memref_squeeze %dma_start3A_2146 : memref<1x100000xf32, #tpu.memory_space<hbm>> -> memref<100000xf32, #tpu.memory_space<hbm>>
      tpu.enqueue_dma source(%dma_start3A_2147 : memref<100000xf32, #tpu.memory_space<hbm>>) target(%arg5 : memref<100000xf32, #tpu.memory_space<vmem>>) target_semaphore(%run_scoped3A : memref<!tpu.dma_semaphore, #tpu.memory_space<semaphore_mem>>)
      %dma_wait3A = arith.constant 0 : i32
      %dma_wait3A_2148 = tpu.memref_slice %arg2[%add3A, %dma_wait3A] : memref<32x100000xf32, #tpu.memory_space<hbm>> -> memref<1x100000xf32, #tpu.memory_space<hbm>>
      %dma_wait3A_2149 = tpu.memref_squeeze %dma_wait3A_2148 : memref<1x100000xf32, #tpu.memory_space<hbm>> -> memref<100000xf32, #tpu.memory_space<hbm>>
      %dma_wait3A_2150 = arith.constant 0 : i32
      %dma_wait3A_2151 = tpu.memref_slice %arg2[%add3A, %dma_wait3A_2150] : memref<32x100000xf32, #tpu.memory_space<hbm>> -> memref<1x100000xf32, #tpu.memory_space<hbm>>
      %dma_wait3A_2152 = tpu.memref_squeeze %dma_wait3A_2151 : memref<1x100000xf32, #tpu.memory_space<hbm>> -> memref<100000xf32, #tpu.memory_space<hbm>>
      tpu.wait_dma2 semaphore(%run_scoped3A : memref<!tpu.dma_semaphore, #tpu.memory_space<semaphore_mem>>) src(%dma_wait3A_2152 : memref<100000xf32, #tpu.memory_space<hbm>>) dst(%arg5 : memref<100000xf32, #tpu.memory_space<vmem>>)
      tpu.yield
    }) : () -> ()
    "tpu.region"() ({
      %run_scoped3A = tpu.sem_alloc : memref<!tpu.dma_semaphore, #tpu.memory_space<semaphore_mem>>
      %dma_start3A = arith.constant 0 : i32
      %dma_start3A_2143 = tpu.memref_slice %arg3[%add3A, %dma_start3A] : memref<32x16xf32, #tpu.memory_space<hbm>> -> memref<1x16xf32, #tpu.memory_space<hbm>>
      %dma_start3A_2144 = tpu.memref_squeeze %dma_start3A_2143 : memref<1x16xf32, #tpu.memory_space<hbm>> -> memref<16xf32, #tpu.memory_space<hbm>>
      %dma_start3A_2145 = arith.constant 0 : i32
      %dma_start3A_2146 = tpu.memref_slice %arg3[%add3A, %dma_start3A_2145] : memref<32x16xf32, #tpu.memory_space<hbm>> -> memref<1x16xf32, #tpu.memory_space<hbm>>
      %dma_start3A_2147 = tpu.memref_squeeze %dma_start3A_2146 : memref<1x16xf32, #tpu.memory_space<hbm>> -> memref<16xf32, #tpu.memory_space<hbm>>
      tpu.enqueue_dma source(%dma_start3A_2147 : memref<16xf32, #tpu.memory_space<hbm>>) target(%arg6 : memref<16xf32, #tpu.memory_space<vmem>>) target_semaphore(%run_scoped3A : memref<!tpu.dma_semaphore, #tpu.memory_space<semaphore_mem>>)
      %dma_wait3A = arith.constant 0 : i32
      %dma_wait3A_2148 = tpu.memref_slice %arg3[%add3A, %dma_wait3A] : memref<32x16xf32, #tpu.memory_space<hbm>> -> memref<1x16xf32, #tpu.memory_space<hbm>>
      %dma_wait3A_2149 = tpu.memref_squeeze %dma_wait3A_2148 : memref<1x16xf32, #tpu.memory_space<hbm>> -> memref<16xf32, #tpu.memory_space<hbm>>
      %dma_wait3A_2150 = arith.constant 0 : i32
      %dma_wait3A_2151 = tpu.memref_slice %arg3[%add3A, %dma_wait3A_2150] : memref<32x16xf32, #tpu.memory_space<hbm>> -> memref<1x16xf32, #tpu.memory_space<hbm>>
      %dma_wait3A_2152 = tpu.memref_squeeze %dma_wait3A_2151 : memref<1x16xf32, #tpu.memory_space<hbm>> -> memref<16xf32, #tpu.memory_space<hbm>>
      tpu.wait_dma2 semaphore(%run_scoped3A : memref<!tpu.dma_semaphore, #tpu.memory_space<semaphore_mem>>) src(%dma_wait3A_2152 : memref<16xf32, #tpu.memory_space<hbm>>) dst(%arg6 : memref<16xf32, #tpu.memory_space<vmem>>)
      tpu.yield
    }) : () -> ()
    %scan3A = arith.constant 0.000000e+00 : f32
    %scan3A_1 = arith.constant 0 : i32
    %scan3A_2 = arith.constant 624 : i32
    %scan3A_3 = arith.addi %scan3A_1, %scan3A_2 : i32
    %scan3A_4 = arith.constant 2 : i32
    %scan3A_5 = scf.for %scan3A_2143 = %scan3A_1 to %scan3A_3 step %scan3A_4 iter_args(%scan3A_2144 = %scan3A) -> (f32)  : i32 {
      %broadcast_in_dim3A_2145 = arith.constant 0.000000e+00 : f32
      %broadcast_in_dim3A_2146 = vector.broadcast %broadcast_in_dim3A_2145 : f32 to vector<16xf32>
      %mul3A_2147 = arith.constant 160 : i32
      %mul3A_2148 = arith.muli %scan3A_2143, %mul3A_2147 : i32
      %add3A_2149 = arith.constant 0 : i32
      %add3A_2150 = arith.addi %mul3A_2148, %add3A_2149 : i32
      %get3A_2151 = arith.index_cast %add3A_2150 : i32 to index
      %get3A_2152 = tpu.vector_load %arg5[%get3A_2151] {strides = array<i32>} : memref<100000xf32, #tpu.memory_space<vmem>>, vector<16xf32>,
      %add3A_2153 = arith.addf %broadcast_in_dim3A_2146, %get3A_2152 : vector<16xf32>
      %add3A_2154 = arith.constant 16 : i32
      %add3A_2155 = arith.addi %mul3A_2148, %add3A_2154 : i32
      %get3A_2156 = arith.index_cast %add3A_2155 : i32 to index
      %get3A_2157 = tpu.vector_load %arg5[%get3A_2156] {strides = array<i32>} : memref<100000xf32, #tpu.memory_space<vmem>>, vector<16xf32>,
      %add3A_2158 = arith.addf %add3A_2153, %get3A_2157 : vector<16xf32>
      %add3A_2159 = arith.constant 32 : i32
      %add3A_2160 = arith.addi %mul3A_2148, %add3A_2159 : i32
      %get3A_2161 = arith.index_cast %add3A_2160 : i32 to index
      %get3A_2162 = tpu.vector_load %arg5[%get3A_2161] {strides = array<i32>} : memref<100000xf32, #tpu.memory_space<vmem>>, vector<16xf32>,
      %add3A_2163 = arith.addf %add3A_2158, %get3A_2162 : vector<16xf32>
      %add3A_2164 = arith.constant 48 : i32
      %add3A_2165 = arith.addi %mul3A_2148, %add3A_2164 : i32
      %get3A_2166 = arith.index_cast %add3A_2165 : i32 to index
      %get3A_2167 = tpu.vector_load %arg5[%get3A_2166] {strides = array<i32>} : memref<100000xf32, #tpu.memory_space<vmem>>, vector<16xf32>,
      %add3A_2168 = arith.addf %add3A_2163, %get3A_2167 : vector<16xf32>
      %add3A_2169 = arith.constant 64 : i32
      %add3A_2170 = arith.addi %mul3A_2148, %add3A_2169 : i32
      %get3A_2171 = arith.index_cast %add3A_2170 : i32 to index
      %get3A_2172 = tpu.vector_load %arg5[%get3A_2171] {strides = array<i32>} : memref<100000xf32, #tpu.memory_space<vmem>>, vector<16xf32>,
      %add3A_2173 = arith.addf %add3A_2168, %get3A_2172 : vector<16xf32>
      %add3A_2174 = arith.constant 80 : i32
      %add3A_2175 = arith.addi %mul3A_2148, %add3A_2174 : i32
      %get3A_2176 = arith.index_cast %add3A_2175 : i32 to index
      %get3A_2177 = tpu.vector_load %arg5[%get3A_2176] {strides = array<i32>} : memref<100000xf32, #tpu.memory_space<vmem>>, vector<16xf32>,
      %add3A_2178 = arith.addf %add3A_2173, %get3A_2177 : vector<16xf32>
      %add3A_2179 = arith.constant 96 : i32
      %add3A_2180 = arith.addi %mul3A_2148, %add3A_2179 : i32
      %get3A_2181 = arith.index_cast %add3A_2180 : i32 to index
      %get3A_2182 = tpu.vector_load %arg5[%get3A_2181] {strides = array<i32>} : memref<100000xf32, #tpu.memory_space<vmem>>, vector<16xf32>,
      %add3A_2183 = arith.addf %add3A_2178, %get3A_2182 : vector<16xf32>
      %add3A_2184 = arith.constant 112 : i32
      %add3A_2185 = arith.addi %mul3A_2148, %add3A_2184 : i32
      %get3A_2186 = arith.index_cast %add3A_2185 : i32 to index
      %get3A_2187 = tpu.vector_load %arg5[%get3A_2186] {strides = array<i32>} : memref<100000xf32, #tpu.memory_space<vmem>>, vector<16xf32>,
      %add3A_2188 = arith.addf %add3A_2183, %get3A_2187 : vector<16xf32>
      %add3A_2189 = arith.constant 128 : i32
      %add3A_2190 = arith.addi %mul3A_2148, %add3A_2189 : i32
      %get3A_2191 = arith.index_cast %add3A_2190 : i32 to index
      %get3A_2192 = tpu.vector_load %arg5[%get3A_2191] {strides = array<i32>} : memref<100000xf32, #tpu.memory_space<vmem>>, vector<16xf32>,
      %add3A_2193 = arith.addf %add3A_2188, %get3A_2192 : vector<16xf32>
      %add3A_2194 = arith.constant 144 : i32
      %add3A_2195 = arith.addi %mul3A_2148, %add3A_2194 : i32
      %get3A_2196 = arith.index_cast %add3A_2195 : i32 to index
      %get3A_2197 = tpu.vector_load %arg5[%get3A_2196] {strides = array<i32>} : memref<100000xf32, #tpu.memory_space<vmem>>, vector<16xf32>,
      %add3A_2198 = arith.addf %add3A_2193, %get3A_2197 : vector<16xf32>
      %reduce_sum3A_2199 = arith.constant true
      %reduce_sum3A_2200 = vector.broadcast %reduce_sum3A_2199 : i1 to vector<16xi1>
      %reduce_sum3A_2201 = tpu.scan <sum>, %add3A_2198 masked %reduce_sum3A_2200 : vector<16xf32>, vector<16xi1> -> vector<16xf32>
      %reduce_sum3A_2202 = vector.extract %reduce_sum3A_2201[15] : f32 from vector<16xf32>
      %add3A_2203 = arith.addf %scan3A_2144, %reduce_sum3A_2202 : f32
      %swap3A_2204 = arith.index_cast %scan3A_2143 : i32 to index
      %swap3A_2205 = memref.load %arg7[%swap3A_2204] : memref<640xf32, #tpu.memory_space<smem>>
      memref.store %add3A_2203, %arg7[%swap3A_2204] : memref<640xf32, #tpu.memory_space<smem>>
      %scan3A_2206 = arith.constant 1 : i32
      %scan3A_2207 = arith.addi %scan3A_2143, %scan3A_2206 : i32
      %broadcast_in_dim3A_2208 = arith.constant 0.000000e+00 : f32
      %broadcast_in_dim3A_2209 = vector.broadcast %broadcast_in_dim3A_2208 : f32 to vector<16xf32>
      %mul3A_2210 = arith.constant 160 : i32
      %mul3A_2211 = arith.muli %scan3A_2207, %mul3A_2210 : i32
      %add3A_2212 = arith.constant 0 : i32
      %add3A_2213 = arith.addi %mul3A_2211, %add3A_2212 : i32
      %get3A_2214 = arith.index_cast %add3A_2213 : i32 to index
      %get3A_2215 = tpu.vector_load %arg5[%get3A_2214] {strides = array<i32>} : memref<100000xf32, #tpu.memory_space<vmem>>, vector<16xf32>,
      %add3A_2216 = arith.addf %broadcast_in_dim3A_2209, %get3A_2215 : vector<16xf32>
      %add3A_2217 = arith.constant 16 : i32
      %add3A_2218 = arith.addi %mul3A_2211, %add3A_2217 : i32
      %get3A_2219 = arith.index_cast %add3A_2218 : i32 to index
      %get3A_2220 = tpu.vector_load %arg5[%get3A_2219] {strides = array<i32>} : memref<100000xf32, #tpu.memory_space<vmem>>, vector<16xf32>,
      %add3A_2221 = arith.addf %add3A_2216, %get3A_2220 : vector<16xf32>
      %add3A_2222 = arith.constant 32 : i32
      %add3A_2223 = arith.addi %mul3A_2211, %add3A_2222 : i32
      %get3A_2224 = arith.index_cast %add3A_2223 : i32 to index
      %get3A_2225 = tpu.vector_load %arg5[%get3A_2224] {strides = array<i32>} : memref<100000xf32, #tpu.memory_space<vmem>>, vector<16xf32>,
      %add3A_2226 = arith.addf %add3A_2221, %get3A_2225 : vector<16xf32>
      %add3A_2227 = arith.constant 48 : i32
      %add3A_2228 = arith.addi %mul3A_2211, %add3A_2227 : i32
      %get3A_2229 = arith.index_cast %add3A_2228 : i32 to index
      %get3A_2230 = tpu.vector_load %arg5[%get3A_2229] {strides = array<i32>} : memref<100000xf32, #tpu.memory_space<vmem>>, vector<16xf32>,
      %add3A_2231 = arith.addf %add3A_2226, %get3A_2230 : vector<16xf32>
      %add3A_2232 = arith.constant 64 : i32
      %add3A_2233 = arith.addi %mul3A_2211, %add3A_2232 : i32
      %get3A_2234 = arith.index_cast %add3A_2233 : i32 to index
      %get3A_2235 = tpu.vector_load %arg5[%get3A_2234] {strides = array<i32>} : memref<100000xf32, #tpu.memory_space<vmem>>, vector<16xf32>,
      %add3A_2236 = arith.addf %add3A_2231, %get3A_2235 : vector<16xf32>
      %add3A_2237 = arith.constant 80 : i32
      %add3A_2238 = arith.addi %mul3A_2211, %add3A_2237 : i32
      %get3A_2239 = arith.index_cast %add3A_2238 : i32 to index
      %get3A_2240 = tpu.vector_load %arg5[%get3A_2239] {strides = array<i32>} : memref<100000xf32, #tpu.memory_space<vmem>>, vector<16xf32>,
      %add3A_2241 = arith.addf %add3A_2236, %get3A_2240 : vector<16xf32>
      %add3A_2242 = arith.constant 96 : i32
      %add3A_2243 = arith.addi %mul3A_2211, %add3A_2242 : i32
      %get3A_2244 = arith.index_cast %add3A_2243 : i32 to index
      %get3A_2245 = tpu.vector_load %arg5[%get3A_2244] {strides = array<i32>} : memref<100000xf32, #tpu.memory_space<vmem>>, vector<16xf32>,
      %add3A_2246 = arith.addf %add3A_2241, %get3A_2245 : vector<16xf32>
      %add3A_2247 = arith.constant 112 : i32
      %add3A_2248 = arith.addi %mul3A_2211, %add3A_2247 : i32
      %get3A_2249 = arith.index_cast %add3A_2248 : i32 to index
      %get3A_2250 = tpu.vector_load %arg5[%get3A_2249] {strides = array<i32>} : memref<100000xf32, #tpu.memory_space<vmem>>, vector<16xf32>,
      %add3A_2251 = arith.addf %add3A_2246, %get3A_2250 : vector<16xf32>
      %add3A_2252 = arith.constant 128 : i32
      %add3A_2253 = arith.addi %mul3A_2211, %add3A_2252 : i32
      %get3A_2254 = arith.index_cast %add3A_2253 : i32 to index
      %get3A_2255 = tpu.vector_load %arg5[%get3A_2254] {strides = array<i32>} : memref<100000xf32, #tpu.memory_space<vmem>>, vector<16xf32>,
      %add3A_2256 = arith.addf %add3A_2251, %get3A_2255 : vector<16xf32>
      %add3A_2257 = arith.constant 144 : i32
      %add3A_2258 = arith.addi %mul3A_2211, %add3A_2257 : i32
      %get3A_2259 = arith.index_cast %add3A_2258 : i32 to index
      %get3A_2260 = tpu.vector_load %arg5[%get3A_2259] {strides = array<i32>} : memref<100000xf32, #tpu.memory_space<vmem>>, vector<16xf32>,
      %add3A_2261 = arith.addf %add3A_2256, %get3A_2260 : vector<16xf32>
      %reduce_sum3A_2262 = arith.constant true
      %reduce_sum3A_2263 = vector.broadcast %reduce_sum3A_2262 : i1 to vector<16xi1>
      %reduce_sum3A_2264 = tpu.scan <sum>, %add3A_2261 masked %reduce_sum3A_2263 : vector<16xf32>, vector<16xi1> -> vector<16xf32>
      %reduce_sum3A_2265 = vector.extract %reduce_sum3A_2264[15] : f32 from vector<16xf32>
      %add3A_2266 = arith.addf %add3A_2203, %reduce_sum3A_2265 : f32
      %swap3A_2267 = arith.index_cast %scan3A_2207 : i32 to index
      %swap3A_2268 = memref.load %arg7[%swap3A_2267] : memref<640xf32, #tpu.memory_space<smem>>
      memref.store %add3A_2266, %arg7[%swap3A_2267] : memref<640xf32, #tpu.memory_space<smem>>
      scf.yield %add3A_2266 : f32
    }
    %scan3A_6 = arith.constant 624 : i32
    %scan3A_7 = arith.addi %scan3A_1, %scan3A_6 : i32
    %broadcast_in_dim3A = arith.constant 0.000000e+00 : f32
    %broadcast_in_dim3A_8 = vector.broadcast %broadcast_in_dim3A : f32 to vector<16xf32>
    %mul3A_9 = arith.constant 160 : i32
    %mul3A_10 = arith.muli %scan3A_7, %mul3A_9 : i32
    %add3A_11 = arith.constant 0 : i32
    %add3A_12 = arith.addi %mul3A_10, %add3A_11 : i32
    %get3A = arith.index_cast %add3A_12 : i32 to index
    %get3A_13 = tpu.vector_load %arg5[%get3A] {strides = array<i32>} : memref<100000xf32, #tpu.memory_space<vmem>>, vector<16xf32>,
    %add3A_14 = arith.addf %broadcast_in_dim3A_8, %get3A_13 : vector<16xf32>
    %add3A_15 = arith.constant 16 : i32
    %add3A_16 = arith.addi %mul3A_10, %add3A_15 : i32
    %get3A_17 = arith.index_cast %add3A_16 : i32 to index
    %get3A_18 = tpu.vector_load %arg5[%get3A_17] {strides = array<i32>} : memref<100000xf32, #tpu.memory_space<vmem>>, vector<16xf32>,
    %add3A_19 = arith.addf %add3A_14, %get3A_18 : vector<16xf32>
    %add3A_20 = arith.constant 32 : i32
    %add3A_21 = arith.addi %mul3A_10, %add3A_20 : i32
    %get3A_22 = arith.index_cast %add3A_21 : i32 to index
    %get3A_23 = tpu.vector_load %arg5[%get3A_22] {strides = array<i32>} : memref<100000xf32, #tpu.memory_space<vmem>>, vector<16xf32>,
    %add3A_24 = arith.addf %add3A_19, %get3A_23 : vector<16xf32>
    %add3A_25 = arith.constant 48 : i32
    %add3A_26 = arith.addi %mul3A_10, %add3A_25 : i32
    %get3A_27 = arith.index_cast %add3A_26 : i32 to index
    %get3A_28 = tpu.vector_load %arg5[%get3A_27] {strides = array<i32>} : memref<100000xf32, #tpu.memory_space<vmem>>, vector<16xf32>,
    %add3A_29 = arith.addf %add3A_24, %get3A_28 : vector<16xf32>
    %add3A_30 = arith.constant 64 : i32
    %add3A_31 = arith.addi %mul3A_10, %add3A_30 : i32
    %get3A_32 = arith.index_cast %add3A_31 : i32 to index
    %get3A_33 = tpu.vector_load %arg5[%get3A_32] {strides = array<i32>} : memref<100000xf32, #tpu.memory_space<vmem>>, vector<16xf32>,
    %add3A_34 = arith.addf %add3A_29, %get3A_33 : vector<16xf32>
    %add3A_35 = arith.constant 80 : i32
    %add3A_36 = arith.addi %mul3A_10, %add3A_35 : i32
    %get3A_37 = arith.index_cast %add3A_36 : i32 to index
    %get3A_38 = tpu.vector_load %arg5[%get3A_37] {strides = array<i32>} : memref<100000xf32, #tpu.memory_space<vmem>>, vector<16xf32>,
    %add3A_39 = arith.addf %add3A_34, %get3A_38 : vector<16xf32>
    %add3A_40 = arith.constant 96 : i32
    %add3A_41 = arith.addi %mul3A_10, %add3A_40 : i32
    %get3A_42 = arith.index_cast %add3A_41 : i32 to index
    %get3A_43 = tpu.vector_load %arg5[%get3A_42] {strides = array<i32>} : memref<100000xf32, #tpu.memory_space<vmem>>, vector<16xf32>,
    %add3A_44 = arith.addf %add3A_39, %get3A_43 : vector<16xf32>
    %add3A_45 = arith.constant 112 : i32
    %add3A_46 = arith.addi %mul3A_10, %add3A_45 : i32
    %get3A_47 = arith.index_cast %add3A_46 : i32 to index
    %get3A_48 = tpu.vector_load %arg5[%get3A_47] {strides = array<i32>} : memref<100000xf32, #tpu.memory_space<vmem>>, vector<16xf32>,
    %add3A_49 = arith.addf %add3A_44, %get3A_48 : vector<16xf32>
    %add3A_50 = arith.constant 128 : i32
    %add3A_51 = arith.addi %mul3A_10, %add3A_50 : i32
    %get3A_52 = arith.index_cast %add3A_51 : i32 to index
    %get3A_53 = tpu.vector_load %arg5[%get3A_52] {strides = array<i32>} : memref<100000xf32, #tpu.memory_space<vmem>>, vector<16xf32>,
    %add3A_54 = arith.addf %add3A_49, %get3A_53 : vector<16xf32>
    %add3A_55 = arith.constant 144 : i32
    %add3A_56 = arith.addi %mul3A_10, %add3A_55 : i32
    %get3A_57 = arith.index_cast %add3A_56 : i32 to index
    %get3A_58 = tpu.vector_load %arg5[%get3A_57] {strides = array<i32>} : memref<100000xf32, #tpu.memory_space<vmem>>, vector<16xf32>,
    %add3A_59 = arith.addf %add3A_54, %get3A_58 : vector<16xf32>
    %reduce_sum3A = arith.constant true
    %reduce_sum3A_60 = vector.broadcast %reduce_sum3A : i1 to vector<16xi1>
    %reduce_sum3A_61 = tpu.scan <sum>, %add3A_59 masked %reduce_sum3A_60 : vector<16xf32>, vector<16xi1> -> vector<16xf32>
    %reduce_sum3A_62 = vector.extract %reduce_sum3A_61[15] : f32 from vector<16xf32>
    %add3A_63 = arith.addf %scan3A_5, %reduce_sum3A_62 : f32
    %swap3A = arith.index_cast %scan3A_7 : i32 to index
    %swap3A_64 = memref.load %arg7[%swap3A] : memref<640xf32, #tpu.memory_space<smem>>
    memref.store %add3A_63, %arg7[%swap3A] : memref<640xf32, #tpu.memory_space<smem>>
    %scan3A_65 = arith.constant 625 : i32
    %iota3A = tpu.iota {dimensions = array<i32: 0>} : vector<16xi32>
    %get3A_66 = arith.constant 0 : index
    %get3A_67 = tpu.vector_load %arg6[%get3A_66] {strides = array<i32>} : memref<16xf32, #tpu.memory_space<vmem>>, vector<16xf32>,
    %broadcast_in_dim3A_68 = arith.constant 0 : i32
    %broadcast_in_dim3A_69 = vector.broadcast %broadcast_in_dim3A_68 : i32 to vector<16xi32>
    %eq3A = arith.constant 0 : i32
    %eq3A_70 = vector.broadcast %eq3A : i32 to vector<16xi32>
    %eq3A_71 = arith.cmpi eq, %iota3A, %eq3A_70 : vector<16xi32>
    %jit3A = arith.constant 0.000000e+00 : f32
    %broadcast_in_dim3A_72 = vector.broadcast %jit3A : f32 to vector<16xf32>
    %select_n3A = arith.select %eq3A_71, %get3A_67, %broadcast_in_dim3A_72 : vector<16xi1>, vector<16xf32>
    %reduce_sum3A_73 = arith.constant true
    %reduce_sum3A_74 = vector.broadcast %reduce_sum3A_73 : i1 to vector<16xi1>
    %reduce_sum3A_75 = tpu.scan <sum>, %select_n3A masked %reduce_sum3A_74 : vector<16xf32>, vector<16xi1> -> vector<16xf32>
    %reduce_sum3A_76 = vector.extract %reduce_sum3A_75[15] : f32 from vector<16xf32>
    %mul3A_77 = arith.mulf %reduce_sum3A_76, %add3A_63 : f32
    %broadcast_in_dim3A_78 = vector.broadcast %mul3A_77 : f32 to vector<16xf32>
    %scan3A_79 = arith.constant 0 : i32
    %scan3A_80 = arith.constant 625 : i32
    %scan3A_81 = arith.constant 0 : i32
    %scan3A_82 = arith.constant 10 : i32
    %scan3A_83 = arith.addi %scan3A_81, %scan3A_82 : i32
    %scan3A_84 = arith.constant 1 : i32
    %scan3A_85:2 = scf.for %scan3A_2143 = %scan3A_81 to %scan3A_83 step %scan3A_84 iter_args(%scan3A_2144 = %scan3A_79, %scan3A_2145 = %scan3A_80) -> (i32, i32)  : i32 {
      %add3A_2146 = arith.addi %scan3A_2144, %scan3A_2145 : i32
      %shift_right_logical3A = arith.constant 1 : i32
      %shift_right_logical3A_2147 = arith.shrui %add3A_2146, %shift_right_logical3A : i32
      %min3A_2148 = arith.constant 624 : i32
      %min3A_2149 = arith.minsi %shift_right_logical3A_2147, %min3A_2148 : i32
      %get3A_2150 = arith.index_cast %min3A_2149 : i32 to index
      %get3A_2151 = memref.load %arg7[%get3A_2150] : memref<640xf32, #tpu.memory_space<smem>>
      %lt3A = arith.cmpi slt, %scan3A_2144, %scan3A_2145 : i32
      %le3A_2152 = arith.cmpf ole, %get3A_2151, %mul3A_77 : f32
      %and3A = arith.andi %le3A_2152, %lt3A : i1
      %add3A_2153 = arith.constant 1 : i32
      %add3A_2154 = arith.addi %shift_right_logical3A_2147, %add3A_2153 : i32
      %select_n3A_2155 = arith.select %and3A, %add3A_2154, %scan3A_2144 : i32
      %select_n3A_2156 = arith.select %lt3A, %shift_right_logical3A_2147, %scan3A_2145 : i32
      %select_n3A_2157 = arith.select %and3A, %scan3A_2145, %select_n3A_2156 : i32
      scf.yield %select_n3A_2155, %select_n3A_2157 : i32, i32
    }
    %scan3A_86 = arith.constant 10 : i32
    %gt3A = arith.constant 0 : i32
    %gt3A_87 = arith.cmpi sgt, %scan3A_85#0, %gt3A : i32
    %sub3A = arith.constant 1 : i32
    %sub3A_88 = arith.subi %scan3A_85#0, %sub3A : i32
    %max3A = arith.constant 0 : i32
    %max3A_89 = arith.maxsi %sub3A_88, %max3A : i32
    %get3A_90 = arith.index_cast %max3A_89 : i32 to index
    %get3A_91 = memref.load %arg7[%get3A_90] : memref<640xf32, #tpu.memory_space<smem>>
    %jit3A_92 = arith.constant 0.000000e+00 : f32
    %select_n3A_93 = arith.select %gt3A_87, %get3A_91, %jit3A_92 : f32
    %min3A = arith.constant 624 : i32
    %min3A_94 = arith.minsi %scan3A_85#0, %min3A : i32
    %mul3A_95 = arith.constant 160 : i32
    %mul3A_96 = arith.muli %min3A_94, %mul3A_95 : i32
    %broadcast_in_dim3A_97 = arith.constant 0 : i32
    %broadcast_in_dim3A_98 = vector.broadcast %broadcast_in_dim3A_97 : i32 to vector<16xi32>
    %add3A_99 = arith.constant 0 : i32
    %add3A_100 = arith.addi %mul3A_96, %add3A_99 : i32
    %get3A_101 = arith.index_cast %add3A_100 : i32 to index
    %get3A_102 = tpu.vector_load %arg5[%get3A_101] {strides = array<i32>} : memref<100000xf32, #tpu.memory_space<vmem>>, vector<16xf32>,
    %broadcast_in_dim3A_103 = arith.constant true
    %broadcast_in_dim3A_104 = vector.broadcast %broadcast_in_dim3A_103 : i1 to vector<16xi1>
    %masked_cumsum3A = tpu.scan <sum>, %get3A_102 masked %broadcast_in_dim3A_104 : vector<16xf32>, vector<16xi1> -> vector<16xf32>
    %add3A_105 = vector.broadcast %select_n3A_93 : f32 to vector<16xf32>
    %add3A_106 = arith.addf %masked_cumsum3A, %add3A_105 : vector<16xf32>
    %le3A = arith.cmpf ole, %add3A_106, %broadcast_in_dim3A_78 : vector<16xf32>
    %jit3A_107 = arith.constant 1 : i32
    %jit3A_108 = arith.constant 0 : i32
    %broadcast_in_dim3A_109 = vector.broadcast %jit3A_107 : i32 to vector<16xi32>
    %broadcast_in_dim3A_110 = vector.broadcast %jit3A_108 : i32 to vector<16xi32>
    %select_n3A_111 = arith.select %le3A, %broadcast_in_dim3A_109, %broadcast_in_dim3A_110 : vector<16xi1>, vector<16xi32>
    %add3A_112 = arith.addi %broadcast_in_dim3A_98, %select_n3A_111 : vector<16xi32>
    %reduce_sum3A_113 = arith.constant true
    %reduce_sum3A_114 = vector.broadcast %reduce_sum3A_113 : i1 to vector<16xi1>
    %reduce_sum3A_115 = tpu.scan <sum>, %get3A_102 masked %reduce_sum3A_114 : vector<16xf32>, vector<16xi1> -> vector<16xf32>
    %reduce_sum3A_116 = vector.extract %reduce_sum3A_115[15] : f32 from vector<16xf32>
    %add3A_117 = arith.addf %select_n3A_93, %reduce_sum3A_116 : f32
    %add3A_118 = arith.constant 16 : i32
    %add3A_119 = arith.addi %mul3A_96, %add3A_118 : i32
    %get3A_120 = arith.index_cast %add3A_119 : i32 to index
    %get3A_121 = tpu.vector_load %arg5[%get3A_120] {strides = array<i32>} : memref<100000xf32, #tpu.memory_space<vmem>>, vector<16xf32>,
    %broadcast_in_dim3A_122 = arith.constant true
    %broadcast_in_dim3A_123 = vector.broadcast %broadcast_in_dim3A_122 : i1 to vector<16xi1>
    %masked_cumsum3A_124 = tpu.scan <sum>, %get3A_121 masked %broadcast_in_dim3A_123 : vector<16xf32>, vector<16xi1> -> vector<16xf32>
    %add3A_125 = vector.broadcast %add3A_117 : f32 to vector<16xf32>
    %add3A_126 = arith.addf %masked_cumsum3A_124, %add3A_125 : vector<16xf32>
    %le3A_127 = arith.cmpf ole, %add3A_126, %broadcast_in_dim3A_78 : vector<16xf32>
    %jit3A_128 = arith.constant 1 : i32
    %jit3A_129 = arith.constant 0 : i32
    %broadcast_in_dim3A_130 = vector.broadcast %jit3A_128 : i32 to vector<16xi32>
    %broadcast_in_dim3A_131 = vector.broadcast %jit3A_129 : i32 to vector<16xi32>
    %select_n3A_132 = arith.select %le3A_127, %broadcast_in_dim3A_130, %broadcast_in_dim3A_131 : vector<16xi1>, vector<16xi32>
    %add3A_133 = arith.addi %add3A_112, %select_n3A_132 : vector<16xi32>
    %reduce_sum3A_134 = arith.constant true
    %reduce_sum3A_135 = vector.broadcast %reduce_sum3A_134 : i1 to vector<16xi1>
    %reduce_sum3A_136 = tpu.scan <sum>, %get3A_121 masked %reduce_sum3A_135 : vector<16xf32>, vector<16xi1> -> vector<16xf32>
    %reduce_sum3A_137 = vector.extract %reduce_sum3A_136[15] : f32 from vector<16xf32>
    %add3A_138 = arith.addf %add3A_117, %reduce_sum3A_137 : f32
    %add3A_139 = arith.constant 32 : i32
    %add3A_140 = arith.addi %mul3A_96, %add3A_139 : i32
    %get3A_141 = arith.index_cast %add3A_140 : i32 to index
    %get3A_142 = tpu.vector_load %arg5[%get3A_141] {strides = array<i32>} : memref<100000xf32, #tpu.memory_space<vmem>>, vector<16xf32>,
    %broadcast_in_dim3A_143 = arith.constant true
    %broadcast_in_dim3A_144 = vector.broadcast %broadcast_in_dim3A_143 : i1 to vector<16xi1>
    %masked_cumsum3A_145 = tpu.scan <sum>, %get3A_142 masked %broadcast_in_dim3A_144 : vector<16xf32>, vector<16xi1> -> vector<16xf32>
    %add3A_146 = vector.broadcast %add3A_138 : f32 to vector<16xf32>
    %add3A_147 = arith.addf %masked_cumsum3A_145, %add3A_146 : vector<16xf32>
    %le3A_148 = arith.cmpf ole, %add3A_147, %broadcast_in_dim3A_78 : vector<16xf32>
    %jit3A_149 = arith.constant 1 : i32
    %jit3A_150 = arith.constant 0 : i32
    %broadcast_in_dim3A_151 = vector.broadcast %jit3A_149 : i32 to vector<16xi32>
    %broadcast_in_dim3A_152 = vector.broadcast %jit3A_150 : i32 to vector<16xi32>
    %select_n3A_153 = arith.select %le3A_148, %broadcast_in_dim3A_151, %broadcast_in_dim3A_152 : vector<16xi1>, vector<16xi32>
    %add3A_154 = arith.addi %add3A_133, %select_n3A_153 : vector<16xi32>
    %reduce_sum3A_155 = arith.constant true
    %reduce_sum3A_156 = vector.broadcast %reduce_sum3A_155 : i1 to vector<16xi1>
    %reduce_sum3A_157 = tpu.scan <sum>, %get3A_142 masked %reduce_sum3A_156 : vector<16xf32>, vector<16xi1> -> vector<16xf32>
    %reduce_sum3A_158 = vector.extract %reduce_sum3A_157[15] : f32 from vector<16xf32>
    %add3A_159 = arith.addf %add3A_138, %reduce_sum3A_158 : f32
    %add3A_160 = arith.constant 48 : i32
    %add3A_161 = arith.addi %mul3A_96, %add3A_160 : i32
    %get3A_162 = arith.index_cast %add3A_161 : i32 to index
    %get3A_163 = tpu.vector_load %arg5[%get3A_162] {strides = array<i32>} : memref<100000xf32, #tpu.memory_space<vmem>>, vector<16xf32>,
    %broadcast_in_dim3A_164 = arith.constant true
    %broadcast_in_dim3A_165 = vector.broadcast %broadcast_in_dim3A_164 : i1 to vector<16xi1>
    %masked_cumsum3A_166 = tpu.scan <sum>, %get3A_163 masked %broadcast_in_dim3A_165 : vector<16xf32>, vector<16xi1> -> vector<16xf32>
    %add3A_167 = vector.broadcast %add3A_159 : f32 to vector<16xf32>
    %add3A_168 = arith.addf %masked_cumsum3A_166, %add3A_167 : vector<16xf32>
    %le3A_169 = arith.cmpf ole, %add3A_168, %broadcast_in_dim3A_78 : vector<16xf32>
    %jit3A_170 = arith.constant 1 : i32
    %jit3A_171 = arith.constant 0 : i32
    %broadcast_in_dim3A_172 = vector.broadcast %jit3A_170 : i32 to vector<16xi32>
    %broadcast_in_dim3A_173 = vector.broadcast %jit3A_171 : i32 to vector<16xi32>
    %select_n3A_174 = arith.select %le3A_169, %broadcast_in_dim3A_172, %broadcast_in_dim3A_173 : vector<16xi1>, vector<16xi32>
    %add3A_175 = arith.addi %add3A_154, %select_n3A_174 : vector<16xi32>
    %reduce_sum3A_176 = arith.constant true
    %reduce_sum3A_177 = vector.broadcast %reduce_sum3A_176 : i1 to vector<16xi1>
    %reduce_sum3A_178 = tpu.scan <sum>, %get3A_163 masked %reduce_sum3A_177 : vector<16xf32>, vector<16xi1> -> vector<16xf32>
    %reduce_sum3A_179 = vector.extract %reduce_sum3A_178[15] : f32 from vector<16xf32>
    %add3A_180 = arith.addf %add3A_159, %reduce_sum3A_179 : f32
    %add3A_181 = arith.constant 64 : i32
    %add3A_182 = arith.addi %mul3A_96, %add3A_181 : i32
    %get3A_183 = arith.index_cast %add3A_182 : i32 to index
    %get3A_184 = tpu.vector_load %arg5[%get3A_183] {strides = array<i32>} : memref<100000xf32, #tpu.memory_space<vmem>>, vector<16xf32>,
    %broadcast_in_dim3A_185 = arith.constant true
    %broadcast_in_dim3A_186 = vector.broadcast %broadcast_in_dim3A_185 : i1 to vector<16xi1>
    %masked_cumsum3A_187 = tpu.scan <sum>, %get3A_184 masked %broadcast_in_dim3A_186 : vector<16xf32>, vector<16xi1> -> vector<16xf32>
    %add3A_188 = vector.broadcast %add3A_180 : f32 to vector<16xf32>
    %add3A_189 = arith.addf %masked_cumsum3A_187, %add3A_188 : vector<16xf32>
    %le3A_190 = arith.cmpf ole, %add3A_189, %broadcast_in_dim3A_78 : vector<16xf32>
    %jit3A_191 = arith.constant 1 : i32
    %jit3A_192 = arith.constant 0 : i32
    %broadcast_in_dim3A_193 = vector.broadcast %jit3A_191 : i32 to vector<16xi32>
    %broadcast_in_dim3A_194 = vector.broadcast %jit3A_192 : i32 to vector<16xi32>
    %select_n3A_195 = arith.select %le3A_190, %broadcast_in_dim3A_193, %broadcast_in_dim3A_194 : vector<16xi1>, vector<16xi32>
    %add3A_196 = arith.addi %add3A_175, %select_n3A_195 : vector<16xi32>
    %reduce_sum3A_197 = arith.constant true
    %reduce_sum3A_198 = vector.broadcast %reduce_sum3A_197 : i1 to vector<16xi1>
    %reduce_sum3A_199 = tpu.scan <sum>, %get3A_184 masked %reduce_sum3A_198 : vector<16xf32>, vector<16xi1> -> vector<16xf32>
    %reduce_sum3A_200 = vector.extract %reduce_sum3A_199[15] : f32 from vector<16xf32>
    %add3A_201 = arith.addf %add3A_180, %reduce_sum3A_200 : f32
    %add3A_202 = arith.constant 80 : i32
    %add3A_203 = arith.addi %mul3A_96, %add3A_202 : i32
    %get3A_204 = arith.index_cast %add3A_203 : i32 to index
    %get3A_205 = tpu.vector_load %arg5[%get3A_204] {strides = array<i32>} : memref<100000xf32, #tpu.memory_space<vmem>>, vector<16xf32>,
    %broadcast_in_dim3A_206 = arith.constant true
    %broadcast_in_dim3A_207 = vector.broadcast %broadcast_in_dim3A_206 : i1 to vector<16xi1>
    %masked_cumsum3A_208 = tpu.scan <sum>, %get3A_205 masked %broadcast_in_dim3A_207 : vector<16xf32>, vector<16xi1> -> vector<16xf32>
    %add3A_209 = vector.broadcast %add3A_201 : f32 to vector<16xf32>
    %add3A_210 = arith.addf %masked_cumsum3A_208, %add3A_209 : vector<16xf32>
    %le3A_211 = arith.cmpf ole, %add3A_210, %broadcast_in_dim3A_78 : vector<16xf32>
    %jit3A_212 = arith.constant 1 : i32
    %jit3A_213 = arith.constant 0 : i32
    %broadcast_in_dim3A_214 = vector.broadcast %jit3A_212 : i32 to vector<16xi32>
    %broadcast_in_dim3A_215 = vector.broadcast %jit3A_213 : i32 to vector<16xi32>
    %select_n3A_216 = arith.select %le3A_211, %broadcast_in_dim3A_214, %broadcast_in_dim3A_215 : vector<16xi1>, vector<16xi32>
    %add3A_217 = arith.addi %add3A_196, %select_n3A_216 : vector<16xi32>
    %reduce_sum3A_218 = arith.constant true
    %reduce_sum3A_219 = vector.broadcast %reduce_sum3A_218 : i1 to vector<16xi1>
    %reduce_sum3A_220 = tpu.scan <sum>, %get3A_205 masked %reduce_sum3A_219 : vector<16xf32>, vector<16xi1> -> vector<16xf32>
    %reduce_sum3A_221 = vector.extract %reduce_sum3A_220[15] : f32 from vector<16xf32>
    %add3A_222 = arith.addf %add3A_201, %reduce_sum3A_221 : f32
    %add3A_223 = arith.constant 96 : i32
    %add3A_224 = arith.addi %mul3A_96, %add3A_223 : i32
    %get3A_225 = arith.index_cast %add3A_224 : i32 to index
    %get3A_226 = tpu.vector_load %arg5[%get3A_225] {strides = array<i32>} : memref<100000xf32, #tpu.memory_space<vmem>>, vector<16xf32>,
    %broadcast_in_dim3A_227 = arith.constant true
    %broadcast_in_dim3A_228 = vector.broadcast %broadcast_in_dim3A_227 : i1 to vector<16xi1>
    %masked_cumsum3A_229 = tpu.scan <sum>, %get3A_226 masked %broadcast_in_dim3A_228 : vector<16xf32>, vector<16xi1> -> vector<16xf32>
    %add3A_230 = vector.broadcast %add3A_222 : f32 to vector<16xf32>
    %add3A_231 = arith.addf %masked_cumsum3A_229, %add3A_230 : vector<16xf32>
    %le3A_232 = arith.cmpf ole, %add3A_231, %broadcast_in_dim3A_78 : vector<16xf32>
    %jit3A_233 = arith.constant 1 : i32
    %jit3A_234 = arith.constant 0 : i32
    %broadcast_in_dim3A_235 = vector.broadcast %jit3A_233 : i32 to vector<16xi32>
    %broadcast_in_dim3A_236 = vector.broadcast %jit3A_234 : i32 to vector<16xi32>
    %select_n3A_237 = arith.select %le3A_232, %broadcast_in_dim3A_235, %broadcast_in_dim3A_236 : vector<16xi1>, vector<16xi32>
    %add3A_238 = arith.addi %add3A_217, %select_n3A_237 : vector<16xi32>
    %reduce_sum3A_239 = arith.constant true
    %reduce_sum3A_240 = vector.broadcast %reduce_sum3A_239 : i1 to vector<16xi1>
    %reduce_sum3A_241 = tpu.scan <sum>, %get3A_226 masked %reduce_sum3A_240 : vector<16xf32>, vector<16xi1> -> vector<16xf32>
    %reduce_sum3A_242 = vector.extract %reduce_sum3A_241[15] : f32 from vector<16xf32>
    %add3A_243 = arith.addf %add3A_222, %reduce_sum3A_242 : f32
    %add3A_244 = arith.constant 112 : i32
    %add3A_245 = arith.addi %mul3A_96, %add3A_244 : i32
    %get3A_246 = arith.index_cast %add3A_245 : i32 to index
    %get3A_247 = tpu.vector_load %arg5[%get3A_246] {strides = array<i32>} : memref<100000xf32, #tpu.memory_space<vmem>>, vector<16xf32>,
    %broadcast_in_dim3A_248 = arith.constant true
    %broadcast_in_dim3A_249 = vector.broadcast %broadcast_in_dim3A_248 : i1 to vector<16xi1>
    %masked_cumsum3A_250 = tpu.scan <sum>, %get3A_247 masked %broadcast_in_dim3A_249 : vector<16xf32>, vector<16xi1> -> vector<16xf32>
    %add3A_251 = vector.broadcast %add3A_243 : f32 to vector<16xf32>
    %add3A_252 = arith.addf %masked_cumsum3A_250, %add3A_251 : vector<16xf32>
    %le3A_253 = arith.cmpf ole, %add3A_252, %broadcast_in_dim3A_78 : vector<16xf32>
    %jit3A_254 = arith.constant 1 : i32
    %jit3A_255 = arith.constant 0 : i32
    %broadcast_in_dim3A_256 = vector.broadcast %jit3A_254 : i32 to vector<16xi32>
    %broadcast_in_dim3A_257 = vector.broadcast %jit3A_255 : i32 to vector<16xi32>
    %select_n3A_258 = arith.select %le3A_253, %broadcast_in_dim3A_256, %broadcast_in_dim3A_257 : vector<16xi1>, vector<16xi32>
    %add3A_259 = arith.addi %add3A_238, %select_n3A_258 : vector<16xi32>
    %reduce_sum3A_260 = arith.constant true
    %reduce_sum3A_261 = vector.broadcast %reduce_sum3A_260 : i1 to vector<16xi1>
    %reduce_sum3A_262 = tpu.scan <sum>, %get3A_247 masked %reduce_sum3A_261 : vector<16xf32>, vector<16xi1> -> vector<16xf32>
    %reduce_sum3A_263 = vector.extract %reduce_sum3A_262[15] : f32 from vector<16xf32>
    %add3A_264 = arith.addf %add3A_243, %reduce_sum3A_263 : f32
    %add3A_265 = arith.constant 128 : i32
    %add3A_266 = arith.addi %mul3A_96, %add3A_265 : i32
    %get3A_267 = arith.index_cast %add3A_266 : i32 to index
    %get3A_268 = tpu.vector_load %arg5[%get3A_267] {strides = array<i32>} : memref<100000xf32, #tpu.memory_space<vmem>>, vector<16xf32>,
    %broadcast_in_dim3A_269 = arith.constant true
    %broadcast_in_dim3A_270 = vector.broadcast %broadcast_in_dim3A_269 : i1 to vector<16xi1>
    %masked_cumsum3A_271 = tpu.scan <sum>, %get3A_268 masked %broadcast_in_dim3A_270 : vector<16xf32>, vector<16xi1> -> vector<16xf32>
    %add3A_272 = vector.broadcast %add3A_264 : f32 to vector<16xf32>
    %add3A_273 = arith.addf %masked_cumsum3A_271, %add3A_272 : vector<16xf32>
    %le3A_274 = arith.cmpf ole, %add3A_273, %broadcast_in_dim3A_78 : vector<16xf32>
    %jit3A_275 = arith.constant 1 : i32
    %jit3A_276 = arith.constant 0 : i32
    %broadcast_in_dim3A_277 = vector.broadcast %jit3A_275 : i32 to vector<16xi32>
    %broadcast_in_dim3A_278 = vector.broadcast %jit3A_276 : i32 to vector<16xi32>
    %select_n3A_279 = arith.select %le3A_274, %broadcast_in_dim3A_277, %broadcast_in_dim3A_278 : vector<16xi1>, vector<16xi32>
    %add3A_280 = arith.addi %add3A_259, %select_n3A_279 : vector<16xi32>
    %reduce_sum3A_281 = arith.constant true
    %reduce_sum3A_282 = vector.broadcast %reduce_sum3A_281 : i1 to vector<16xi1>
    %reduce_sum3A_283 = tpu.scan <sum>, %get3A_268 masked %reduce_sum3A_282 : vector<16xf32>, vector<16xi1> -> vector<16xf32>
    %reduce_sum3A_284 = vector.extract %reduce_sum3A_283[15] : f32 from vector<16xf32>
    %add3A_285 = arith.addf %add3A_264, %reduce_sum3A_284 : f32
    %add3A_286 = arith.constant 144 : i32
    %add3A_287 = arith.addi %mul3A_96, %add3A_286 : i32
    %get3A_288 = arith.index_cast %add3A_287 : i32 to index
    %get3A_289 = tpu.vector_load %arg5[%get3A_288] {strides = array<i32>} : memref<100000xf32, #tpu.memory_space<vmem>>, vector<16xf32>,
    %broadcast_in_dim3A_290 = arith.constant true
    %broadcast_in_dim3A_291 = vector.broadcast %broadcast_in_dim3A_290 : i1 to vector<16xi1>
    %masked_cumsum3A_292 = tpu.scan <sum>, %get3A_289 masked %broadcast_in_dim3A_291 : vector<16xf32>, vector<16xi1> -> vector<16xf32>
    %add3A_293 = vector.broadcast %add3A_285 : f32 to vector<16xf32>
    %add3A_294 = arith.addf %masked_cumsum3A_292, %add3A_293 : vector<16xf32>
    %le3A_295 = arith.cmpf ole, %add3A_294, %broadcast_in_dim3A_78 : vector<16xf32>
    %jit3A_296 = arith.constant 1 : i32
    %jit3A_297 = arith.constant 0 : i32
    %broadcast_in_dim3A_298 = vector.broadcast %jit3A_296 : i32 to vector<16xi32>
    %broadcast_in_dim3A_299 = vector.broadcast %jit3A_297 : i32 to vector<16xi32>
    %select_n3A_300 = arith.select %le3A_295, %broadcast_in_dim3A_298, %broadcast_in_dim3A_299 : vector<16xi1>, vector<16xi32>
    %add3A_301 = arith.addi %add3A_280, %select_n3A_300 : vector<16xi32>
    %reduce_sum3A_302 = arith.constant true
    %reduce_sum3A_303 = vector.broadcast %reduce_sum3A_302 : i1 to vector<16xi1>
    %reduce_sum3A_304 = tpu.scan <sum>, %get3A_289 masked %reduce_sum3A_303 : vector<16xf32>, vector<16xi1> -> vector<16xf32>
    %reduce_sum3A_305 = vector.extract %reduce_sum3A_304[15] : f32 from vector<16xf32>
    %add3A_306 = arith.addf %add3A_285, %reduce_sum3A_305 : f32
    %mul3A_307 = arith.constant 160 : i32
    %mul3A_308 = arith.muli %scan3A_85#0, %mul3A_307 : i32
    %reduce_sum3A_309 = arith.constant true
    %reduce_sum3A_310 = vector.broadcast %reduce_sum3A_309 : i1 to vector<16xi1>
    %reduce_sum3A_311 = tpu.scan <sum>, %add3A_301 masked %reduce_sum3A_310 : vector<16xi32>, vector<16xi1> -> vector<16xi32>
    %reduce_sum3A_312 = vector.extract %reduce_sum3A_311[15] : i32 from vector<16xi32>
    %add3A_313 = arith.addi %mul3A_308, %reduce_sum3A_312 : i32
    %min3A_314 = arith.constant 99999 : i32
    %min3A_315 = arith.minsi %add3A_313, %min3A_314 : i32
    %eq3A_316 = arith.constant 0 : i32
    %eq3A_317 = vector.broadcast %eq3A_316 : i32 to vector<16xi32>
    %eq3A_318 = arith.cmpi eq, %iota3A, %eq3A_317 : vector<16xi32>
    %broadcast_in_dim3A_319 = vector.broadcast %min3A_315 : i32 to vector<16xi32>
    %select_n3A_320 = arith.select %eq3A_318, %broadcast_in_dim3A_319, %broadcast_in_dim3A_69 : vector<16xi1>, vector<16xi32>
    %eq3A_321 = arith.constant 1 : i32
    %eq3A_322 = vector.broadcast %eq3A_321 : i32 to vector<16xi32>
    %eq3A_323 = arith.cmpi eq, %iota3A, %eq3A_322 : vector<16xi32>
    %jit3A_324 = arith.constant 0.000000e+00 : f32
    %broadcast_in_dim3A_325 = vector.broadcast %jit3A_324 : f32 to vector<16xf32>
    %select_n3A_326 = arith.select %eq3A_323, %get3A_67, %broadcast_in_dim3A_325 : vector<16xi1>, vector<16xf32>
    %reduce_sum3A_327 = arith.constant true
    %reduce_sum3A_328 = vector.broadcast %reduce_sum3A_327 : i1 to vector<16xi1>
    %reduce_sum3A_329 = tpu.scan <sum>, %select_n3A_326 masked %reduce_sum3A_328 : vector<16xf32>, vector<16xi1> -> vector<16xf32>
    %reduce_sum3A_330 = vector.extract %reduce_sum3A_329[15] : f32 from vector<16xf32>
    %mul3A_331 = arith.mulf %reduce_sum3A_330, %add3A_63 : f32
    %broadcast_in_dim3A_332 = vector.broadcast %mul3A_331 : f32 to vector<16xf32>
    %scan3A_333 = arith.constant 0 : i32
    %scan3A_334 = arith.constant 625 : i32
    %scan3A_335 = arith.constant 0 : i32
    %scan3A_336 = arith.constant 10 : i32
    %scan3A_337 = arith.addi %scan3A_335, %scan3A_336 : i32
    %scan3A_338 = arith.constant 1 : i32
    %scan3A_339:2 = scf.for %scan3A_2143 = %scan3A_335 to %scan3A_337 step %scan3A_338 iter_args(%scan3A_2144 = %scan3A_333, %scan3A_2145 = %scan3A_334) -> (i32, i32)  : i32 {
      %add3A_2146 = arith.addi %scan3A_2144, %scan3A_2145 : i32
      %shift_right_logical3A = arith.constant 1 : i32
      %shift_right_logical3A_2147 = arith.shrui %add3A_2146, %shift_right_logical3A : i32
      %min3A_2148 = arith.constant 624 : i32
      %min3A_2149 = arith.minsi %shift_right_logical3A_2147, %min3A_2148 : i32
      %get3A_2150 = arith.index_cast %min3A_2149 : i32 to index
      %get3A_2151 = memref.load %arg7[%get3A_2150] : memref<640xf32, #tpu.memory_space<smem>>
      %lt3A = arith.cmpi slt, %scan3A_2144, %scan3A_2145 : i32
      %le3A_2152 = arith.cmpf ole, %get3A_2151, %mul3A_331 : f32
      %and3A = arith.andi %le3A_2152, %lt3A : i1
      %add3A_2153 = arith.constant 1 : i32
      %add3A_2154 = arith.addi %shift_right_logical3A_2147, %add3A_2153 : i32
      %select_n3A_2155 = arith.select %and3A, %add3A_2154, %scan3A_2144 : i32
      %select_n3A_2156 = arith.select %lt3A, %shift_right_logical3A_2147, %scan3A_2145 : i32
      %select_n3A_2157 = arith.select %and3A, %scan3A_2145, %select_n3A_2156 : i32
      scf.yield %select_n3A_2155, %select_n3A_2157 : i32, i32
    }
    %scan3A_340 = arith.constant 10 : i32
    %gt3A_341 = arith.constant 0 : i32
    %gt3A_342 = arith.cmpi sgt, %scan3A_339#0, %gt3A_341 : i32
    %sub3A_343 = arith.constant 1 : i32
    %sub3A_344 = arith.subi %scan3A_339#0, %sub3A_343 : i32
    %max3A_345 = arith.constant 0 : i32
    %max3A_346 = arith.maxsi %sub3A_344, %max3A_345 : i32
    %get3A_347 = arith.index_cast %max3A_346 : i32 to index
    %get3A_348 = memref.load %arg7[%get3A_347] : memref<640xf32, #tpu.memory_space<smem>>
    %jit3A_349 = arith.constant 0.000000e+00 : f32
    %select_n3A_350 = arith.select %gt3A_342, %get3A_348, %jit3A_349 : f32
    %min3A_351 = arith.constant 624 : i32
    %min3A_352 = arith.minsi %scan3A_339#0, %min3A_351 : i32
    %mul3A_353 = arith.constant 160 : i32
    %mul3A_354 = arith.muli %min3A_352, %mul3A_353 : i32
    %broadcast_in_dim3A_355 = arith.constant 0 : i32
    %broadcast_in_dim3A_356 = vector.broadcast %broadcast_in_dim3A_355 : i32 to vector<16xi32>
    %add3A_357 = arith.constant 0 : i32
    %add3A_358 = arith.addi %mul3A_354, %add3A_357 : i32
    %get3A_359 = arith.index_cast %add3A_358 : i32 to index
    %get3A_360 = tpu.vector_load %arg5[%get3A_359] {strides = array<i32>} : memref<100000xf32, #tpu.memory_space<vmem>>, vector<16xf32>,
    %broadcast_in_dim3A_361 = arith.constant true
    %broadcast_in_dim3A_362 = vector.broadcast %broadcast_in_dim3A_361 : i1 to vector<16xi1>
    %masked_cumsum3A_363 = tpu.scan <sum>, %get3A_360 masked %broadcast_in_dim3A_362 : vector<16xf32>, vector<16xi1> -> vector<16xf32>
    %add3A_364 = vector.broadcast %select_n3A_350 : f32 to vector<16xf32>
    %add3A_365 = arith.addf %masked_cumsum3A_363, %add3A_364 : vector<16xf32>
    %le3A_366 = arith.cmpf ole, %add3A_365, %broadcast_in_dim3A_332 : vector<16xf32>
    %jit3A_367 = arith.constant 1 : i32
    %jit3A_368 = arith.constant 0 : i32
    %broadcast_in_dim3A_369 = vector.broadcast %jit3A_367 : i32 to vector<16xi32>
    %broadcast_in_dim3A_370 = vector.broadcast %jit3A_368 : i32 to vector<16xi32>
    %select_n3A_371 = arith.select %le3A_366, %broadcast_in_dim3A_369, %broadcast_in_dim3A_370 : vector<16xi1>, vector<16xi32>
    %add3A_372 = arith.addi %broadcast_in_dim3A_356, %select_n3A_371 : vector<16xi32>
    %reduce_sum3A_373 = arith.constant true
    %reduce_sum3A_374 = vector.broadcast %reduce_sum3A_373 : i1 to vector<16xi1>
    %reduce_sum3A_375 = tpu.scan <sum>, %get3A_360 masked %reduce_sum3A_374 : vector<16xf32>, vector<16xi1> -> vector<16xf32>
    %reduce_sum3A_376 = vector.extract %reduce_sum3A_375[15] : f32 from vector<16xf32>
    %add3A_377 = arith.addf %select_n3A_350, %reduce_sum3A_376 : f32
    %add3A_378 = arith.constant 16 : i32
    %add3A_379 = arith.addi %mul3A_354, %add3A_378 : i32
    %get3A_380 = arith.index_cast %add3A_379 : i32 to index
    %get3A_381 = tpu.vector_load %arg5[%get3A_380] {strides = array<i32>} : memref<100000xf32, #tpu.memory_space<vmem>>, vector<16xf32>,
    %broadcast_in_dim3A_382 = arith.constant true
    %broadcast_in_dim3A_383 = vector.broadcast %broadcast_in_dim3A_382 : i1 to vector<16xi1>
    %masked_cumsum3A_384 = tpu.scan <sum>, %get3A_381 masked %broadcast_in_dim3A_383 : vector<16xf32>, vector<16xi1> -> vector<16xf32>
    %add3A_385 = vector.broadcast %add3A_377 : f32 to vector<16xf32>
    %add3A_386 = arith.addf %masked_cumsum3A_384, %add3A_385 : vector<16xf32>
    %le3A_387 = arith.cmpf ole, %add3A_386, %broadcast_in_dim3A_332 : vector<16xf32>
    %jit3A_388 = arith.constant 1 : i32
    %jit3A_389 = arith.constant 0 : i32
    %broadcast_in_dim3A_390 = vector.broadcast %jit3A_388 : i32 to vector<16xi32>
    %broadcast_in_dim3A_391 = vector.broadcast %jit3A_389 : i32 to vector<16xi32>
    %select_n3A_392 = arith.select %le3A_387, %broadcast_in_dim3A_390, %broadcast_in_dim3A_391 : vector<16xi1>, vector<16xi32>
    %add3A_393 = arith.addi %add3A_372, %select_n3A_392 : vector<16xi32>
    %reduce_sum3A_394 = arith.constant true
    %reduce_sum3A_395 = vector.broadcast %reduce_sum3A_394 : i1 to vector<16xi1>
    %reduce_sum3A_396 = tpu.scan <sum>, %get3A_381 masked %reduce_sum3A_395 : vector<16xf32>, vector<16xi1> -> vector<16xf32>
    %reduce_sum3A_397 = vector.extract %reduce_sum3A_396[15] : f32 from vector<16xf32>
    %add3A_398 = arith.addf %add3A_377, %reduce_sum3A_397 : f32
    %add3A_399 = arith.constant 32 : i32
    %add3A_400 = arith.addi %mul3A_354, %add3A_399 : i32
    %get3A_401 = arith.index_cast %add3A_400 : i32 to index
    %get3A_402 = tpu.vector_load %arg5[%get3A_401] {strides = array<i32>} : memref<100000xf32, #tpu.memory_space<vmem>>, vector<16xf32>,
    %broadcast_in_dim3A_403 = arith.constant true
    %broadcast_in_dim3A_404 = vector.broadcast %broadcast_in_dim3A_403 : i1 to vector<16xi1>
    %masked_cumsum3A_405 = tpu.scan <sum>, %get3A_402 masked %broadcast_in_dim3A_404 : vector<16xf32>, vector<16xi1> -> vector<16xf32>
    %add3A_406 = vector.broadcast %add3A_398 : f32 to vector<16xf32>
    %add3A_407 = arith.addf %masked_cumsum3A_405, %add3A_406 : vector<16xf32>
    %le3A_408 = arith.cmpf ole, %add3A_407, %broadcast_in_dim3A_332 : vector<16xf32>
    %jit3A_409 = arith.constant 1 : i32
    %jit3A_410 = arith.constant 0 : i32
    %broadcast_in_dim3A_411 = vector.broadcast %jit3A_409 : i32 to vector<16xi32>
    %broadcast_in_dim3A_412 = vector.broadcast %jit3A_410 : i32 to vector<16xi32>
    %select_n3A_413 = arith.select %le3A_408, %broadcast_in_dim3A_411, %broadcast_in_dim3A_412 : vector<16xi1>, vector<16xi32>
    %add3A_414 = arith.addi %add3A_393, %select_n3A_413 : vector<16xi32>
    %reduce_sum3A_415 = arith.constant true
    %reduce_sum3A_416 = vector.broadcast %reduce_sum3A_415 : i1 to vector<16xi1>
    %reduce_sum3A_417 = tpu.scan <sum>, %get3A_402 masked %reduce_sum3A_416 : vector<16xf32>, vector<16xi1> -> vector<16xf32>
    %reduce_sum3A_418 = vector.extract %reduce_sum3A_417[15] : f32 from vector<16xf32>
    %add3A_419 = arith.addf %add3A_398, %reduce_sum3A_418 : f32
    %add3A_420 = arith.constant 48 : i32
    %add3A_421 = arith.addi %mul3A_354, %add3A_420 : i32
    %get3A_422 = arith.index_cast %add3A_421 : i32 to index
    %get3A_423 = tpu.vector_load %arg5[%get3A_422] {strides = array<i32>} : memref<100000xf32, #tpu.memory_space<vmem>>, vector<16xf32>,
    %broadcast_in_dim3A_424 = arith.constant true
    %broadcast_in_dim3A_425 = vector.broadcast %broadcast_in_dim3A_424 : i1 to vector<16xi1>
    %masked_cumsum3A_426 = tpu.scan <sum>, %get3A_423 masked %broadcast_in_dim3A_425 : vector<16xf32>, vector<16xi1> -> vector<16xf32>
    %add3A_427 = vector.broadcast %add3A_419 : f32 to vector<16xf32>
    %add3A_428 = arith.addf %masked_cumsum3A_426, %add3A_427 : vector<16xf32>
    %le3A_429 = arith.cmpf ole, %add3A_428, %broadcast_in_dim3A_332 : vector<16xf32>
    %jit3A_430 = arith.constant 1 : i32
    %jit3A_431 = arith.constant 0 : i32
    %broadcast_in_dim3A_432 = vector.broadcast %jit3A_430 : i32 to vector<16xi32>
    %broadcast_in_dim3A_433 = vector.broadcast %jit3A_431 : i32 to vector<16xi32>
    %select_n3A_434 = arith.select %le3A_429, %broadcast_in_dim3A_432, %broadcast_in_dim3A_433 : vector<16xi1>, vector<16xi32>
    %add3A_435 = arith.addi %add3A_414, %select_n3A_434 : vector<16xi32>
    %reduce_sum3A_436 = arith.constant true
    %reduce_sum3A_437 = vector.broadcast %reduce_sum3A_436 : i1 to vector<16xi1>
    %reduce_sum3A_438 = tpu.scan <sum>, %get3A_423 masked %reduce_sum3A_437 : vector<16xf32>, vector<16xi1> -> vector<16xf32>
    %reduce_sum3A_439 = vector.extract %reduce_sum3A_438[15] : f32 from vector<16xf32>
    %add3A_440 = arith.addf %add3A_419, %reduce_sum3A_439 : f32
    %add3A_441 = arith.constant 64 : i32
    %add3A_442 = arith.addi %mul3A_354, %add3A_441 : i32
    %get3A_443 = arith.index_cast %add3A_442 : i32 to index
    %get3A_444 = tpu.vector_load %arg5[%get3A_443] {strides = array<i32>} : memref<100000xf32, #tpu.memory_space<vmem>>, vector<16xf32>,
    %broadcast_in_dim3A_445 = arith.constant true
    %broadcast_in_dim3A_446 = vector.broadcast %broadcast_in_dim3A_445 : i1 to vector<16xi1>
    %masked_cumsum3A_447 = tpu.scan <sum>, %get3A_444 masked %broadcast_in_dim3A_446 : vector<16xf32>, vector<16xi1> -> vector<16xf32>
    %add3A_448 = vector.broadcast %add3A_440 : f32 to vector<16xf32>
    %add3A_449 = arith.addf %masked_cumsum3A_447, %add3A_448 : vector<16xf32>
    %le3A_450 = arith.cmpf ole, %add3A_449, %broadcast_in_dim3A_332 : vector<16xf32>
    %jit3A_451 = arith.constant 1 : i32
    %jit3A_452 = arith.constant 0 : i32
    %broadcast_in_dim3A_453 = vector.broadcast %jit3A_451 : i32 to vector<16xi32>
    %broadcast_in_dim3A_454 = vector.broadcast %jit3A_452 : i32 to vector<16xi32>
    %select_n3A_455 = arith.select %le3A_450, %broadcast_in_dim3A_453, %broadcast_in_dim3A_454 : vector<16xi1>, vector<16xi32>
    %add3A_456 = arith.addi %add3A_435, %select_n3A_455 : vector<16xi32>
    %reduce_sum3A_457 = arith.constant true
    %reduce_sum3A_458 = vector.broadcast %reduce_sum3A_457 : i1 to vector<16xi1>
    %reduce_sum3A_459 = tpu.scan <sum>, %get3A_444 masked %reduce_sum3A_458 : vector<16xf32>, vector<16xi1> -> vector<16xf32>
    %reduce_sum3A_460 = vector.extract %reduce_sum3A_459[15] : f32 from vector<16xf32>
    %add3A_461 = arith.addf %add3A_440, %reduce_sum3A_460 : f32
    %add3A_462 = arith.constant 80 : i32
    %add3A_463 = arith.addi %mul3A_354, %add3A_462 : i32
    %get3A_464 = arith.index_cast %add3A_463 : i32 to index
    %get3A_465 = tpu.vector_load %arg5[%get3A_464] {strides = array<i32>} : memref<100000xf32, #tpu.memory_space<vmem>>, vector<16xf32>,
    %broadcast_in_dim3A_466 = arith.constant true
    %broadcast_in_dim3A_467 = vector.broadcast %broadcast_in_dim3A_466 : i1 to vector<16xi1>
    %masked_cumsum3A_468 = tpu.scan <sum>, %get3A_465 masked %broadcast_in_dim3A_467 : vector<16xf32>, vector<16xi1> -> vector<16xf32>
    %add3A_469 = vector.broadcast %add3A_461 : f32 to vector<16xf32>
    %add3A_470 = arith.addf %masked_cumsum3A_468, %add3A_469 : vector<16xf32>
    %le3A_471 = arith.cmpf ole, %add3A_470, %broadcast_in_dim3A_332 : vector<16xf32>
    %jit3A_472 = arith.constant 1 : i32
    %jit3A_473 = arith.constant 0 : i32
    %broadcast_in_dim3A_474 = vector.broadcast %jit3A_472 : i32 to vector<16xi32>
    %broadcast_in_dim3A_475 = vector.broadcast %jit3A_473 : i32 to vector<16xi32>
    %select_n3A_476 = arith.select %le3A_471, %broadcast_in_dim3A_474, %broadcast_in_dim3A_475 : vector<16xi1>, vector<16xi32>
    %add3A_477 = arith.addi %add3A_456, %select_n3A_476 : vector<16xi32>
    %reduce_sum3A_478 = arith.constant true
    %reduce_sum3A_479 = vector.broadcast %reduce_sum3A_478 : i1 to vector<16xi1>
    %reduce_sum3A_480 = tpu.scan <sum>, %get3A_465 masked %reduce_sum3A_479 : vector<16xf32>, vector<16xi1> -> vector<16xf32>
    %reduce_sum3A_481 = vector.extract %reduce_sum3A_480[15] : f32 from vector<16xf32>
    %add3A_482 = arith.addf %add3A_461, %reduce_sum3A_481 : f32
    %add3A_483 = arith.constant 96 : i32
    %add3A_484 = arith.addi %mul3A_354, %add3A_483 : i32
    %get3A_485 = arith.index_cast %add3A_484 : i32 to index
    %get3A_486 = tpu.vector_load %arg5[%get3A_485] {strides = array<i32>} : memref<100000xf32, #tpu.memory_space<vmem>>, vector<16xf32>,
    %broadcast_in_dim3A_487 = arith.constant true
    %broadcast_in_dim3A_488 = vector.broadcast %broadcast_in_dim3A_487 : i1 to vector<16xi1>
    %masked_cumsum3A_489 = tpu.scan <sum>, %get3A_486 masked %broadcast_in_dim3A_488 : vector<16xf32>, vector<16xi1> -> vector<16xf32>
    %add3A_490 = vector.broadcast %add3A_482 : f32 to vector<16xf32>
    %add3A_491 = arith.addf %masked_cumsum3A_489, %add3A_490 : vector<16xf32>
    %le3A_492 = arith.cmpf ole, %add3A_491, %broadcast_in_dim3A_332 : vector<16xf32>
    %jit3A_493 = arith.constant 1 : i32
    %jit3A_494 = arith.constant 0 : i32
    %broadcast_in_dim3A_495 = vector.broadcast %jit3A_493 : i32 to vector<16xi32>
    %broadcast_in_dim3A_496 = vector.broadcast %jit3A_494 : i32 to vector<16xi32>
    %select_n3A_497 = arith.select %le3A_492, %broadcast_in_dim3A_495, %broadcast_in_dim3A_496 : vector<16xi1>, vector<16xi32>
    %add3A_498 = arith.addi %add3A_477, %select_n3A_497 : vector<16xi32>
    %reduce_sum3A_499 = arith.constant true
    %reduce_sum3A_500 = vector.broadcast %reduce_sum3A_499 : i1 to vector<16xi1>
    %reduce_sum3A_501 = tpu.scan <sum>, %get3A_486 masked %reduce_sum3A_500 : vector<16xf32>, vector<16xi1> -> vector<16xf32>
    %reduce_sum3A_502 = vector.extract %reduce_sum3A_501[15] : f32 from vector<16xf32>
    %add3A_503 = arith.addf %add3A_482, %reduce_sum3A_502 : f32
    %add3A_504 = arith.constant 112 : i32
    %add3A_505 = arith.addi %mul3A_354, %add3A_504 : i32
    %get3A_506 = arith.index_cast %add3A_505 : i32 to index
    %get3A_507 = tpu.vector_load %arg5[%get3A_506] {strides = array<i32>} : memref<100000xf32, #tpu.memory_space<vmem>>, vector<16xf32>,
    %broadcast_in_dim3A_508 = arith.constant true
    %broadcast_in_dim3A_509 = vector.broadcast %broadcast_in_dim3A_508 : i1 to vector<16xi1>
    %masked_cumsum3A_510 = tpu.scan <sum>, %get3A_507 masked %broadcast_in_dim3A_509 : vector<16xf32>, vector<16xi1> -> vector<16xf32>
    %add3A_511 = vector.broadcast %add3A_503 : f32 to vector<16xf32>
    %add3A_512 = arith.addf %masked_cumsum3A_510, %add3A_511 : vector<16xf32>
    %le3A_513 = arith.cmpf ole, %add3A_512, %broadcast_in_dim3A_332 : vector<16xf32>
    %jit3A_514 = arith.constant 1 : i32
    %jit3A_515 = arith.constant 0 : i32
    %broadcast_in_dim3A_516 = vector.broadcast %jit3A_514 : i32 to vector<16xi32>
    %broadcast_in_dim3A_517 = vector.broadcast %jit3A_515 : i32 to vector<16xi32>
    %select_n3A_518 = arith.select %le3A_513, %broadcast_in_dim3A_516, %broadcast_in_dim3A_517 : vector<16xi1>, vector<16xi32>
    %add3A_519 = arith.addi %add3A_498, %select_n3A_518 : vector<16xi32>
    %reduce_sum3A_520 = arith.constant true
    %reduce_sum3A_521 = vector.broadcast %reduce_sum3A_520 : i1 to vector<16xi1>
    %reduce_sum3A_522 = tpu.scan <sum>, %get3A_507 masked %reduce_sum3A_521 : vector<16xf32>, vector<16xi1> -> vector<16xf32>
    %reduce_sum3A_523 = vector.extract %reduce_sum3A_522[15] : f32 from vector<16xf32>
    %add3A_524 = arith.addf %add3A_503, %reduce_sum3A_523 : f32
    %add3A_525 = arith.constant 128 : i32
    %add3A_526 = arith.addi %mul3A_354, %add3A_525 : i32
    %get3A_527 = arith.index_cast %add3A_526 : i32 to index
    %get3A_528 = tpu.vector_load %arg5[%get3A_527] {strides = array<i32>} : memref<100000xf32, #tpu.memory_space<vmem>>, vector<16xf32>,
    %broadcast_in_dim3A_529 = arith.constant true
    %broadcast_in_dim3A_530 = vector.broadcast %broadcast_in_dim3A_529 : i1 to vector<16xi1>
    %masked_cumsum3A_531 = tpu.scan <sum>, %get3A_528 masked %broadcast_in_dim3A_530 : vector<16xf32>, vector<16xi1> -> vector<16xf32>
    %add3A_532 = vector.broadcast %add3A_524 : f32 to vector<16xf32>
    %add3A_533 = arith.addf %masked_cumsum3A_531, %add3A_532 : vector<16xf32>
    %le3A_534 = arith.cmpf ole, %add3A_533, %broadcast_in_dim3A_332 : vector<16xf32>
    %jit3A_535 = arith.constant 1 : i32
    %jit3A_536 = arith.constant 0 : i32
    %broadcast_in_dim3A_537 = vector.broadcast %jit3A_535 : i32 to vector<16xi32>
    %broadcast_in_dim3A_538 = vector.broadcast %jit3A_536 : i32 to vector<16xi32>
    %select_n3A_539 = arith.select %le3A_534, %broadcast_in_dim3A_537, %broadcast_in_dim3A_538 : vector<16xi1>, vector<16xi32>
    %add3A_540 = arith.addi %add3A_519, %select_n3A_539 : vector<16xi32>
    %reduce_sum3A_541 = arith.constant true
    %reduce_sum3A_542 = vector.broadcast %reduce_sum3A_541 : i1 to vector<16xi1>
    %reduce_sum3A_543 = tpu.scan <sum>, %get3A_528 masked %reduce_sum3A_542 : vector<16xf32>, vector<16xi1> -> vector<16xf32>
    %reduce_sum3A_544 = vector.extract %reduce_sum3A_543[15] : f32 from vector<16xf32>
    %add3A_545 = arith.addf %add3A_524, %reduce_sum3A_544 : f32
    %add3A_546 = arith.constant 144 : i32
    %add3A_547 = arith.addi %mul3A_354, %add3A_546 : i32
    %get3A_548 = arith.index_cast %add3A_547 : i32 to index
    %get3A_549 = tpu.vector_load %arg5[%get3A_548] {strides = array<i32>} : memref<100000xf32, #tpu.memory_space<vmem>>, vector<16xf32>,
    %broadcast_in_dim3A_550 = arith.constant true
    %broadcast_in_dim3A_551 = vector.broadcast %broadcast_in_dim3A_550 : i1 to vector<16xi1>
    %masked_cumsum3A_552 = tpu.scan <sum>, %get3A_549 masked %broadcast_in_dim3A_551 : vector<16xf32>, vector<16xi1> -> vector<16xf32>
    %add3A_553 = vector.broadcast %add3A_545 : f32 to vector<16xf32>
    %add3A_554 = arith.addf %masked_cumsum3A_552, %add3A_553 : vector<16xf32>
    %le3A_555 = arith.cmpf ole, %add3A_554, %broadcast_in_dim3A_332 : vector<16xf32>
    %jit3A_556 = arith.constant 1 : i32
    %jit3A_557 = arith.constant 0 : i32
    %broadcast_in_dim3A_558 = vector.broadcast %jit3A_556 : i32 to vector<16xi32>
    %broadcast_in_dim3A_559 = vector.broadcast %jit3A_557 : i32 to vector<16xi32>
    %select_n3A_560 = arith.select %le3A_555, %broadcast_in_dim3A_558, %broadcast_in_dim3A_559 : vector<16xi1>, vector<16xi32>
    %add3A_561 = arith.addi %add3A_540, %select_n3A_560 : vector<16xi32>
    %reduce_sum3A_562 = arith.constant true
    %reduce_sum3A_563 = vector.broadcast %reduce_sum3A_562 : i1 to vector<16xi1>
    %reduce_sum3A_564 = tpu.scan <sum>, %get3A_549 masked %reduce_sum3A_563 : vector<16xf32>, vector<16xi1> -> vector<16xf32>
    %reduce_sum3A_565 = vector.extract %reduce_sum3A_564[15] : f32 from vector<16xf32>
    %add3A_566 = arith.addf %add3A_545, %reduce_sum3A_565 : f32
    %mul3A_567 = arith.constant 160 : i32
    %mul3A_568 = arith.muli %scan3A_339#0, %mul3A_567 : i32
    %reduce_sum3A_569 = arith.constant true
    %reduce_sum3A_570 = vector.broadcast %reduce_sum3A_569 : i1 to vector<16xi1>
    %reduce_sum3A_571 = tpu.scan <sum>, %add3A_561 masked %reduce_sum3A_570 : vector<16xi32>, vector<16xi1> -> vector<16xi32>
    %reduce_sum3A_572 = vector.extract %reduce_sum3A_571[15] : i32 from vector<16xi32>
    %add3A_573 = arith.addi %mul3A_568, %reduce_sum3A_572 : i32
    %min3A_574 = arith.constant 99999 : i32
    %min3A_575 = arith.minsi %add3A_573, %min3A_574 : i32
    %eq3A_576 = arith.constant 1 : i32
    %eq3A_577 = vector.broadcast %eq3A_576 : i32 to vector<16xi32>
    %eq3A_578 = arith.cmpi eq, %iota3A, %eq3A_577 : vector<16xi32>
    %broadcast_in_dim3A_579 = vector.broadcast %min3A_575 : i32 to vector<16xi32>
    %select_n3A_580 = arith.select %eq3A_578, %broadcast_in_dim3A_579, %select_n3A_320 : vector<16xi1>, vector<16xi32>
    %eq3A_581 = arith.constant 2 : i32
    %eq3A_582 = vector.broadcast %eq3A_581 : i32 to vector<16xi32>
    %eq3A_583 = arith.cmpi eq, %iota3A, %eq3A_582 : vector<16xi32>
    %jit3A_584 = arith.constant 0.000000e+00 : f32
    %broadcast_in_dim3A_585 = vector.broadcast %jit3A_584 : f32 to vector<16xf32>
    %select_n3A_586 = arith.select %eq3A_583, %get3A_67, %broadcast_in_dim3A_585 : vector<16xi1>, vector<16xf32>
    %reduce_sum3A_587 = arith.constant true
    %reduce_sum3A_588 = vector.broadcast %reduce_sum3A_587 : i1 to vector<16xi1>
    %reduce_sum3A_589 = tpu.scan <sum>, %select_n3A_586 masked %reduce_sum3A_588 : vector<16xf32>, vector<16xi1> -> vector<16xf32>
    %reduce_sum3A_590 = vector.extract %reduce_sum3A_589[15] : f32 from vector<16xf32>
    %mul3A_591 = arith.mulf %reduce_sum3A_590, %add3A_63 : f32
    %broadcast_in_dim3A_592 = vector.broadcast %mul3A_591 : f32 to vector<16xf32>
    %scan3A_593 = arith.constant 0 : i32
    %scan3A_594 = arith.constant 625 : i32
    %scan3A_595 = arith.constant 0 : i32
    %scan3A_596 = arith.constant 10 : i32
    %scan3A_597 = arith.addi %scan3A_595, %scan3A_596 : i32
    %scan3A_598 = arith.constant 1 : i32
    %scan3A_599:2 = scf.for %scan3A_2143 = %scan3A_595 to %scan3A_597 step %scan3A_598 iter_args(%scan3A_2144 = %scan3A_593, %scan3A_2145 = %scan3A_594) -> (i32, i32)  : i32 {
      %add3A_2146 = arith.addi %scan3A_2144, %scan3A_2145 : i32
      %shift_right_logical3A = arith.constant 1 : i32
      %shift_right_logical3A_2147 = arith.shrui %add3A_2146, %shift_right_logical3A : i32
      %min3A_2148 = arith.constant 624 : i32
      %min3A_2149 = arith.minsi %shift_right_logical3A_2147, %min3A_2148 : i32
      %get3A_2150 = arith.index_cast %min3A_2149 : i32 to index
      %get3A_2151 = memref.load %arg7[%get3A_2150] : memref<640xf32, #tpu.memory_space<smem>>
      %lt3A = arith.cmpi slt, %scan3A_2144, %scan3A_2145 : i32
      %le3A_2152 = arith.cmpf ole, %get3A_2151, %mul3A_591 : f32
      %and3A = arith.andi %le3A_2152, %lt3A : i1
      %add3A_2153 = arith.constant 1 : i32
      %add3A_2154 = arith.addi %shift_right_logical3A_2147, %add3A_2153 : i32
      %select_n3A_2155 = arith.select %and3A, %add3A_2154, %scan3A_2144 : i32
      %select_n3A_2156 = arith.select %lt3A, %shift_right_logical3A_2147, %scan3A_2145 : i32
      %select_n3A_2157 = arith.select %and3A, %scan3A_2145, %select_n3A_2156 : i32
      scf.yield %select_n3A_2155, %select_n3A_2157 : i32, i32
    }
    %scan3A_600 = arith.constant 10 : i32
    %gt3A_601 = arith.constant 0 : i32
    %gt3A_602 = arith.cmpi sgt, %scan3A_599#0, %gt3A_601 : i32
    %sub3A_603 = arith.constant 1 : i32
    %sub3A_604 = arith.subi %scan3A_599#0, %sub3A_603 : i32
    %max3A_605 = arith.constant 0 : i32
    %max3A_606 = arith.maxsi %sub3A_604, %max3A_605 : i32
    %get3A_607 = arith.index_cast %max3A_606 : i32 to index
    %get3A_608 = memref.load %arg7[%get3A_607] : memref<640xf32, #tpu.memory_space<smem>>
    %jit3A_609 = arith.constant 0.000000e+00 : f32
    %select_n3A_610 = arith.select %gt3A_602, %get3A_608, %jit3A_609 : f32
    %min3A_611 = arith.constant 624 : i32
    %min3A_612 = arith.minsi %scan3A_599#0, %min3A_611 : i32
    %mul3A_613 = arith.constant 160 : i32
    %mul3A_614 = arith.muli %min3A_612, %mul3A_613 : i32
    %broadcast_in_dim3A_615 = arith.constant 0 : i32
    %broadcast_in_dim3A_616 = vector.broadcast %broadcast_in_dim3A_615 : i32 to vector<16xi32>
    %add3A_617 = arith.constant 0 : i32
    %add3A_618 = arith.addi %mul3A_614, %add3A_617 : i32
    %get3A_619 = arith.index_cast %add3A_618 : i32 to index
    %get3A_620 = tpu.vector_load %arg5[%get3A_619] {strides = array<i32>} : memref<100000xf32, #tpu.memory_space<vmem>>, vector<16xf32>,
    %broadcast_in_dim3A_621 = arith.constant true
    %broadcast_in_dim3A_622 = vector.broadcast %broadcast_in_dim3A_621 : i1 to vector<16xi1>
    %masked_cumsum3A_623 = tpu.scan <sum>, %get3A_620 masked %broadcast_in_dim3A_622 : vector<16xf32>, vector<16xi1> -> vector<16xf32>
    %add3A_624 = vector.broadcast %select_n3A_610 : f32 to vector<16xf32>
    %add3A_625 = arith.addf %masked_cumsum3A_623, %add3A_624 : vector<16xf32>
    %le3A_626 = arith.cmpf ole, %add3A_625, %broadcast_in_dim3A_592 : vector<16xf32>
    %jit3A_627 = arith.constant 1 : i32
    %jit3A_628 = arith.constant 0 : i32
    %broadcast_in_dim3A_629 = vector.broadcast %jit3A_627 : i32 to vector<16xi32>
    %broadcast_in_dim3A_630 = vector.broadcast %jit3A_628 : i32 to vector<16xi32>
    %select_n3A_631 = arith.select %le3A_626, %broadcast_in_dim3A_629, %broadcast_in_dim3A_630 : vector<16xi1>, vector<16xi32>
    %add3A_632 = arith.addi %broadcast_in_dim3A_616, %select_n3A_631 : vector<16xi32>
    %reduce_sum3A_633 = arith.constant true
    %reduce_sum3A_634 = vector.broadcast %reduce_sum3A_633 : i1 to vector<16xi1>
    %reduce_sum3A_635 = tpu.scan <sum>, %get3A_620 masked %reduce_sum3A_634 : vector<16xf32>, vector<16xi1> -> vector<16xf32>
    %reduce_sum3A_636 = vector.extract %reduce_sum3A_635[15] : f32 from vector<16xf32>
    %add3A_637 = arith.addf %select_n3A_610, %reduce_sum3A_636 : f32
    %add3A_638 = arith.constant 16 : i32
    %add3A_639 = arith.addi %mul3A_614, %add3A_638 : i32
    %get3A_640 = arith.index_cast %add3A_639 : i32 to index
    %get3A_641 = tpu.vector_load %arg5[%get3A_640] {strides = array<i32>} : memref<100000xf32, #tpu.memory_space<vmem>>, vector<16xf32>,
    %broadcast_in_dim3A_642 = arith.constant true
    %broadcast_in_dim3A_643 = vector.broadcast %broadcast_in_dim3A_642 : i1 to vector<16xi1>
    %masked_cumsum3A_644 = tpu.scan <sum>, %get3A_641 masked %broadcast_in_dim3A_643 : vector<16xf32>, vector<16xi1> -> vector<16xf32>
    %add3A_645 = vector.broadcast %add3A_637 : f32 to vector<16xf32>
    %add3A_646 = arith.addf %masked_cumsum3A_644, %add3A_645 : vector<16xf32>
    %le3A_647 = arith.cmpf ole, %add3A_646, %broadcast_in_dim3A_592 : vector<16xf32>
    %jit3A_648 = arith.constant 1 : i32
    %jit3A_649 = arith.constant 0 : i32
    %broadcast_in_dim3A_650 = vector.broadcast %jit3A_648 : i32 to vector<16xi32>
    %broadcast_in_dim3A_651 = vector.broadcast %jit3A_649 : i32 to vector<16xi32>
    %select_n3A_652 = arith.select %le3A_647, %broadcast_in_dim3A_650, %broadcast_in_dim3A_651 : vector<16xi1>, vector<16xi32>
    %add3A_653 = arith.addi %add3A_632, %select_n3A_652 : vector<16xi32>
    %reduce_sum3A_654 = arith.constant true
    %reduce_sum3A_655 = vector.broadcast %reduce_sum3A_654 : i1 to vector<16xi1>
    %reduce_sum3A_656 = tpu.scan <sum>, %get3A_641 masked %reduce_sum3A_655 : vector<16xf32>, vector<16xi1> -> vector<16xf32>
    %reduce_sum3A_657 = vector.extract %reduce_sum3A_656[15] : f32 from vector<16xf32>
    %add3A_658 = arith.addf %add3A_637, %reduce_sum3A_657 : f32
    %add3A_659 = arith.constant 32 : i32
    %add3A_660 = arith.addi %mul3A_614, %add3A_659 : i32
    %get3A_661 = arith.index_cast %add3A_660 : i32 to index
    %get3A_662 = tpu.vector_load %arg5[%get3A_661] {strides = array<i32>} : memref<100000xf32, #tpu.memory_space<vmem>>, vector<16xf32>,
    %broadcast_in_dim3A_663 = arith.constant true
    %broadcast_in_dim3A_664 = vector.broadcast %broadcast_in_dim3A_663 : i1 to vector<16xi1>
    %masked_cumsum3A_665 = tpu.scan <sum>, %get3A_662 masked %broadcast_in_dim3A_664 : vector<16xf32>, vector<16xi1> -> vector<16xf32>
    %add3A_666 = vector.broadcast %add3A_658 : f32 to vector<16xf32>
    %add3A_667 = arith.addf %masked_cumsum3A_665, %add3A_666 : vector<16xf32>
    %le3A_668 = arith.cmpf ole, %add3A_667, %broadcast_in_dim3A_592 : vector<16xf32>
    %jit3A_669 = arith.constant 1 : i32
    %jit3A_670 = arith.constant 0 : i32
    %broadcast_in_dim3A_671 = vector.broadcast %jit3A_669 : i32 to vector<16xi32>
    %broadcast_in_dim3A_672 = vector.broadcast %jit3A_670 : i32 to vector<16xi32>
    %select_n3A_673 = arith.select %le3A_668, %broadcast_in_dim3A_671, %broadcast_in_dim3A_672 : vector<16xi1>, vector<16xi32>
    %add3A_674 = arith.addi %add3A_653, %select_n3A_673 : vector<16xi32>
    %reduce_sum3A_675 = arith.constant true
    %reduce_sum3A_676 = vector.broadcast %reduce_sum3A_675 : i1 to vector<16xi1>
    %reduce_sum3A_677 = tpu.scan <sum>, %get3A_662 masked %reduce_sum3A_676 : vector<16xf32>, vector<16xi1> -> vector<16xf32>
    %reduce_sum3A_678 = vector.extract %reduce_sum3A_677[15] : f32 from vector<16xf32>
    %add3A_679 = arith.addf %add3A_658, %reduce_sum3A_678 : f32
    %add3A_680 = arith.constant 48 : i32
    %add3A_681 = arith.addi %mul3A_614, %add3A_680 : i32
    %get3A_682 = arith.index_cast %add3A_681 : i32 to index
    %get3A_683 = tpu.vector_load %arg5[%get3A_682] {strides = array<i32>} : memref<100000xf32, #tpu.memory_space<vmem>>, vector<16xf32>,
    %broadcast_in_dim3A_684 = arith.constant true
    %broadcast_in_dim3A_685 = vector.broadcast %broadcast_in_dim3A_684 : i1 to vector<16xi1>
    %masked_cumsum3A_686 = tpu.scan <sum>, %get3A_683 masked %broadcast_in_dim3A_685 : vector<16xf32>, vector<16xi1> -> vector<16xf32>
    %add3A_687 = vector.broadcast %add3A_679 : f32 to vector<16xf32>
    %add3A_688 = arith.addf %masked_cumsum3A_686, %add3A_687 : vector<16xf32>
    %le3A_689 = arith.cmpf ole, %add3A_688, %broadcast_in_dim3A_592 : vector<16xf32>
    %jit3A_690 = arith.constant 1 : i32
    %jit3A_691 = arith.constant 0 : i32
    %broadcast_in_dim3A_692 = vector.broadcast %jit3A_690 : i32 to vector<16xi32>
    %broadcast_in_dim3A_693 = vector.broadcast %jit3A_691 : i32 to vector<16xi32>
    %select_n3A_694 = arith.select %le3A_689, %broadcast_in_dim3A_692, %broadcast_in_dim3A_693 : vector<16xi1>, vector<16xi32>
    %add3A_695 = arith.addi %add3A_674, %select_n3A_694 : vector<16xi32>
    %reduce_sum3A_696 = arith.constant true
    %reduce_sum3A_697 = vector.broadcast %reduce_sum3A_696 : i1 to vector<16xi1>
    %reduce_sum3A_698 = tpu.scan <sum>, %get3A_683 masked %reduce_sum3A_697 : vector<16xf32>, vector<16xi1> -> vector<16xf32>
    %reduce_sum3A_699 = vector.extract %reduce_sum3A_698[15] : f32 from vector<16xf32>
    %add3A_700 = arith.addf %add3A_679, %reduce_sum3A_699 : f32
    %add3A_701 = arith.constant 64 : i32
    %add3A_702 = arith.addi %mul3A_614, %add3A_701 : i32
    %get3A_703 = arith.index_cast %add3A_702 : i32 to index
    %get3A_704 = tpu.vector_load %arg5[%get3A_703] {strides = array<i32>} : memref<100000xf32, #tpu.memory_space<vmem>>, vector<16xf32>,
    %broadcast_in_dim3A_705 = arith.constant true
    %broadcast_in_dim3A_706 = vector.broadcast %broadcast_in_dim3A_705 : i1 to vector<16xi1>
    %masked_cumsum3A_707 = tpu.scan <sum>, %get3A_704 masked %broadcast_in_dim3A_706 : vector<16xf32>, vector<16xi1> -> vector<16xf32>
    %add3A_708 = vector.broadcast %add3A_700 : f32 to vector<16xf32>
    %add3A_709 = arith.addf %masked_cumsum3A_707, %add3A_708 : vector<16xf32>
    %le3A_710 = arith.cmpf ole, %add3A_709, %broadcast_in_dim3A_592 : vector<16xf32>
    %jit3A_711 = arith.constant 1 : i32
    %jit3A_712 = arith.constant 0 : i32
    %broadcast_in_dim3A_713 = vector.broadcast %jit3A_711 : i32 to vector<16xi32>
    %broadcast_in_dim3A_714 = vector.broadcast %jit3A_712 : i32 to vector<16xi32>
    %select_n3A_715 = arith.select %le3A_710, %broadcast_in_dim3A_713, %broadcast_in_dim3A_714 : vector<16xi1>, vector<16xi32>
    %add3A_716 = arith.addi %add3A_695, %select_n3A_715 : vector<16xi32>
    %reduce_sum3A_717 = arith.constant true
    %reduce_sum3A_718 = vector.broadcast %reduce_sum3A_717 : i1 to vector<16xi1>
    %reduce_sum3A_719 = tpu.scan <sum>, %get3A_704 masked %reduce_sum3A_718 : vector<16xf32>, vector<16xi1> -> vector<16xf32>
    %reduce_sum3A_720 = vector.extract %reduce_sum3A_719[15] : f32 from vector<16xf32>
    %add3A_721 = arith.addf %add3A_700, %reduce_sum3A_720 : f32
    %add3A_722 = arith.constant 80 : i32
    %add3A_723 = arith.addi %mul3A_614, %add3A_722 : i32
    %get3A_724 = arith.index_cast %add3A_723 : i32 to index
    %get3A_725 = tpu.vector_load %arg5[%get3A_724] {strides = array<i32>} : memref<100000xf32, #tpu.memory_space<vmem>>, vector<16xf32>,
    %broadcast_in_dim3A_726 = arith.constant true
    %broadcast_in_dim3A_727 = vector.broadcast %broadcast_in_dim3A_726 : i1 to vector<16xi1>
    %masked_cumsum3A_728 = tpu.scan <sum>, %get3A_725 masked %broadcast_in_dim3A_727 : vector<16xf32>, vector<16xi1> -> vector<16xf32>
    %add3A_729 = vector.broadcast %add3A_721 : f32 to vector<16xf32>
    %add3A_730 = arith.addf %masked_cumsum3A_728, %add3A_729 : vector<16xf32>
    %le3A_731 = arith.cmpf ole, %add3A_730, %broadcast_in_dim3A_592 : vector<16xf32>
    %jit3A_732 = arith.constant 1 : i32
    %jit3A_733 = arith.constant 0 : i32
    %broadcast_in_dim3A_734 = vector.broadcast %jit3A_732 : i32 to vector<16xi32>
    %broadcast_in_dim3A_735 = vector.broadcast %jit3A_733 : i32 to vector<16xi32>
    %select_n3A_736 = arith.select %le3A_731, %broadcast_in_dim3A_734, %broadcast_in_dim3A_735 : vector<16xi1>, vector<16xi32>
    %add3A_737 = arith.addi %add3A_716, %select_n3A_736 : vector<16xi32>
    %reduce_sum3A_738 = arith.constant true
    %reduce_sum3A_739 = vector.broadcast %reduce_sum3A_738 : i1 to vector<16xi1>
    %reduce_sum3A_740 = tpu.scan <sum>, %get3A_725 masked %reduce_sum3A_739 : vector<16xf32>, vector<16xi1> -> vector<16xf32>
    %reduce_sum3A_741 = vector.extract %reduce_sum3A_740[15] : f32 from vector<16xf32>
    %add3A_742 = arith.addf %add3A_721, %reduce_sum3A_741 : f32
    %add3A_743 = arith.constant 96 : i32
    %add3A_744 = arith.addi %mul3A_614, %add3A_743 : i32
    %get3A_745 = arith.index_cast %add3A_744 : i32 to index
    %get3A_746 = tpu.vector_load %arg5[%get3A_745] {strides = array<i32>} : memref<100000xf32, #tpu.memory_space<vmem>>, vector<16xf32>,
    %broadcast_in_dim3A_747 = arith.constant true
    %broadcast_in_dim3A_748 = vector.broadcast %broadcast_in_dim3A_747 : i1 to vector<16xi1>
    %masked_cumsum3A_749 = tpu.scan <sum>, %get3A_746 masked %broadcast_in_dim3A_748 : vector<16xf32>, vector<16xi1> -> vector<16xf32>
    %add3A_750 = vector.broadcast %add3A_742 : f32 to vector<16xf32>
    %add3A_751 = arith.addf %masked_cumsum3A_749, %add3A_750 : vector<16xf32>
    %le3A_752 = arith.cmpf ole, %add3A_751, %broadcast_in_dim3A_592 : vector<16xf32>
    %jit3A_753 = arith.constant 1 : i32
    %jit3A_754 = arith.constant 0 : i32
    %broadcast_in_dim3A_755 = vector.broadcast %jit3A_753 : i32 to vector<16xi32>
    %broadcast_in_dim3A_756 = vector.broadcast %jit3A_754 : i32 to vector<16xi32>
    %select_n3A_757 = arith.select %le3A_752, %broadcast_in_dim3A_755, %broadcast_in_dim3A_756 : vector<16xi1>, vector<16xi32>
    %add3A_758 = arith.addi %add3A_737, %select_n3A_757 : vector<16xi32>
    %reduce_sum3A_759 = arith.constant true
    %reduce_sum3A_760 = vector.broadcast %reduce_sum3A_759 : i1 to vector<16xi1>
    %reduce_sum3A_761 = tpu.scan <sum>, %get3A_746 masked %reduce_sum3A_760 : vector<16xf32>, vector<16xi1> -> vector<16xf32>
    %reduce_sum3A_762 = vector.extract %reduce_sum3A_761[15] : f32 from vector<16xf32>
    %add3A_763 = arith.addf %add3A_742, %reduce_sum3A_762 : f32
    %add3A_764 = arith.constant 112 : i32
    %add3A_765 = arith.addi %mul3A_614, %add3A_764 : i32
    %get3A_766 = arith.index_cast %add3A_765 : i32 to index
    %get3A_767 = tpu.vector_load %arg5[%get3A_766] {strides = array<i32>} : memref<100000xf32, #tpu.memory_space<vmem>>, vector<16xf32>,
    %broadcast_in_dim3A_768 = arith.constant true
    %broadcast_in_dim3A_769 = vector.broadcast %broadcast_in_dim3A_768 : i1 to vector<16xi1>
    %masked_cumsum3A_770 = tpu.scan <sum>, %get3A_767 masked %broadcast_in_dim3A_769 : vector<16xf32>, vector<16xi1> -> vector<16xf32>
    %add3A_771 = vector.broadcast %add3A_763 : f32 to vector<16xf32>
    %add3A_772 = arith.addf %masked_cumsum3A_770, %add3A_771 : vector<16xf32>
    %le3A_773 = arith.cmpf ole, %add3A_772, %broadcast_in_dim3A_592 : vector<16xf32>
    %jit3A_774 = arith.constant 1 : i32
    %jit3A_775 = arith.constant 0 : i32
    %broadcast_in_dim3A_776 = vector.broadcast %jit3A_774 : i32 to vector<16xi32>
    %broadcast_in_dim3A_777 = vector.broadcast %jit3A_775 : i32 to vector<16xi32>
    %select_n3A_778 = arith.select %le3A_773, %broadcast_in_dim3A_776, %broadcast_in_dim3A_777 : vector<16xi1>, vector<16xi32>
    %add3A_779 = arith.addi %add3A_758, %select_n3A_778 : vector<16xi32>
    %reduce_sum3A_780 = arith.constant true
    %reduce_sum3A_781 = vector.broadcast %reduce_sum3A_780 : i1 to vector<16xi1>
    %reduce_sum3A_782 = tpu.scan <sum>, %get3A_767 masked %reduce_sum3A_781 : vector<16xf32>, vector<16xi1> -> vector<16xf32>
    %reduce_sum3A_783 = vector.extract %reduce_sum3A_782[15] : f32 from vector<16xf32>
    %add3A_784 = arith.addf %add3A_763, %reduce_sum3A_783 : f32
    %add3A_785 = arith.constant 128 : i32
    %add3A_786 = arith.addi %mul3A_614, %add3A_785 : i32
    %get3A_787 = arith.index_cast %add3A_786 : i32 to index
    %get3A_788 = tpu.vector_load %arg5[%get3A_787] {strides = array<i32>} : memref<100000xf32, #tpu.memory_space<vmem>>, vector<16xf32>,
    %broadcast_in_dim3A_789 = arith.constant true
    %broadcast_in_dim3A_790 = vector.broadcast %broadcast_in_dim3A_789 : i1 to vector<16xi1>
    %masked_cumsum3A_791 = tpu.scan <sum>, %get3A_788 masked %broadcast_in_dim3A_790 : vector<16xf32>, vector<16xi1> -> vector<16xf32>
    %add3A_792 = vector.broadcast %add3A_784 : f32 to vector<16xf32>
    %add3A_793 = arith.addf %masked_cumsum3A_791, %add3A_792 : vector<16xf32>
    %le3A_794 = arith.cmpf ole, %add3A_793, %broadcast_in_dim3A_592 : vector<16xf32>
    %jit3A_795 = arith.constant 1 : i32
    %jit3A_796 = arith.constant 0 : i32
    %broadcast_in_dim3A_797 = vector.broadcast %jit3A_795 : i32 to vector<16xi32>
    %broadcast_in_dim3A_798 = vector.broadcast %jit3A_796 : i32 to vector<16xi32>
    %select_n3A_799 = arith.select %le3A_794, %broadcast_in_dim3A_797, %broadcast_in_dim3A_798 : vector<16xi1>, vector<16xi32>
    %add3A_800 = arith.addi %add3A_779, %select_n3A_799 : vector<16xi32>
    %reduce_sum3A_801 = arith.constant true
    %reduce_sum3A_802 = vector.broadcast %reduce_sum3A_801 : i1 to vector<16xi1>
    %reduce_sum3A_803 = tpu.scan <sum>, %get3A_788 masked %reduce_sum3A_802 : vector<16xf32>, vector<16xi1> -> vector<16xf32>
    %reduce_sum3A_804 = vector.extract %reduce_sum3A_803[15] : f32 from vector<16xf32>
    %add3A_805 = arith.addf %add3A_784, %reduce_sum3A_804 : f32
    %add3A_806 = arith.constant 144 : i32
    %add3A_807 = arith.addi %mul3A_614, %add3A_806 : i32
    %get3A_808 = arith.index_cast %add3A_807 : i32 to index
    %get3A_809 = tpu.vector_load %arg5[%get3A_808] {strides = array<i32>} : memref<100000xf32, #tpu.memory_space<vmem>>, vector<16xf32>,
    %broadcast_in_dim3A_810 = arith.constant true
    %broadcast_in_dim3A_811 = vector.broadcast %broadcast_in_dim3A_810 : i1 to vector<16xi1>
    %masked_cumsum3A_812 = tpu.scan <sum>, %get3A_809 masked %broadcast_in_dim3A_811 : vector<16xf32>, vector<16xi1> -> vector<16xf32>
    %add3A_813 = vector.broadcast %add3A_805 : f32 to vector<16xf32>
    %add3A_814 = arith.addf %masked_cumsum3A_812, %add3A_813 : vector<16xf32>
    %le3A_815 = arith.cmpf ole, %add3A_814, %broadcast_in_dim3A_592 : vector<16xf32>
    %jit3A_816 = arith.constant 1 : i32
    %jit3A_817 = arith.constant 0 : i32
    %broadcast_in_dim3A_818 = vector.broadcast %jit3A_816 : i32 to vector<16xi32>
    %broadcast_in_dim3A_819 = vector.broadcast %jit3A_817 : i32 to vector<16xi32>
    %select_n3A_820 = arith.select %le3A_815, %broadcast_in_dim3A_818, %broadcast_in_dim3A_819 : vector<16xi1>, vector<16xi32>
    %add3A_821 = arith.addi %add3A_800, %select_n3A_820 : vector<16xi32>
    %reduce_sum3A_822 = arith.constant true
    %reduce_sum3A_823 = vector.broadcast %reduce_sum3A_822 : i1 to vector<16xi1>
    %reduce_sum3A_824 = tpu.scan <sum>, %get3A_809 masked %reduce_sum3A_823 : vector<16xf32>, vector<16xi1> -> vector<16xf32>
    %reduce_sum3A_825 = vector.extract %reduce_sum3A_824[15] : f32 from vector<16xf32>
    %add3A_826 = arith.addf %add3A_805, %reduce_sum3A_825 : f32
    %mul3A_827 = arith.constant 160 : i32
    %mul3A_828 = arith.muli %scan3A_599#0, %mul3A_827 : i32
    %reduce_sum3A_829 = arith.constant true
    %reduce_sum3A_830 = vector.broadcast %reduce_sum3A_829 : i1 to vector<16xi1>
    %reduce_sum3A_831 = tpu.scan <sum>, %add3A_821 masked %reduce_sum3A_830 : vector<16xi32>, vector<16xi1> -> vector<16xi32>
    %reduce_sum3A_832 = vector.extract %reduce_sum3A_831[15] : i32 from vector<16xi32>
    %add3A_833 = arith.addi %mul3A_828, %reduce_sum3A_832 : i32
    %min3A_834 = arith.constant 99999 : i32
    %min3A_835 = arith.minsi %add3A_833, %min3A_834 : i32
    %eq3A_836 = arith.constant 2 : i32
    %eq3A_837 = vector.broadcast %eq3A_836 : i32 to vector<16xi32>
    %eq3A_838 = arith.cmpi eq, %iota3A, %eq3A_837 : vector<16xi32>
    %broadcast_in_dim3A_839 = vector.broadcast %min3A_835 : i32 to vector<16xi32>
    %select_n3A_840 = arith.select %eq3A_838, %broadcast_in_dim3A_839, %select_n3A_580 : vector<16xi1>, vector<16xi32>
    %eq3A_841 = arith.constant 3 : i32
    %eq3A_842 = vector.broadcast %eq3A_841 : i32 to vector<16xi32>
    %eq3A_843 = arith.cmpi eq, %iota3A, %eq3A_842 : vector<16xi32>
    %jit3A_844 = arith.constant 0.000000e+00 : f32
    %broadcast_in_dim3A_845 = vector.broadcast %jit3A_844 : f32 to vector<16xf32>
    %select_n3A_846 = arith.select %eq3A_843, %get3A_67, %broadcast_in_dim3A_845 : vector<16xi1>, vector<16xf32>
    %reduce_sum3A_847 = arith.constant true
    %reduce_sum3A_848 = vector.broadcast %reduce_sum3A_847 : i1 to vector<16xi1>
    %reduce_sum3A_849 = tpu.scan <sum>, %select_n3A_846 masked %reduce_sum3A_848 : vector<16xf32>, vector<16xi1> -> vector<16xf32>
    %reduce_sum3A_850 = vector.extract %reduce_sum3A_849[15] : f32 from vector<16xf32>
    %mul3A_851 = arith.mulf %reduce_sum3A_850, %add3A_63 : f32
    %broadcast_in_dim3A_852 = vector.broadcast %mul3A_851 : f32 to vector<16xf32>
    %scan3A_853 = arith.constant 0 : i32
    %scan3A_854 = arith.constant 625 : i32
    %scan3A_855 = arith.constant 0 : i32
    %scan3A_856 = arith.constant 10 : i32
    %scan3A_857 = arith.addi %scan3A_855, %scan3A_856 : i32
    %scan3A_858 = arith.constant 1 : i32
    %scan3A_859:2 = scf.for %scan3A_2143 = %scan3A_855 to %scan3A_857 step %scan3A_858 iter_args(%scan3A_2144 = %scan3A_853, %scan3A_2145 = %scan3A_854) -> (i32, i32)  : i32 {
      %add3A_2146 = arith.addi %scan3A_2144, %scan3A_2145 : i32
      %shift_right_logical3A = arith.constant 1 : i32
      %shift_right_logical3A_2147 = arith.shrui %add3A_2146, %shift_right_logical3A : i32
      %min3A_2148 = arith.constant 624 : i32
      %min3A_2149 = arith.minsi %shift_right_logical3A_2147, %min3A_2148 : i32
      %get3A_2150 = arith.index_cast %min3A_2149 : i32 to index
      %get3A_2151 = memref.load %arg7[%get3A_2150] : memref<640xf32, #tpu.memory_space<smem>>
      %lt3A = arith.cmpi slt, %scan3A_2144, %scan3A_2145 : i32
      %le3A_2152 = arith.cmpf ole, %get3A_2151, %mul3A_851 : f32
      %and3A = arith.andi %le3A_2152, %lt3A : i1
      %add3A_2153 = arith.constant 1 : i32
      %add3A_2154 = arith.addi %shift_right_logical3A_2147, %add3A_2153 : i32
      %select_n3A_2155 = arith.select %and3A, %add3A_2154, %scan3A_2144 : i32
      %select_n3A_2156 = arith.select %lt3A, %shift_right_logical3A_2147, %scan3A_2145 : i32
      %select_n3A_2157 = arith.select %and3A, %scan3A_2145, %select_n3A_2156 : i32
      scf.yield %select_n3A_2155, %select_n3A_2157 : i32, i32
    }
    %scan3A_860 = arith.constant 10 : i32
    %gt3A_861 = arith.constant 0 : i32
    %gt3A_862 = arith.cmpi sgt, %scan3A_859#0, %gt3A_861 : i32
    %sub3A_863 = arith.constant 1 : i32
    %sub3A_864 = arith.subi %scan3A_859#0, %sub3A_863 : i32
    %max3A_865 = arith.constant 0 : i32
    %max3A_866 = arith.maxsi %sub3A_864, %max3A_865 : i32
    %get3A_867 = arith.index_cast %max3A_866 : i32 to index
    %get3A_868 = memref.load %arg7[%get3A_867] : memref<640xf32, #tpu.memory_space<smem>>
    %jit3A_869 = arith.constant 0.000000e+00 : f32
    %select_n3A_870 = arith.select %gt3A_862, %get3A_868, %jit3A_869 : f32
    %min3A_871 = arith.constant 624 : i32
    %min3A_872 = arith.minsi %scan3A_859#0, %min3A_871 : i32
    %mul3A_873 = arith.constant 160 : i32
    %mul3A_874 = arith.muli %min3A_872, %mul3A_873 : i32
    %broadcast_in_dim3A_875 = arith.constant 0 : i32
    %broadcast_in_dim3A_876 = vector.broadcast %broadcast_in_dim3A_875 : i32 to vector<16xi32>
    %add3A_877 = arith.constant 0 : i32
    %add3A_878 = arith.addi %mul3A_874, %add3A_877 : i32
    %get3A_879 = arith.index_cast %add3A_878 : i32 to index
    %get3A_880 = tpu.vector_load %arg5[%get3A_879] {strides = array<i32>} : memref<100000xf32, #tpu.memory_space<vmem>>, vector<16xf32>,
    %broadcast_in_dim3A_881 = arith.constant true
    %broadcast_in_dim3A_882 = vector.broadcast %broadcast_in_dim3A_881 : i1 to vector<16xi1>
    %masked_cumsum3A_883 = tpu.scan <sum>, %get3A_880 masked %broadcast_in_dim3A_882 : vector<16xf32>, vector<16xi1> -> vector<16xf32>
    %add3A_884 = vector.broadcast %select_n3A_870 : f32 to vector<16xf32>
    %add3A_885 = arith.addf %masked_cumsum3A_883, %add3A_884 : vector<16xf32>
    %le3A_886 = arith.cmpf ole, %add3A_885, %broadcast_in_dim3A_852 : vector<16xf32>
    %jit3A_887 = arith.constant 1 : i32
    %jit3A_888 = arith.constant 0 : i32
    %broadcast_in_dim3A_889 = vector.broadcast %jit3A_887 : i32 to vector<16xi32>
    %broadcast_in_dim3A_890 = vector.broadcast %jit3A_888 : i32 to vector<16xi32>
    %select_n3A_891 = arith.select %le3A_886, %broadcast_in_dim3A_889, %broadcast_in_dim3A_890 : vector<16xi1>, vector<16xi32>
    %add3A_892 = arith.addi %broadcast_in_dim3A_876, %select_n3A_891 : vector<16xi32>
    %reduce_sum3A_893 = arith.constant true
    %reduce_sum3A_894 = vector.broadcast %reduce_sum3A_893 : i1 to vector<16xi1>
    %reduce_sum3A_895 = tpu.scan <sum>, %get3A_880 masked %reduce_sum3A_894 : vector<16xf32>, vector<16xi1> -> vector<16xf32>
    %reduce_sum3A_896 = vector.extract %reduce_sum3A_895[15] : f32 from vector<16xf32>
    %add3A_897 = arith.addf %select_n3A_870, %reduce_sum3A_896 : f32
    %add3A_898 = arith.constant 16 : i32
    %add3A_899 = arith.addi %mul3A_874, %add3A_898 : i32
    %get3A_900 = arith.index_cast %add3A_899 : i32 to index
    %get3A_901 = tpu.vector_load %arg5[%get3A_900] {strides = array<i32>} : memref<100000xf32, #tpu.memory_space<vmem>>, vector<16xf32>,
    %broadcast_in_dim3A_902 = arith.constant true
    %broadcast_in_dim3A_903 = vector.broadcast %broadcast_in_dim3A_902 : i1 to vector<16xi1>
    %masked_cumsum3A_904 = tpu.scan <sum>, %get3A_901 masked %broadcast_in_dim3A_903 : vector<16xf32>, vector<16xi1> -> vector<16xf32>
    %add3A_905 = vector.broadcast %add3A_897 : f32 to vector<16xf32>
    %add3A_906 = arith.addf %masked_cumsum3A_904, %add3A_905 : vector<16xf32>
    %le3A_907 = arith.cmpf ole, %add3A_906, %broadcast_in_dim3A_852 : vector<16xf32>
    %jit3A_908 = arith.constant 1 : i32
    %jit3A_909 = arith.constant 0 : i32
    %broadcast_in_dim3A_910 = vector.broadcast %jit3A_908 : i32 to vector<16xi32>
    %broadcast_in_dim3A_911 = vector.broadcast %jit3A_909 : i32 to vector<16xi32>
    %select_n3A_912 = arith.select %le3A_907, %broadcast_in_dim3A_910, %broadcast_in_dim3A_911 : vector<16xi1>, vector<16xi32>
    %add3A_913 = arith.addi %add3A_892, %select_n3A_912 : vector<16xi32>
    %reduce_sum3A_914 = arith.constant true
    %reduce_sum3A_915 = vector.broadcast %reduce_sum3A_914 : i1 to vector<16xi1>
    %reduce_sum3A_916 = tpu.scan <sum>, %get3A_901 masked %reduce_sum3A_915 : vector<16xf32>, vector<16xi1> -> vector<16xf32>
    %reduce_sum3A_917 = vector.extract %reduce_sum3A_916[15] : f32 from vector<16xf32>
    %add3A_918 = arith.addf %add3A_897, %reduce_sum3A_917 : f32
    %add3A_919 = arith.constant 32 : i32
    %add3A_920 = arith.addi %mul3A_874, %add3A_919 : i32
    %get3A_921 = arith.index_cast %add3A_920 : i32 to index
    %get3A_922 = tpu.vector_load %arg5[%get3A_921] {strides = array<i32>} : memref<100000xf32, #tpu.memory_space<vmem>>, vector<16xf32>,
    %broadcast_in_dim3A_923 = arith.constant true
    %broadcast_in_dim3A_924 = vector.broadcast %broadcast_in_dim3A_923 : i1 to vector<16xi1>
    %masked_cumsum3A_925 = tpu.scan <sum>, %get3A_922 masked %broadcast_in_dim3A_924 : vector<16xf32>, vector<16xi1> -> vector<16xf32>
    %add3A_926 = vector.broadcast %add3A_918 : f32 to vector<16xf32>
    %add3A_927 = arith.addf %masked_cumsum3A_925, %add3A_926 : vector<16xf32>
    %le3A_928 = arith.cmpf ole, %add3A_927, %broadcast_in_dim3A_852 : vector<16xf32>
    %jit3A_929 = arith.constant 1 : i32
    %jit3A_930 = arith.constant 0 : i32
    %broadcast_in_dim3A_931 = vector.broadcast %jit3A_929 : i32 to vector<16xi32>
    %broadcast_in_dim3A_932 = vector.broadcast %jit3A_930 : i32 to vector<16xi32>
    %select_n3A_933 = arith.select %le3A_928, %broadcast_in_dim3A_931, %broadcast_in_dim3A_932 : vector<16xi1>, vector<16xi32>
    %add3A_934 = arith.addi %add3A_913, %select_n3A_933 : vector<16xi32>
    %reduce_sum3A_935 = arith.constant true
    %reduce_sum3A_936 = vector.broadcast %reduce_sum3A_935 : i1 to vector<16xi1>
    %reduce_sum3A_937 = tpu.scan <sum>, %get3A_922 masked %reduce_sum3A_936 : vector<16xf32>, vector<16xi1> -> vector<16xf32>
    %reduce_sum3A_938 = vector.extract %reduce_sum3A_937[15] : f32 from vector<16xf32>
    %add3A_939 = arith.addf %add3A_918, %reduce_sum3A_938 : f32
    %add3A_940 = arith.constant 48 : i32
    %add3A_941 = arith.addi %mul3A_874, %add3A_940 : i32
    %get3A_942 = arith.index_cast %add3A_941 : i32 to index
    %get3A_943 = tpu.vector_load %arg5[%get3A_942] {strides = array<i32>} : memref<100000xf32, #tpu.memory_space<vmem>>, vector<16xf32>,
    %broadcast_in_dim3A_944 = arith.constant true
    %broadcast_in_dim3A_945 = vector.broadcast %broadcast_in_dim3A_944 : i1 to vector<16xi1>
    %masked_cumsum3A_946 = tpu.scan <sum>, %get3A_943 masked %broadcast_in_dim3A_945 : vector<16xf32>, vector<16xi1> -> vector<16xf32>
    %add3A_947 = vector.broadcast %add3A_939 : f32 to vector<16xf32>
    %add3A_948 = arith.addf %masked_cumsum3A_946, %add3A_947 : vector<16xf32>
    %le3A_949 = arith.cmpf ole, %add3A_948, %broadcast_in_dim3A_852 : vector<16xf32>
    %jit3A_950 = arith.constant 1 : i32
    %jit3A_951 = arith.constant 0 : i32
    %broadcast_in_dim3A_952 = vector.broadcast %jit3A_950 : i32 to vector<16xi32>
    %broadcast_in_dim3A_953 = vector.broadcast %jit3A_951 : i32 to vector<16xi32>
    %select_n3A_954 = arith.select %le3A_949, %broadcast_in_dim3A_952, %broadcast_in_dim3A_953 : vector<16xi1>, vector<16xi32>
    %add3A_955 = arith.addi %add3A_934, %select_n3A_954 : vector<16xi32>
    %reduce_sum3A_956 = arith.constant true
    %reduce_sum3A_957 = vector.broadcast %reduce_sum3A_956 : i1 to vector<16xi1>
    %reduce_sum3A_958 = tpu.scan <sum>, %get3A_943 masked %reduce_sum3A_957 : vector<16xf32>, vector<16xi1> -> vector<16xf32>
    %reduce_sum3A_959 = vector.extract %reduce_sum3A_958[15] : f32 from vector<16xf32>
    %add3A_960 = arith.addf %add3A_939, %reduce_sum3A_959 : f32
    %add3A_961 = arith.constant 64 : i32
    %add3A_962 = arith.addi %mul3A_874, %add3A_961 : i32
    %get3A_963 = arith.index_cast %add3A_962 : i32 to index
    %get3A_964 = tpu.vector_load %arg5[%get3A_963] {strides = array<i32>} : memref<100000xf32, #tpu.memory_space<vmem>>, vector<16xf32>,
    %broadcast_in_dim3A_965 = arith.constant true
    %broadcast_in_dim3A_966 = vector.broadcast %broadcast_in_dim3A_965 : i1 to vector<16xi1>
    %masked_cumsum3A_967 = tpu.scan <sum>, %get3A_964 masked %broadcast_in_dim3A_966 : vector<16xf32>, vector<16xi1> -> vector<16xf32>
    %add3A_968 = vector.broadcast %add3A_960 : f32 to vector<16xf32>
    %add3A_969 = arith.addf %masked_cumsum3A_967, %add3A_968 : vector<16xf32>
    %le3A_970 = arith.cmpf ole, %add3A_969, %broadcast_in_dim3A_852 : vector<16xf32>
    %jit3A_971 = arith.constant 1 : i32
    %jit3A_972 = arith.constant 0 : i32
    %broadcast_in_dim3A_973 = vector.broadcast %jit3A_971 : i32 to vector<16xi32>
    %broadcast_in_dim3A_974 = vector.broadcast %jit3A_972 : i32 to vector<16xi32>
    %select_n3A_975 = arith.select %le3A_970, %broadcast_in_dim3A_973, %broadcast_in_dim3A_974 : vector<16xi1>, vector<16xi32>
    %add3A_976 = arith.addi %add3A_955, %select_n3A_975 : vector<16xi32>
    %reduce_sum3A_977 = arith.constant true
    %reduce_sum3A_978 = vector.broadcast %reduce_sum3A_977 : i1 to vector<16xi1>
    %reduce_sum3A_979 = tpu.scan <sum>, %get3A_964 masked %reduce_sum3A_978 : vector<16xf32>, vector<16xi1> -> vector<16xf32>
    %reduce_sum3A_980 = vector.extract %reduce_sum3A_979[15] : f32 from vector<16xf32>
    %add3A_981 = arith.addf %add3A_960, %reduce_sum3A_980 : f32
    %add3A_982 = arith.constant 80 : i32
    %add3A_983 = arith.addi %mul3A_874, %add3A_982 : i32
    %get3A_984 = arith.index_cast %add3A_983 : i32 to index
    %get3A_985 = tpu.vector_load %arg5[%get3A_984] {strides = array<i32>} : memref<100000xf32, #tpu.memory_space<vmem>>, vector<16xf32>,
    %broadcast_in_dim3A_986 = arith.constant true
    %broadcast_in_dim3A_987 = vector.broadcast %broadcast_in_dim3A_986 : i1 to vector<16xi1>
    %masked_cumsum3A_988 = tpu.scan <sum>, %get3A_985 masked %broadcast_in_dim3A_987 : vector<16xf32>, vector<16xi1> -> vector<16xf32>
    %add3A_989 = vector.broadcast %add3A_981 : f32 to vector<16xf32>
    %add3A_990 = arith.addf %masked_cumsum3A_988, %add3A_989 : vector<16xf32>
    %le3A_991 = arith.cmpf ole, %add3A_990, %broadcast_in_dim3A_852 : vector<16xf32>
    %jit3A_992 = arith.constant 1 : i32
    %jit3A_993 = arith.constant 0 : i32
    %broadcast_in_dim3A_994 = vector.broadcast %jit3A_992 : i32 to vector<16xi32>
    %broadcast_in_dim3A_995 = vector.broadcast %jit3A_993 : i32 to vector<16xi32>
    %select_n3A_996 = arith.select %le3A_991, %broadcast_in_dim3A_994, %broadcast_in_dim3A_995 : vector<16xi1>, vector<16xi32>
    %add3A_997 = arith.addi %add3A_976, %select_n3A_996 : vector<16xi32>
    %reduce_sum3A_998 = arith.constant true
    %reduce_sum3A_999 = vector.broadcast %reduce_sum3A_998 : i1 to vector<16xi1>
    %reduce_sum3A_1000 = tpu.scan <sum>, %get3A_985 masked %reduce_sum3A_999 : vector<16xf32>, vector<16xi1> -> vector<16xf32>
    %reduce_sum3A_1001 = vector.extract %reduce_sum3A_1000[15] : f32 from vector<16xf32>
    %add3A_1002 = arith.addf %add3A_981, %reduce_sum3A_1001 : f32
    %add3A_1003 = arith.constant 96 : i32
    %add3A_1004 = arith.addi %mul3A_874, %add3A_1003 : i32
    %get3A_1005 = arith.index_cast %add3A_1004 : i32 to index
    %get3A_1006 = tpu.vector_load %arg5[%get3A_1005] {strides = array<i32>} : memref<100000xf32, #tpu.memory_space<vmem>>, vector<16xf32>,
    %broadcast_in_dim3A_1007 = arith.constant true
    %broadcast_in_dim3A_1008 = vector.broadcast %broadcast_in_dim3A_1007 : i1 to vector<16xi1>
    %masked_cumsum3A_1009 = tpu.scan <sum>, %get3A_1006 masked %broadcast_in_dim3A_1008 : vector<16xf32>, vector<16xi1> -> vector<16xf32>
    %add3A_1010 = vector.broadcast %add3A_1002 : f32 to vector<16xf32>
    %add3A_1011 = arith.addf %masked_cumsum3A_1009, %add3A_1010 : vector<16xf32>
    %le3A_1012 = arith.cmpf ole, %add3A_1011, %broadcast_in_dim3A_852 : vector<16xf32>
    %jit3A_1013 = arith.constant 1 : i32
    %jit3A_1014 = arith.constant 0 : i32
    %broadcast_in_dim3A_1015 = vector.broadcast %jit3A_1013 : i32 to vector<16xi32>
    %broadcast_in_dim3A_1016 = vector.broadcast %jit3A_1014 : i32 to vector<16xi32>
    %select_n3A_1017 = arith.select %le3A_1012, %broadcast_in_dim3A_1015, %broadcast_in_dim3A_1016 : vector<16xi1>, vector<16xi32>
    %add3A_1018 = arith.addi %add3A_997, %select_n3A_1017 : vector<16xi32>
    %reduce_sum3A_1019 = arith.constant true
    %reduce_sum3A_1020 = vector.broadcast %reduce_sum3A_1019 : i1 to vector<16xi1>
    %reduce_sum3A_1021 = tpu.scan <sum>, %get3A_1006 masked %reduce_sum3A_1020 : vector<16xf32>, vector<16xi1> -> vector<16xf32>
    %reduce_sum3A_1022 = vector.extract %reduce_sum3A_1021[15] : f32 from vector<16xf32>
    %add3A_1023 = arith.addf %add3A_1002, %reduce_sum3A_1022 : f32
    %add3A_1024 = arith.constant 112 : i32
    %add3A_1025 = arith.addi %mul3A_874, %add3A_1024 : i32
    %get3A_1026 = arith.index_cast %add3A_1025 : i32 to index
    %get3A_1027 = tpu.vector_load %arg5[%get3A_1026] {strides = array<i32>} : memref<100000xf32, #tpu.memory_space<vmem>>, vector<16xf32>,
    %broadcast_in_dim3A_1028 = arith.constant true
    %broadcast_in_dim3A_1029 = vector.broadcast %broadcast_in_dim3A_1028 : i1 to vector<16xi1>
    %masked_cumsum3A_1030 = tpu.scan <sum>, %get3A_1027 masked %broadcast_in_dim3A_1029 : vector<16xf32>, vector<16xi1> -> vector<16xf32>
    %add3A_1031 = vector.broadcast %add3A_1023 : f32 to vector<16xf32>
    %add3A_1032 = arith.addf %masked_cumsum3A_1030, %add3A_1031 : vector<16xf32>
    %le3A_1033 = arith.cmpf ole, %add3A_1032, %broadcast_in_dim3A_852 : vector<16xf32>
    %jit3A_1034 = arith.constant 1 : i32
    %jit3A_1035 = arith.constant 0 : i32
    %broadcast_in_dim3A_1036 = vector.broadcast %jit3A_1034 : i32 to vector<16xi32>
    %broadcast_in_dim3A_1037 = vector.broadcast %jit3A_1035 : i32 to vector<16xi32>
    %select_n3A_1038 = arith.select %le3A_1033, %broadcast_in_dim3A_1036, %broadcast_in_dim3A_1037 : vector<16xi1>, vector<16xi32>
    %add3A_1039 = arith.addi %add3A_1018, %select_n3A_1038 : vector<16xi32>
    %reduce_sum3A_1040 = arith.constant true
    %reduce_sum3A_1041 = vector.broadcast %reduce_sum3A_1040 : i1 to vector<16xi1>
    %reduce_sum3A_1042 = tpu.scan <sum>, %get3A_1027 masked %reduce_sum3A_1041 : vector<16xf32>, vector<16xi1> -> vector<16xf32>
    %reduce_sum3A_1043 = vector.extract %reduce_sum3A_1042[15] : f32 from vector<16xf32>
    %add3A_1044 = arith.addf %add3A_1023, %reduce_sum3A_1043 : f32
    %add3A_1045 = arith.constant 128 : i32
    %add3A_1046 = arith.addi %mul3A_874, %add3A_1045 : i32
    %get3A_1047 = arith.index_cast %add3A_1046 : i32 to index
    %get3A_1048 = tpu.vector_load %arg5[%get3A_1047] {strides = array<i32>} : memref<100000xf32, #tpu.memory_space<vmem>>, vector<16xf32>,
    %broadcast_in_dim3A_1049 = arith.constant true
    %broadcast_in_dim3A_1050 = vector.broadcast %broadcast_in_dim3A_1049 : i1 to vector<16xi1>
    %masked_cumsum3A_1051 = tpu.scan <sum>, %get3A_1048 masked %broadcast_in_dim3A_1050 : vector<16xf32>, vector<16xi1> -> vector<16xf32>
    %add3A_1052 = vector.broadcast %add3A_1044 : f32 to vector<16xf32>
    %add3A_1053 = arith.addf %masked_cumsum3A_1051, %add3A_1052 : vector<16xf32>
    %le3A_1054 = arith.cmpf ole, %add3A_1053, %broadcast_in_dim3A_852 : vector<16xf32>
    %jit3A_1055 = arith.constant 1 : i32
    %jit3A_1056 = arith.constant 0 : i32
    %broadcast_in_dim3A_1057 = vector.broadcast %jit3A_1055 : i32 to vector<16xi32>
    %broadcast_in_dim3A_1058 = vector.broadcast %jit3A_1056 : i32 to vector<16xi32>
    %select_n3A_1059 = arith.select %le3A_1054, %broadcast_in_dim3A_1057, %broadcast_in_dim3A_1058 : vector<16xi1>, vector<16xi32>
    %add3A_1060 = arith.addi %add3A_1039, %select_n3A_1059 : vector<16xi32>
    %reduce_sum3A_1061 = arith.constant true
    %reduce_sum3A_1062 = vector.broadcast %reduce_sum3A_1061 : i1 to vector<16xi1>
    %reduce_sum3A_1063 = tpu.scan <sum>, %get3A_1048 masked %reduce_sum3A_1062 : vector<16xf32>, vector<16xi1> -> vector<16xf32>
    %reduce_sum3A_1064 = vector.extract %reduce_sum3A_1063[15] : f32 from vector<16xf32>
    %add3A_1065 = arith.addf %add3A_1044, %reduce_sum3A_1064 : f32
    %add3A_1066 = arith.constant 144 : i32
    %add3A_1067 = arith.addi %mul3A_874, %add3A_1066 : i32
    %get3A_1068 = arith.index_cast %add3A_1067 : i32 to index
    %get3A_1069 = tpu.vector_load %arg5[%get3A_1068] {strides = array<i32>} : memref<100000xf32, #tpu.memory_space<vmem>>, vector<16xf32>,
    %broadcast_in_dim3A_1070 = arith.constant true
    %broadcast_in_dim3A_1071 = vector.broadcast %broadcast_in_dim3A_1070 : i1 to vector<16xi1>
    %masked_cumsum3A_1072 = tpu.scan <sum>, %get3A_1069 masked %broadcast_in_dim3A_1071 : vector<16xf32>, vector<16xi1> -> vector<16xf32>
    %add3A_1073 = vector.broadcast %add3A_1065 : f32 to vector<16xf32>
    %add3A_1074 = arith.addf %masked_cumsum3A_1072, %add3A_1073 : vector<16xf32>
    %le3A_1075 = arith.cmpf ole, %add3A_1074, %broadcast_in_dim3A_852 : vector<16xf32>
    %jit3A_1076 = arith.constant 1 : i32
    %jit3A_1077 = arith.constant 0 : i32
    %broadcast_in_dim3A_1078 = vector.broadcast %jit3A_1076 : i32 to vector<16xi32>
    %broadcast_in_dim3A_1079 = vector.broadcast %jit3A_1077 : i32 to vector<16xi32>
    %select_n3A_1080 = arith.select %le3A_1075, %broadcast_in_dim3A_1078, %broadcast_in_dim3A_1079 : vector<16xi1>, vector<16xi32>
    %add3A_1081 = arith.addi %add3A_1060, %select_n3A_1080 : vector<16xi32>
    %reduce_sum3A_1082 = arith.constant true
    %reduce_sum3A_1083 = vector.broadcast %reduce_sum3A_1082 : i1 to vector<16xi1>
    %reduce_sum3A_1084 = tpu.scan <sum>, %get3A_1069 masked %reduce_sum3A_1083 : vector<16xf32>, vector<16xi1> -> vector<16xf32>
    %reduce_sum3A_1085 = vector.extract %reduce_sum3A_1084[15] : f32 from vector<16xf32>
    %add3A_1086 = arith.addf %add3A_1065, %reduce_sum3A_1085 : f32
    %mul3A_1087 = arith.constant 160 : i32
    %mul3A_1088 = arith.muli %scan3A_859#0, %mul3A_1087 : i32
    %reduce_sum3A_1089 = arith.constant true
    %reduce_sum3A_1090 = vector.broadcast %reduce_sum3A_1089 : i1 to vector<16xi1>
    %reduce_sum3A_1091 = tpu.scan <sum>, %add3A_1081 masked %reduce_sum3A_1090 : vector<16xi32>, vector<16xi1> -> vector<16xi32>
    %reduce_sum3A_1092 = vector.extract %reduce_sum3A_1091[15] : i32 from vector<16xi32>
    %add3A_1093 = arith.addi %mul3A_1088, %reduce_sum3A_1092 : i32
    %min3A_1094 = arith.constant 99999 : i32
    %min3A_1095 = arith.minsi %add3A_1093, %min3A_1094 : i32
    %eq3A_1096 = arith.constant 3 : i32
    %eq3A_1097 = vector.broadcast %eq3A_1096 : i32 to vector<16xi32>
    %eq3A_1098 = arith.cmpi eq, %iota3A, %eq3A_1097 : vector<16xi32>
    %broadcast_in_dim3A_1099 = vector.broadcast %min3A_1095 : i32 to vector<16xi32>
    %select_n3A_1100 = arith.select %eq3A_1098, %broadcast_in_dim3A_1099, %select_n3A_840 : vector<16xi1>, vector<16xi32>
    %eq3A_1101 = arith.constant 4 : i32
    %eq3A_1102 = vector.broadcast %eq3A_1101 : i32 to vector<16xi32>
    %eq3A_1103 = arith.cmpi eq, %iota3A, %eq3A_1102 : vector<16xi32>
    %jit3A_1104 = arith.constant 0.000000e+00 : f32
    %broadcast_in_dim3A_1105 = vector.broadcast %jit3A_1104 : f32 to vector<16xf32>
    %select_n3A_1106 = arith.select %eq3A_1103, %get3A_67, %broadcast_in_dim3A_1105 : vector<16xi1>, vector<16xf32>
    %reduce_sum3A_1107 = arith.constant true
    %reduce_sum3A_1108 = vector.broadcast %reduce_sum3A_1107 : i1 to vector<16xi1>
    %reduce_sum3A_1109 = tpu.scan <sum>, %select_n3A_1106 masked %reduce_sum3A_1108 : vector<16xf32>, vector<16xi1> -> vector<16xf32>
    %reduce_sum3A_1110 = vector.extract %reduce_sum3A_1109[15] : f32 from vector<16xf32>
    %mul3A_1111 = arith.mulf %reduce_sum3A_1110, %add3A_63 : f32
    %broadcast_in_dim3A_1112 = vector.broadcast %mul3A_1111 : f32 to vector<16xf32>
    %scan3A_1113 = arith.constant 0 : i32
    %scan3A_1114 = arith.constant 625 : i32
    %scan3A_1115 = arith.constant 0 : i32
    %scan3A_1116 = arith.constant 10 : i32
    %scan3A_1117 = arith.addi %scan3A_1115, %scan3A_1116 : i32
    %scan3A_1118 = arith.constant 1 : i32
    %scan3A_1119:2 = scf.for %scan3A_2143 = %scan3A_1115 to %scan3A_1117 step %scan3A_1118 iter_args(%scan3A_2144 = %scan3A_1113, %scan3A_2145 = %scan3A_1114) -> (i32, i32)  : i32 {
      %add3A_2146 = arith.addi %scan3A_2144, %scan3A_2145 : i32
      %shift_right_logical3A = arith.constant 1 : i32
      %shift_right_logical3A_2147 = arith.shrui %add3A_2146, %shift_right_logical3A : i32
      %min3A_2148 = arith.constant 624 : i32
      %min3A_2149 = arith.minsi %shift_right_logical3A_2147, %min3A_2148 : i32
      %get3A_2150 = arith.index_cast %min3A_2149 : i32 to index
      %get3A_2151 = memref.load %arg7[%get3A_2150] : memref<640xf32, #tpu.memory_space<smem>>
      %lt3A = arith.cmpi slt, %scan3A_2144, %scan3A_2145 : i32
      %le3A_2152 = arith.cmpf ole, %get3A_2151, %mul3A_1111 : f32
      %and3A = arith.andi %le3A_2152, %lt3A : i1
      %add3A_2153 = arith.constant 1 : i32
      %add3A_2154 = arith.addi %shift_right_logical3A_2147, %add3A_2153 : i32
      %select_n3A_2155 = arith.select %and3A, %add3A_2154, %scan3A_2144 : i32
      %select_n3A_2156 = arith.select %lt3A, %shift_right_logical3A_2147, %scan3A_2145 : i32
      %select_n3A_2157 = arith.select %and3A, %scan3A_2145, %select_n3A_2156 : i32
      scf.yield %select_n3A_2155, %select_n3A_2157 : i32, i32
    }
    %scan3A_1120 = arith.constant 10 : i32
    %gt3A_1121 = arith.constant 0 : i32
    %gt3A_1122 = arith.cmpi sgt, %scan3A_1119#0, %gt3A_1121 : i32
    %sub3A_1123 = arith.constant 1 : i32
    %sub3A_1124 = arith.subi %scan3A_1119#0, %sub3A_1123 : i32
    %max3A_1125 = arith.constant 0 : i32
    %max3A_1126 = arith.maxsi %sub3A_1124, %max3A_1125 : i32
    %get3A_1127 = arith.index_cast %max3A_1126 : i32 to index
    %get3A_1128 = memref.load %arg7[%get3A_1127] : memref<640xf32, #tpu.memory_space<smem>>
    %jit3A_1129 = arith.constant 0.000000e+00 : f32
    %select_n3A_1130 = arith.select %gt3A_1122, %get3A_1128, %jit3A_1129 : f32
    %min3A_1131 = arith.constant 624 : i32
    %min3A_1132 = arith.minsi %scan3A_1119#0, %min3A_1131 : i32
    %mul3A_1133 = arith.constant 160 : i32
    %mul3A_1134 = arith.muli %min3A_1132, %mul3A_1133 : i32
    %broadcast_in_dim3A_1135 = arith.constant 0 : i32
    %broadcast_in_dim3A_1136 = vector.broadcast %broadcast_in_dim3A_1135 : i32 to vector<16xi32>
    %add3A_1137 = arith.constant 0 : i32
    %add3A_1138 = arith.addi %mul3A_1134, %add3A_1137 : i32
    %get3A_1139 = arith.index_cast %add3A_1138 : i32 to index
    %get3A_1140 = tpu.vector_load %arg5[%get3A_1139] {strides = array<i32>} : memref<100000xf32, #tpu.memory_space<vmem>>, vector<16xf32>,
    %broadcast_in_dim3A_1141 = arith.constant true
    %broadcast_in_dim3A_1142 = vector.broadcast %broadcast_in_dim3A_1141 : i1 to vector<16xi1>
    %masked_cumsum3A_1143 = tpu.scan <sum>, %get3A_1140 masked %broadcast_in_dim3A_1142 : vector<16xf32>, vector<16xi1> -> vector<16xf32>
    %add3A_1144 = vector.broadcast %select_n3A_1130 : f32 to vector<16xf32>
    %add3A_1145 = arith.addf %masked_cumsum3A_1143, %add3A_1144 : vector<16xf32>
    %le3A_1146 = arith.cmpf ole, %add3A_1145, %broadcast_in_dim3A_1112 : vector<16xf32>
    %jit3A_1147 = arith.constant 1 : i32
    %jit3A_1148 = arith.constant 0 : i32
    %broadcast_in_dim3A_1149 = vector.broadcast %jit3A_1147 : i32 to vector<16xi32>
    %broadcast_in_dim3A_1150 = vector.broadcast %jit3A_1148 : i32 to vector<16xi32>
    %select_n3A_1151 = arith.select %le3A_1146, %broadcast_in_dim3A_1149, %broadcast_in_dim3A_1150 : vector<16xi1>, vector<16xi32>
    %add3A_1152 = arith.addi %broadcast_in_dim3A_1136, %select_n3A_1151 : vector<16xi32>
    %reduce_sum3A_1153 = arith.constant true
    %reduce_sum3A_1154 = vector.broadcast %reduce_sum3A_1153 : i1 to vector<16xi1>
    %reduce_sum3A_1155 = tpu.scan <sum>, %get3A_1140 masked %reduce_sum3A_1154 : vector<16xf32>, vector<16xi1> -> vector<16xf32>
    %reduce_sum3A_1156 = vector.extract %reduce_sum3A_1155[15] : f32 from vector<16xf32>
    %add3A_1157 = arith.addf %select_n3A_1130, %reduce_sum3A_1156 : f32
    %add3A_1158 = arith.constant 16 : i32
    %add3A_1159 = arith.addi %mul3A_1134, %add3A_1158 : i32
    %get3A_1160 = arith.index_cast %add3A_1159 : i32 to index
    %get3A_1161 = tpu.vector_load %arg5[%get3A_1160] {strides = array<i32>} : memref<100000xf32, #tpu.memory_space<vmem>>, vector<16xf32>,
    %broadcast_in_dim3A_1162 = arith.constant true
    %broadcast_in_dim3A_1163 = vector.broadcast %broadcast_in_dim3A_1162 : i1 to vector<16xi1>
    %masked_cumsum3A_1164 = tpu.scan <sum>, %get3A_1161 masked %broadcast_in_dim3A_1163 : vector<16xf32>, vector<16xi1> -> vector<16xf32>
    %add3A_1165 = vector.broadcast %add3A_1157 : f32 to vector<16xf32>
    %add3A_1166 = arith.addf %masked_cumsum3A_1164, %add3A_1165 : vector<16xf32>
    %le3A_1167 = arith.cmpf ole, %add3A_1166, %broadcast_in_dim3A_1112 : vector<16xf32>
    %jit3A_1168 = arith.constant 1 : i32
    %jit3A_1169 = arith.constant 0 : i32
    %broadcast_in_dim3A_1170 = vector.broadcast %jit3A_1168 : i32 to vector<16xi32>
    %broadcast_in_dim3A_1171 = vector.broadcast %jit3A_1169 : i32 to vector<16xi32>
    %select_n3A_1172 = arith.select %le3A_1167, %broadcast_in_dim3A_1170, %broadcast_in_dim3A_1171 : vector<16xi1>, vector<16xi32>
    %add3A_1173 = arith.addi %add3A_1152, %select_n3A_1172 : vector<16xi32>
    %reduce_sum3A_1174 = arith.constant true
    %reduce_sum3A_1175 = vector.broadcast %reduce_sum3A_1174 : i1 to vector<16xi1>
    %reduce_sum3A_1176 = tpu.scan <sum>, %get3A_1161 masked %reduce_sum3A_1175 : vector<16xf32>, vector<16xi1> -> vector<16xf32>
    %reduce_sum3A_1177 = vector.extract %reduce_sum3A_1176[15] : f32 from vector<16xf32>
    %add3A_1178 = arith.addf %add3A_1157, %reduce_sum3A_1177 : f32
    %add3A_1179 = arith.constant 32 : i32
    %add3A_1180 = arith.addi %mul3A_1134, %add3A_1179 : i32
    %get3A_1181 = arith.index_cast %add3A_1180 : i32 to index
    %get3A_1182 = tpu.vector_load %arg5[%get3A_1181] {strides = array<i32>} : memref<100000xf32, #tpu.memory_space<vmem>>, vector<16xf32>,
    %broadcast_in_dim3A_1183 = arith.constant true
    %broadcast_in_dim3A_1184 = vector.broadcast %broadcast_in_dim3A_1183 : i1 to vector<16xi1>
    %masked_cumsum3A_1185 = tpu.scan <sum>, %get3A_1182 masked %broadcast_in_dim3A_1184 : vector<16xf32>, vector<16xi1> -> vector<16xf32>
    %add3A_1186 = vector.broadcast %add3A_1178 : f32 to vector<16xf32>
    %add3A_1187 = arith.addf %masked_cumsum3A_1185, %add3A_1186 : vector<16xf32>
    %le3A_1188 = arith.cmpf ole, %add3A_1187, %broadcast_in_dim3A_1112 : vector<16xf32>
    %jit3A_1189 = arith.constant 1 : i32
    %jit3A_1190 = arith.constant 0 : i32
    %broadcast_in_dim3A_1191 = vector.broadcast %jit3A_1189 : i32 to vector<16xi32>
    %broadcast_in_dim3A_1192 = vector.broadcast %jit3A_1190 : i32 to vector<16xi32>
    %select_n3A_1193 = arith.select %le3A_1188, %broadcast_in_dim3A_1191, %broadcast_in_dim3A_1192 : vector<16xi1>, vector<16xi32>
    %add3A_1194 = arith.addi %add3A_1173, %select_n3A_1193 : vector<16xi32>
    %reduce_sum3A_1195 = arith.constant true
    %reduce_sum3A_1196 = vector.broadcast %reduce_sum3A_1195 : i1 to vector<16xi1>
    %reduce_sum3A_1197 = tpu.scan <sum>, %get3A_1182 masked %reduce_sum3A_1196 : vector<16xf32>, vector<16xi1> -> vector<16xf32>
    %reduce_sum3A_1198 = vector.extract %reduce_sum3A_1197[15] : f32 from vector<16xf32>
    %add3A_1199 = arith.addf %add3A_1178, %reduce_sum3A_1198 : f32
    %add3A_1200 = arith.constant 48 : i32
    %add3A_1201 = arith.addi %mul3A_1134, %add3A_1200 : i32
    %get3A_1202 = arith.index_cast %add3A_1201 : i32 to index
    %get3A_1203 = tpu.vector_load %arg5[%get3A_1202] {strides = array<i32>} : memref<100000xf32, #tpu.memory_space<vmem>>, vector<16xf32>,
    %broadcast_in_dim3A_1204 = arith.constant true
    %broadcast_in_dim3A_1205 = vector.broadcast %broadcast_in_dim3A_1204 : i1 to vector<16xi1>
    %masked_cumsum3A_1206 = tpu.scan <sum>, %get3A_1203 masked %broadcast_in_dim3A_1205 : vector<16xf32>, vector<16xi1> -> vector<16xf32>
    %add3A_1207 = vector.broadcast %add3A_1199 : f32 to vector<16xf32>
    %add3A_1208 = arith.addf %masked_cumsum3A_1206, %add3A_1207 : vector<16xf32>
    %le3A_1209 = arith.cmpf ole, %add3A_1208, %broadcast_in_dim3A_1112 : vector<16xf32>
    %jit3A_1210 = arith.constant 1 : i32
    %jit3A_1211 = arith.constant 0 : i32
    %broadcast_in_dim3A_1212 = vector.broadcast %jit3A_1210 : i32 to vector<16xi32>
    %broadcast_in_dim3A_1213 = vector.broadcast %jit3A_1211 : i32 to vector<16xi32>
    %select_n3A_1214 = arith.select %le3A_1209, %broadcast_in_dim3A_1212, %broadcast_in_dim3A_1213 : vector<16xi1>, vector<16xi32>
    %add3A_1215 = arith.addi %add3A_1194, %select_n3A_1214 : vector<16xi32>
    %reduce_sum3A_1216 = arith.constant true
    %reduce_sum3A_1217 = vector.broadcast %reduce_sum3A_1216 : i1 to vector<16xi1>
    %reduce_sum3A_1218 = tpu.scan <sum>, %get3A_1203 masked %reduce_sum3A_1217 : vector<16xf32>, vector<16xi1> -> vector<16xf32>
    %reduce_sum3A_1219 = vector.extract %reduce_sum3A_1218[15] : f32 from vector<16xf32>
    %add3A_1220 = arith.addf %add3A_1199, %reduce_sum3A_1219 : f32
    %add3A_1221 = arith.constant 64 : i32
    %add3A_1222 = arith.addi %mul3A_1134, %add3A_1221 : i32
    %get3A_1223 = arith.index_cast %add3A_1222 : i32 to index
    %get3A_1224 = tpu.vector_load %arg5[%get3A_1223] {strides = array<i32>} : memref<100000xf32, #tpu.memory_space<vmem>>, vector<16xf32>,
    %broadcast_in_dim3A_1225 = arith.constant true
    %broadcast_in_dim3A_1226 = vector.broadcast %broadcast_in_dim3A_1225 : i1 to vector<16xi1>
    %masked_cumsum3A_1227 = tpu.scan <sum>, %get3A_1224 masked %broadcast_in_dim3A_1226 : vector<16xf32>, vector<16xi1> -> vector<16xf32>
    %add3A_1228 = vector.broadcast %add3A_1220 : f32 to vector<16xf32>
    %add3A_1229 = arith.addf %masked_cumsum3A_1227, %add3A_1228 : vector<16xf32>
    %le3A_1230 = arith.cmpf ole, %add3A_1229, %broadcast_in_dim3A_1112 : vector<16xf32>
    %jit3A_1231 = arith.constant 1 : i32
    %jit3A_1232 = arith.constant 0 : i32
    %broadcast_in_dim3A_1233 = vector.broadcast %jit3A_1231 : i32 to vector<16xi32>
    %broadcast_in_dim3A_1234 = vector.broadcast %jit3A_1232 : i32 to vector<16xi32>
    %select_n3A_1235 = arith.select %le3A_1230, %broadcast_in_dim3A_1233, %broadcast_in_dim3A_1234 : vector<16xi1>, vector<16xi32>
    %add3A_1236 = arith.addi %add3A_1215, %select_n3A_1235 : vector<16xi32>
    %reduce_sum3A_1237 = arith.constant true
    %reduce_sum3A_1238 = vector.broadcast %reduce_sum3A_1237 : i1 to vector<16xi1>
    %reduce_sum3A_1239 = tpu.scan <sum>, %get3A_1224 masked %reduce_sum3A_1238 : vector<16xf32>, vector<16xi1> -> vector<16xf32>
    %reduce_sum3A_1240 = vector.extract %reduce_sum3A_1239[15] : f32 from vector<16xf32>
    %add3A_1241 = arith.addf %add3A_1220, %reduce_sum3A_1240 : f32
    %add3A_1242 = arith.constant 80 : i32
    %add3A_1243 = arith.addi %mul3A_1134, %add3A_1242 : i32
    %get3A_1244 = arith.index_cast %add3A_1243 : i32 to index
    %get3A_1245 = tpu.vector_load %arg5[%get3A_1244] {strides = array<i32>} : memref<100000xf32, #tpu.memory_space<vmem>>, vector<16xf32>,
    %broadcast_in_dim3A_1246 = arith.constant true
    %broadcast_in_dim3A_1247 = vector.broadcast %broadcast_in_dim3A_1246 : i1 to vector<16xi1>
    %masked_cumsum3A_1248 = tpu.scan <sum>, %get3A_1245 masked %broadcast_in_dim3A_1247 : vector<16xf32>, vector<16xi1> -> vector<16xf32>
    %add3A_1249 = vector.broadcast %add3A_1241 : f32 to vector<16xf32>
    %add3A_1250 = arith.addf %masked_cumsum3A_1248, %add3A_1249 : vector<16xf32>
    %le3A_1251 = arith.cmpf ole, %add3A_1250, %broadcast_in_dim3A_1112 : vector<16xf32>
    %jit3A_1252 = arith.constant 1 : i32
    %jit3A_1253 = arith.constant 0 : i32
    %broadcast_in_dim3A_1254 = vector.broadcast %jit3A_1252 : i32 to vector<16xi32>
    %broadcast_in_dim3A_1255 = vector.broadcast %jit3A_1253 : i32 to vector<16xi32>
    %select_n3A_1256 = arith.select %le3A_1251, %broadcast_in_dim3A_1254, %broadcast_in_dim3A_1255 : vector<16xi1>, vector<16xi32>
    %add3A_1257 = arith.addi %add3A_1236, %select_n3A_1256 : vector<16xi32>
    %reduce_sum3A_1258 = arith.constant true
    %reduce_sum3A_1259 = vector.broadcast %reduce_sum3A_1258 : i1 to vector<16xi1>
    %reduce_sum3A_1260 = tpu.scan <sum>, %get3A_1245 masked %reduce_sum3A_1259 : vector<16xf32>, vector<16xi1> -> vector<16xf32>
    %reduce_sum3A_1261 = vector.extract %reduce_sum3A_1260[15] : f32 from vector<16xf32>
    %add3A_1262 = arith.addf %add3A_1241, %reduce_sum3A_1261 : f32
    %add3A_1263 = arith.constant 96 : i32
    %add3A_1264 = arith.addi %mul3A_1134, %add3A_1263 : i32
    %get3A_1265 = arith.index_cast %add3A_1264 : i32 to index
    %get3A_1266 = tpu.vector_load %arg5[%get3A_1265] {strides = array<i32>} : memref<100000xf32, #tpu.memory_space<vmem>>, vector<16xf32>,
    %broadcast_in_dim3A_1267 = arith.constant true
    %broadcast_in_dim3A_1268 = vector.broadcast %broadcast_in_dim3A_1267 : i1 to vector<16xi1>
    %masked_cumsum3A_1269 = tpu.scan <sum>, %get3A_1266 masked %broadcast_in_dim3A_1268 : vector<16xf32>, vector<16xi1> -> vector<16xf32>
    %add3A_1270 = vector.broadcast %add3A_1262 : f32 to vector<16xf32>
    %add3A_1271 = arith.addf %masked_cumsum3A_1269, %add3A_1270 : vector<16xf32>
    %le3A_1272 = arith.cmpf ole, %add3A_1271, %broadcast_in_dim3A_1112 : vector<16xf32>
    %jit3A_1273 = arith.constant 1 : i32
    %jit3A_1274 = arith.constant 0 : i32
    %broadcast_in_dim3A_1275 = vector.broadcast %jit3A_1273 : i32 to vector<16xi32>
    %broadcast_in_dim3A_1276 = vector.broadcast %jit3A_1274 : i32 to vector<16xi32>
    %select_n3A_1277 = arith.select %le3A_1272, %broadcast_in_dim3A_1275, %broadcast_in_dim3A_1276 : vector<16xi1>, vector<16xi32>
    %add3A_1278 = arith.addi %add3A_1257, %select_n3A_1277 : vector<16xi32>
    %reduce_sum3A_1279 = arith.constant true
    %reduce_sum3A_1280 = vector.broadcast %reduce_sum3A_1279 : i1 to vector<16xi1>
    %reduce_sum3A_1281 = tpu.scan <sum>, %get3A_1266 masked %reduce_sum3A_1280 : vector<16xf32>, vector<16xi1> -> vector<16xf32>
    %reduce_sum3A_1282 = vector.extract %reduce_sum3A_1281[15] : f32 from vector<16xf32>
    %add3A_1283 = arith.addf %add3A_1262, %reduce_sum3A_1282 : f32
    %add3A_1284 = arith.constant 112 : i32
    %add3A_1285 = arith.addi %mul3A_1134, %add3A_1284 : i32
    %get3A_1286 = arith.index_cast %add3A_1285 : i32 to index
    %get3A_1287 = tpu.vector_load %arg5[%get3A_1286] {strides = array<i32>} : memref<100000xf32, #tpu.memory_space<vmem>>, vector<16xf32>,
    %broadcast_in_dim3A_1288 = arith.constant true
    %broadcast_in_dim3A_1289 = vector.broadcast %broadcast_in_dim3A_1288 : i1 to vector<16xi1>
    %masked_cumsum3A_1290 = tpu.scan <sum>, %get3A_1287 masked %broadcast_in_dim3A_1289 : vector<16xf32>, vector<16xi1> -> vector<16xf32>
    %add3A_1291 = vector.broadcast %add3A_1283 : f32 to vector<16xf32>
    %add3A_1292 = arith.addf %masked_cumsum3A_1290, %add3A_1291 : vector<16xf32>
    %le3A_1293 = arith.cmpf ole, %add3A_1292, %broadcast_in_dim3A_1112 : vector<16xf32>
    %jit3A_1294 = arith.constant 1 : i32
    %jit3A_1295 = arith.constant 0 : i32
    %broadcast_in_dim3A_1296 = vector.broadcast %jit3A_1294 : i32 to vector<16xi32>
    %broadcast_in_dim3A_1297 = vector.broadcast %jit3A_1295 : i32 to vector<16xi32>
    %select_n3A_1298 = arith.select %le3A_1293, %broadcast_in_dim3A_1296, %broadcast_in_dim3A_1297 : vector<16xi1>, vector<16xi32>
    %add3A_1299 = arith.addi %add3A_1278, %select_n3A_1298 : vector<16xi32>
    %reduce_sum3A_1300 = arith.constant true
    %reduce_sum3A_1301 = vector.broadcast %reduce_sum3A_1300 : i1 to vector<16xi1>
    %reduce_sum3A_1302 = tpu.scan <sum>, %get3A_1287 masked %reduce_sum3A_1301 : vector<16xf32>, vector<16xi1> -> vector<16xf32>
    %reduce_sum3A_1303 = vector.extract %reduce_sum3A_1302[15] : f32 from vector<16xf32>
    %add3A_1304 = arith.addf %add3A_1283, %reduce_sum3A_1303 : f32
    %add3A_1305 = arith.constant 128 : i32
    %add3A_1306 = arith.addi %mul3A_1134, %add3A_1305 : i32
    %get3A_1307 = arith.index_cast %add3A_1306 : i32 to index
    %get3A_1308 = tpu.vector_load %arg5[%get3A_1307] {strides = array<i32>} : memref<100000xf32, #tpu.memory_space<vmem>>, vector<16xf32>,
    %broadcast_in_dim3A_1309 = arith.constant true
    %broadcast_in_dim3A_1310 = vector.broadcast %broadcast_in_dim3A_1309 : i1 to vector<16xi1>
    %masked_cumsum3A_1311 = tpu.scan <sum>, %get3A_1308 masked %broadcast_in_dim3A_1310 : vector<16xf32>, vector<16xi1> -> vector<16xf32>
    %add3A_1312 = vector.broadcast %add3A_1304 : f32 to vector<16xf32>
    %add3A_1313 = arith.addf %masked_cumsum3A_1311, %add3A_1312 : vector<16xf32>
    %le3A_1314 = arith.cmpf ole, %add3A_1313, %broadcast_in_dim3A_1112 : vector<16xf32>
    %jit3A_1315 = arith.constant 1 : i32
    %jit3A_1316 = arith.constant 0 : i32
    %broadcast_in_dim3A_1317 = vector.broadcast %jit3A_1315 : i32 to vector<16xi32>
    %broadcast_in_dim3A_1318 = vector.broadcast %jit3A_1316 : i32 to vector<16xi32>
    %select_n3A_1319 = arith.select %le3A_1314, %broadcast_in_dim3A_1317, %broadcast_in_dim3A_1318 : vector<16xi1>, vector<16xi32>
    %add3A_1320 = arith.addi %add3A_1299, %select_n3A_1319 : vector<16xi32>
    %reduce_sum3A_1321 = arith.constant true
    %reduce_sum3A_1322 = vector.broadcast %reduce_sum3A_1321 : i1 to vector<16xi1>
    %reduce_sum3A_1323 = tpu.scan <sum>, %get3A_1308 masked %reduce_sum3A_1322 : vector<16xf32>, vector<16xi1> -> vector<16xf32>
    %reduce_sum3A_1324 = vector.extract %reduce_sum3A_1323[15] : f32 from vector<16xf32>
    %add3A_1325 = arith.addf %add3A_1304, %reduce_sum3A_1324 : f32
    %add3A_1326 = arith.constant 144 : i32
    %add3A_1327 = arith.addi %mul3A_1134, %add3A_1326 : i32
    %get3A_1328 = arith.index_cast %add3A_1327 : i32 to index
    %get3A_1329 = tpu.vector_load %arg5[%get3A_1328] {strides = array<i32>} : memref<100000xf32, #tpu.memory_space<vmem>>, vector<16xf32>,
    %broadcast_in_dim3A_1330 = arith.constant true
    %broadcast_in_dim3A_1331 = vector.broadcast %broadcast_in_dim3A_1330 : i1 to vector<16xi1>
    %masked_cumsum3A_1332 = tpu.scan <sum>, %get3A_1329 masked %broadcast_in_dim3A_1331 : vector<16xf32>, vector<16xi1> -> vector<16xf32>
    %add3A_1333 = vector.broadcast %add3A_1325 : f32 to vector<16xf32>
    %add3A_1334 = arith.addf %masked_cumsum3A_1332, %add3A_1333 : vector<16xf32>
    %le3A_1335 = arith.cmpf ole, %add3A_1334, %broadcast_in_dim3A_1112 : vector<16xf32>
    %jit3A_1336 = arith.constant 1 : i32
    %jit3A_1337 = arith.constant 0 : i32
    %broadcast_in_dim3A_1338 = vector.broadcast %jit3A_1336 : i32 to vector<16xi32>
    %broadcast_in_dim3A_1339 = vector.broadcast %jit3A_1337 : i32 to vector<16xi32>
    %select_n3A_1340 = arith.select %le3A_1335, %broadcast_in_dim3A_1338, %broadcast_in_dim3A_1339 : vector<16xi1>, vector<16xi32>
    %add3A_1341 = arith.addi %add3A_1320, %select_n3A_1340 : vector<16xi32>
    %reduce_sum3A_1342 = arith.constant true
    %reduce_sum3A_1343 = vector.broadcast %reduce_sum3A_1342 : i1 to vector<16xi1>
    %reduce_sum3A_1344 = tpu.scan <sum>, %get3A_1329 masked %reduce_sum3A_1343 : vector<16xf32>, vector<16xi1> -> vector<16xf32>
    %reduce_sum3A_1345 = vector.extract %reduce_sum3A_1344[15] : f32 from vector<16xf32>
    %add3A_1346 = arith.addf %add3A_1325, %reduce_sum3A_1345 : f32
    %mul3A_1347 = arith.constant 160 : i32
    %mul3A_1348 = arith.muli %scan3A_1119#0, %mul3A_1347 : i32
    %reduce_sum3A_1349 = arith.constant true
    %reduce_sum3A_1350 = vector.broadcast %reduce_sum3A_1349 : i1 to vector<16xi1>
    %reduce_sum3A_1351 = tpu.scan <sum>, %add3A_1341 masked %reduce_sum3A_1350 : vector<16xi32>, vector<16xi1> -> vector<16xi32>
    %reduce_sum3A_1352 = vector.extract %reduce_sum3A_1351[15] : i32 from vector<16xi32>
    %add3A_1353 = arith.addi %mul3A_1348, %reduce_sum3A_1352 : i32
    %min3A_1354 = arith.constant 99999 : i32
    %min3A_1355 = arith.minsi %add3A_1353, %min3A_1354 : i32
    %eq3A_1356 = arith.constant 4 : i32
    %eq3A_1357 = vector.broadcast %eq3A_1356 : i32 to vector<16xi32>
    %eq3A_1358 = arith.cmpi eq, %iota3A, %eq3A_1357 : vector<16xi32>
    %broadcast_in_dim3A_1359 = vector.broadcast %min3A_1355 : i32 to vector<16xi32>
    %select_n3A_1360 = arith.select %eq3A_1358, %broadcast_in_dim3A_1359, %select_n3A_1100 : vector<16xi1>, vector<16xi32>
    %eq3A_1361 = arith.constant 5 : i32
    %eq3A_1362 = vector.broadcast %eq3A_1361 : i32 to vector<16xi32>
    %eq3A_1363 = arith.cmpi eq, %iota3A, %eq3A_1362 : vector<16xi32>
    %jit3A_1364 = arith.constant 0.000000e+00 : f32
    %broadcast_in_dim3A_1365 = vector.broadcast %jit3A_1364 : f32 to vector<16xf32>
    %select_n3A_1366 = arith.select %eq3A_1363, %get3A_67, %broadcast_in_dim3A_1365 : vector<16xi1>, vector<16xf32>
    %reduce_sum3A_1367 = arith.constant true
    %reduce_sum3A_1368 = vector.broadcast %reduce_sum3A_1367 : i1 to vector<16xi1>
    %reduce_sum3A_1369 = tpu.scan <sum>, %select_n3A_1366 masked %reduce_sum3A_1368 : vector<16xf32>, vector<16xi1> -> vector<16xf32>
    %reduce_sum3A_1370 = vector.extract %reduce_sum3A_1369[15] : f32 from vector<16xf32>
    %mul3A_1371 = arith.mulf %reduce_sum3A_1370, %add3A_63 : f32
    %broadcast_in_dim3A_1372 = vector.broadcast %mul3A_1371 : f32 to vector<16xf32>
    %scan3A_1373 = arith.constant 0 : i32
    %scan3A_1374 = arith.constant 625 : i32
    %scan3A_1375 = arith.constant 0 : i32
    %scan3A_1376 = arith.constant 10 : i32
    %scan3A_1377 = arith.addi %scan3A_1375, %scan3A_1376 : i32
    %scan3A_1378 = arith.constant 1 : i32
    %scan3A_1379:2 = scf.for %scan3A_2143 = %scan3A_1375 to %scan3A_1377 step %scan3A_1378 iter_args(%scan3A_2144 = %scan3A_1373, %scan3A_2145 = %scan3A_1374) -> (i32, i32)  : i32 {
      %add3A_2146 = arith.addi %scan3A_2144, %scan3A_2145 : i32
      %shift_right_logical3A = arith.constant 1 : i32
      %shift_right_logical3A_2147 = arith.shrui %add3A_2146, %shift_right_logical3A : i32
      %min3A_2148 = arith.constant 624 : i32
      %min3A_2149 = arith.minsi %shift_right_logical3A_2147, %min3A_2148 : i32
      %get3A_2150 = arith.index_cast %min3A_2149 : i32 to index
      %get3A_2151 = memref.load %arg7[%get3A_2150] : memref<640xf32, #tpu.memory_space<smem>>
      %lt3A = arith.cmpi slt, %scan3A_2144, %scan3A_2145 : i32
      %le3A_2152 = arith.cmpf ole, %get3A_2151, %mul3A_1371 : f32
      %and3A = arith.andi %le3A_2152, %lt3A : i1
      %add3A_2153 = arith.constant 1 : i32
      %add3A_2154 = arith.addi %shift_right_logical3A_2147, %add3A_2153 : i32
      %select_n3A_2155 = arith.select %and3A, %add3A_2154, %scan3A_2144 : i32
      %select_n3A_2156 = arith.select %lt3A, %shift_right_logical3A_2147, %scan3A_2145 : i32
      %select_n3A_2157 = arith.select %and3A, %scan3A_2145, %select_n3A_2156 : i32
      scf.yield %select_n3A_2155, %select_n3A_2157 : i32, i32
    }
    %scan3A_1380 = arith.constant 10 : i32
    %gt3A_1381 = arith.constant 0 : i32
    %gt3A_1382 = arith.cmpi sgt, %scan3A_1379#0, %gt3A_1381 : i32
    %sub3A_1383 = arith.constant 1 : i32
    %sub3A_1384 = arith.subi %scan3A_1379#0, %sub3A_1383 : i32
    %max3A_1385 = arith.constant 0 : i32
    %max3A_1386 = arith.maxsi %sub3A_1384, %max3A_1385 : i32
    %get3A_1387 = arith.index_cast %max3A_1386 : i32 to index
    %get3A_1388 = memref.load %arg7[%get3A_1387] : memref<640xf32, #tpu.memory_space<smem>>
    %jit3A_1389 = arith.constant 0.000000e+00 : f32
    %select_n3A_1390 = arith.select %gt3A_1382, %get3A_1388, %jit3A_1389 : f32
    %min3A_1391 = arith.constant 624 : i32
    %min3A_1392 = arith.minsi %scan3A_1379#0, %min3A_1391 : i32
    %mul3A_1393 = arith.constant 160 : i32
    %mul3A_1394 = arith.muli %min3A_1392, %mul3A_1393 : i32
    %broadcast_in_dim3A_1395 = arith.constant 0 : i32
    %broadcast_in_dim3A_1396 = vector.broadcast %broadcast_in_dim3A_1395 : i32 to vector<16xi32>
    %add3A_1397 = arith.constant 0 : i32
    %add3A_1398 = arith.addi %mul3A_1394, %add3A_1397 : i32
    %get3A_1399 = arith.index_cast %add3A_1398 : i32 to index
    %get3A_1400 = tpu.vector_load %arg5[%get3A_1399] {strides = array<i32>} : memref<100000xf32, #tpu.memory_space<vmem>>, vector<16xf32>,
    %broadcast_in_dim3A_1401 = arith.constant true
    %broadcast_in_dim3A_1402 = vector.broadcast %broadcast_in_dim3A_1401 : i1 to vector<16xi1>
    %masked_cumsum3A_1403 = tpu.scan <sum>, %get3A_1400 masked %broadcast_in_dim3A_1402 : vector<16xf32>, vector<16xi1> -> vector<16xf32>
    %add3A_1404 = vector.broadcast %select_n3A_1390 : f32 to vector<16xf32>
    %add3A_1405 = arith.addf %masked_cumsum3A_1403, %add3A_1404 : vector<16xf32>
    %le3A_1406 = arith.cmpf ole, %add3A_1405, %broadcast_in_dim3A_1372 : vector<16xf32>
    %jit3A_1407 = arith.constant 1 : i32
    %jit3A_1408 = arith.constant 0 : i32
    %broadcast_in_dim3A_1409 = vector.broadcast %jit3A_1407 : i32 to vector<16xi32>
    %broadcast_in_dim3A_1410 = vector.broadcast %jit3A_1408 : i32 to vector<16xi32>
    %select_n3A_1411 = arith.select %le3A_1406, %broadcast_in_dim3A_1409, %broadcast_in_dim3A_1410 : vector<16xi1>, vector<16xi32>
    %add3A_1412 = arith.addi %broadcast_in_dim3A_1396, %select_n3A_1411 : vector<16xi32>
    %reduce_sum3A_1413 = arith.constant true
    %reduce_sum3A_1414 = vector.broadcast %reduce_sum3A_1413 : i1 to vector<16xi1>
    %reduce_sum3A_1415 = tpu.scan <sum>, %get3A_1400 masked %reduce_sum3A_1414 : vector<16xf32>, vector<16xi1> -> vector<16xf32>
    %reduce_sum3A_1416 = vector.extract %reduce_sum3A_1415[15] : f32 from vector<16xf32>
    %add3A_1417 = arith.addf %select_n3A_1390, %reduce_sum3A_1416 : f32
    %add3A_1418 = arith.constant 16 : i32
    %add3A_1419 = arith.addi %mul3A_1394, %add3A_1418 : i32
    %get3A_1420 = arith.index_cast %add3A_1419 : i32 to index
    %get3A_1421 = tpu.vector_load %arg5[%get3A_1420] {strides = array<i32>} : memref<100000xf32, #tpu.memory_space<vmem>>, vector<16xf32>,
    %broadcast_in_dim3A_1422 = arith.constant true
    %broadcast_in_dim3A_1423 = vector.broadcast %broadcast_in_dim3A_1422 : i1 to vector<16xi1>
    %masked_cumsum3A_1424 = tpu.scan <sum>, %get3A_1421 masked %broadcast_in_dim3A_1423 : vector<16xf32>, vector<16xi1> -> vector<16xf32>
    %add3A_1425 = vector.broadcast %add3A_1417 : f32 to vector<16xf32>
    %add3A_1426 = arith.addf %masked_cumsum3A_1424, %add3A_1425 : vector<16xf32>
    %le3A_1427 = arith.cmpf ole, %add3A_1426, %broadcast_in_dim3A_1372 : vector<16xf32>
    %jit3A_1428 = arith.constant 1 : i32
    %jit3A_1429 = arith.constant 0 : i32
    %broadcast_in_dim3A_1430 = vector.broadcast %jit3A_1428 : i32 to vector<16xi32>
    %broadcast_in_dim3A_1431 = vector.broadcast %jit3A_1429 : i32 to vector<16xi32>
    %select_n3A_1432 = arith.select %le3A_1427, %broadcast_in_dim3A_1430, %broadcast_in_dim3A_1431 : vector<16xi1>, vector<16xi32>
    %add3A_1433 = arith.addi %add3A_1412, %select_n3A_1432 : vector<16xi32>
    %reduce_sum3A_1434 = arith.constant true
    %reduce_sum3A_1435 = vector.broadcast %reduce_sum3A_1434 : i1 to vector<16xi1>
    %reduce_sum3A_1436 = tpu.scan <sum>, %get3A_1421 masked %reduce_sum3A_1435 : vector<16xf32>, vector<16xi1> -> vector<16xf32>
    %reduce_sum3A_1437 = vector.extract %reduce_sum3A_1436[15] : f32 from vector<16xf32>
    %add3A_1438 = arith.addf %add3A_1417, %reduce_sum3A_1437 : f32
    %add3A_1439 = arith.constant 32 : i32
    %add3A_1440 = arith.addi %mul3A_1394, %add3A_1439 : i32
    %get3A_1441 = arith.index_cast %add3A_1440 : i32 to index
    %get3A_1442 = tpu.vector_load %arg5[%get3A_1441] {strides = array<i32>} : memref<100000xf32, #tpu.memory_space<vmem>>, vector<16xf32>,
    %broadcast_in_dim3A_1443 = arith.constant true
    %broadcast_in_dim3A_1444 = vector.broadcast %broadcast_in_dim3A_1443 : i1 to vector<16xi1>
    %masked_cumsum3A_1445 = tpu.scan <sum>, %get3A_1442 masked %broadcast_in_dim3A_1444 : vector<16xf32>, vector<16xi1> -> vector<16xf32>
    %add3A_1446 = vector.broadcast %add3A_1438 : f32 to vector<16xf32>
    %add3A_1447 = arith.addf %masked_cumsum3A_1445, %add3A_1446 : vector<16xf32>
    %le3A_1448 = arith.cmpf ole, %add3A_1447, %broadcast_in_dim3A_1372 : vector<16xf32>
    %jit3A_1449 = arith.constant 1 : i32
    %jit3A_1450 = arith.constant 0 : i32
    %broadcast_in_dim3A_1451 = vector.broadcast %jit3A_1449 : i32 to vector<16xi32>
    %broadcast_in_dim3A_1452 = vector.broadcast %jit3A_1450 : i32 to vector<16xi32>
    %select_n3A_1453 = arith.select %le3A_1448, %broadcast_in_dim3A_1451, %broadcast_in_dim3A_1452 : vector<16xi1>, vector<16xi32>
    %add3A_1454 = arith.addi %add3A_1433, %select_n3A_1453 : vector<16xi32>
    %reduce_sum3A_1455 = arith.constant true
    %reduce_sum3A_1456 = vector.broadcast %reduce_sum3A_1455 : i1 to vector<16xi1>
    %reduce_sum3A_1457 = tpu.scan <sum>, %get3A_1442 masked %reduce_sum3A_1456 : vector<16xf32>, vector<16xi1> -> vector<16xf32>
    %reduce_sum3A_1458 = vector.extract %reduce_sum3A_1457[15] : f32 from vector<16xf32>
    %add3A_1459 = arith.addf %add3A_1438, %reduce_sum3A_1458 : f32
    %add3A_1460 = arith.constant 48 : i32
    %add3A_1461 = arith.addi %mul3A_1394, %add3A_1460 : i32
    %get3A_1462 = arith.index_cast %add3A_1461 : i32 to index
    %get3A_1463 = tpu.vector_load %arg5[%get3A_1462] {strides = array<i32>} : memref<100000xf32, #tpu.memory_space<vmem>>, vector<16xf32>,
    %broadcast_in_dim3A_1464 = arith.constant true
    %broadcast_in_dim3A_1465 = vector.broadcast %broadcast_in_dim3A_1464 : i1 to vector<16xi1>
    %masked_cumsum3A_1466 = tpu.scan <sum>, %get3A_1463 masked %broadcast_in_dim3A_1465 : vector<16xf32>, vector<16xi1> -> vector<16xf32>
    %add3A_1467 = vector.broadcast %add3A_1459 : f32 to vector<16xf32>
    %add3A_1468 = arith.addf %masked_cumsum3A_1466, %add3A_1467 : vector<16xf32>
    %le3A_1469 = arith.cmpf ole, %add3A_1468, %broadcast_in_dim3A_1372 : vector<16xf32>
    %jit3A_1470 = arith.constant 1 : i32
    %jit3A_1471 = arith.constant 0 : i32
    %broadcast_in_dim3A_1472 = vector.broadcast %jit3A_1470 : i32 to vector<16xi32>
    %broadcast_in_dim3A_1473 = vector.broadcast %jit3A_1471 : i32 to vector<16xi32>
    %select_n3A_1474 = arith.select %le3A_1469, %broadcast_in_dim3A_1472, %broadcast_in_dim3A_1473 : vector<16xi1>, vector<16xi32>
    %add3A_1475 = arith.addi %add3A_1454, %select_n3A_1474 : vector<16xi32>
    %reduce_sum3A_1476 = arith.constant true
    %reduce_sum3A_1477 = vector.broadcast %reduce_sum3A_1476 : i1 to vector<16xi1>
    %reduce_sum3A_1478 = tpu.scan <sum>, %get3A_1463 masked %reduce_sum3A_1477 : vector<16xf32>, vector<16xi1> -> vector<16xf32>
    %reduce_sum3A_1479 = vector.extract %reduce_sum3A_1478[15] : f32 from vector<16xf32>
    %add3A_1480 = arith.addf %add3A_1459, %reduce_sum3A_1479 : f32
    %add3A_1481 = arith.constant 64 : i32
    %add3A_1482 = arith.addi %mul3A_1394, %add3A_1481 : i32
    %get3A_1483 = arith.index_cast %add3A_1482 : i32 to index
    %get3A_1484 = tpu.vector_load %arg5[%get3A_1483] {strides = array<i32>} : memref<100000xf32, #tpu.memory_space<vmem>>, vector<16xf32>,
    %broadcast_in_dim3A_1485 = arith.constant true
    %broadcast_in_dim3A_1486 = vector.broadcast %broadcast_in_dim3A_1485 : i1 to vector<16xi1>
    %masked_cumsum3A_1487 = tpu.scan <sum>, %get3A_1484 masked %broadcast_in_dim3A_1486 : vector<16xf32>, vector<16xi1> -> vector<16xf32>
    %add3A_1488 = vector.broadcast %add3A_1480 : f32 to vector<16xf32>
    %add3A_1489 = arith.addf %masked_cumsum3A_1487, %add3A_1488 : vector<16xf32>
    %le3A_1490 = arith.cmpf ole, %add3A_1489, %broadcast_in_dim3A_1372 : vector<16xf32>
    %jit3A_1491 = arith.constant 1 : i32
    %jit3A_1492 = arith.constant 0 : i32
    %broadcast_in_dim3A_1493 = vector.broadcast %jit3A_1491 : i32 to vector<16xi32>
    %broadcast_in_dim3A_1494 = vector.broadcast %jit3A_1492 : i32 to vector<16xi32>
    %select_n3A_1495 = arith.select %le3A_1490, %broadcast_in_dim3A_1493, %broadcast_in_dim3A_1494 : vector<16xi1>, vector<16xi32>
    %add3A_1496 = arith.addi %add3A_1475, %select_n3A_1495 : vector<16xi32>
    %reduce_sum3A_1497 = arith.constant true
    %reduce_sum3A_1498 = vector.broadcast %reduce_sum3A_1497 : i1 to vector<16xi1>
    %reduce_sum3A_1499 = tpu.scan <sum>, %get3A_1484 masked %reduce_sum3A_1498 : vector<16xf32>, vector<16xi1> -> vector<16xf32>
    %reduce_sum3A_1500 = vector.extract %reduce_sum3A_1499[15] : f32 from vector<16xf32>
    %add3A_1501 = arith.addf %add3A_1480, %reduce_sum3A_1500 : f32
    %add3A_1502 = arith.constant 80 : i32
    %add3A_1503 = arith.addi %mul3A_1394, %add3A_1502 : i32
    %get3A_1504 = arith.index_cast %add3A_1503 : i32 to index
    %get3A_1505 = tpu.vector_load %arg5[%get3A_1504] {strides = array<i32>} : memref<100000xf32, #tpu.memory_space<vmem>>, vector<16xf32>,
    %broadcast_in_dim3A_1506 = arith.constant true
    %broadcast_in_dim3A_1507 = vector.broadcast %broadcast_in_dim3A_1506 : i1 to vector<16xi1>
    %masked_cumsum3A_1508 = tpu.scan <sum>, %get3A_1505 masked %broadcast_in_dim3A_1507 : vector<16xf32>, vector<16xi1> -> vector<16xf32>
    %add3A_1509 = vector.broadcast %add3A_1501 : f32 to vector<16xf32>
    %add3A_1510 = arith.addf %masked_cumsum3A_1508, %add3A_1509 : vector<16xf32>
    %le3A_1511 = arith.cmpf ole, %add3A_1510, %broadcast_in_dim3A_1372 : vector<16xf32>
    %jit3A_1512 = arith.constant 1 : i32
    %jit3A_1513 = arith.constant 0 : i32
    %broadcast_in_dim3A_1514 = vector.broadcast %jit3A_1512 : i32 to vector<16xi32>
    %broadcast_in_dim3A_1515 = vector.broadcast %jit3A_1513 : i32 to vector<16xi32>
    %select_n3A_1516 = arith.select %le3A_1511, %broadcast_in_dim3A_1514, %broadcast_in_dim3A_1515 : vector<16xi1>, vector<16xi32>
    %add3A_1517 = arith.addi %add3A_1496, %select_n3A_1516 : vector<16xi32>
    %reduce_sum3A_1518 = arith.constant true
    %reduce_sum3A_1519 = vector.broadcast %reduce_sum3A_1518 : i1 to vector<16xi1>
    %reduce_sum3A_1520 = tpu.scan <sum>, %get3A_1505 masked %reduce_sum3A_1519 : vector<16xf32>, vector<16xi1> -> vector<16xf32>
    %reduce_sum3A_1521 = vector.extract %reduce_sum3A_1520[15] : f32 from vector<16xf32>
    %add3A_1522 = arith.addf %add3A_1501, %reduce_sum3A_1521 : f32
    %add3A_1523 = arith.constant 96 : i32
    %add3A_1524 = arith.addi %mul3A_1394, %add3A_1523 : i32
    %get3A_1525 = arith.index_cast %add3A_1524 : i32 to index
    %get3A_1526 = tpu.vector_load %arg5[%get3A_1525] {strides = array<i32>} : memref<100000xf32, #tpu.memory_space<vmem>>, vector<16xf32>,
    %broadcast_in_dim3A_1527 = arith.constant true
    %broadcast_in_dim3A_1528 = vector.broadcast %broadcast_in_dim3A_1527 : i1 to vector<16xi1>
    %masked_cumsum3A_1529 = tpu.scan <sum>, %get3A_1526 masked %broadcast_in_dim3A_1528 : vector<16xf32>, vector<16xi1> -> vector<16xf32>
    %add3A_1530 = vector.broadcast %add3A_1522 : f32 to vector<16xf32>
    %add3A_1531 = arith.addf %masked_cumsum3A_1529, %add3A_1530 : vector<16xf32>
    %le3A_1532 = arith.cmpf ole, %add3A_1531, %broadcast_in_dim3A_1372 : vector<16xf32>
    %jit3A_1533 = arith.constant 1 : i32
    %jit3A_1534 = arith.constant 0 : i32
    %broadcast_in_dim3A_1535 = vector.broadcast %jit3A_1533 : i32 to vector<16xi32>
    %broadcast_in_dim3A_1536 = vector.broadcast %jit3A_1534 : i32 to vector<16xi32>
    %select_n3A_1537 = arith.select %le3A_1532, %broadcast_in_dim3A_1535, %broadcast_in_dim3A_1536 : vector<16xi1>, vector<16xi32>
    %add3A_1538 = arith.addi %add3A_1517, %select_n3A_1537 : vector<16xi32>
    %reduce_sum3A_1539 = arith.constant true
    %reduce_sum3A_1540 = vector.broadcast %reduce_sum3A_1539 : i1 to vector<16xi1>
    %reduce_sum3A_1541 = tpu.scan <sum>, %get3A_1526 masked %reduce_sum3A_1540 : vector<16xf32>, vector<16xi1> -> vector<16xf32>
    %reduce_sum3A_1542 = vector.extract %reduce_sum3A_1541[15] : f32 from vector<16xf32>
    %add3A_1543 = arith.addf %add3A_1522, %reduce_sum3A_1542 : f32
    %add3A_1544 = arith.constant 112 : i32
    %add3A_1545 = arith.addi %mul3A_1394, %add3A_1544 : i32
    %get3A_1546 = arith.index_cast %add3A_1545 : i32 to index
    %get3A_1547 = tpu.vector_load %arg5[%get3A_1546] {strides = array<i32>} : memref<100000xf32, #tpu.memory_space<vmem>>, vector<16xf32>,
    %broadcast_in_dim3A_1548 = arith.constant true
    %broadcast_in_dim3A_1549 = vector.broadcast %broadcast_in_dim3A_1548 : i1 to vector<16xi1>
    %masked_cumsum3A_1550 = tpu.scan <sum>, %get3A_1547 masked %broadcast_in_dim3A_1549 : vector<16xf32>, vector<16xi1> -> vector<16xf32>
    %add3A_1551 = vector.broadcast %add3A_1543 : f32 to vector<16xf32>
    %add3A_1552 = arith.addf %masked_cumsum3A_1550, %add3A_1551 : vector<16xf32>
    %le3A_1553 = arith.cmpf ole, %add3A_1552, %broadcast_in_dim3A_1372 : vector<16xf32>
    %jit3A_1554 = arith.constant 1 : i32
    %jit3A_1555 = arith.constant 0 : i32
    %broadcast_in_dim3A_1556 = vector.broadcast %jit3A_1554 : i32 to vector<16xi32>
    %broadcast_in_dim3A_1557 = vector.broadcast %jit3A_1555 : i32 to vector<16xi32>
    %select_n3A_1558 = arith.select %le3A_1553, %broadcast_in_dim3A_1556, %broadcast_in_dim3A_1557 : vector<16xi1>, vector<16xi32>
    %add3A_1559 = arith.addi %add3A_1538, %select_n3A_1558 : vector<16xi32>
    %reduce_sum3A_1560 = arith.constant true
    %reduce_sum3A_1561 = vector.broadcast %reduce_sum3A_1560 : i1 to vector<16xi1>
    %reduce_sum3A_1562 = tpu.scan <sum>, %get3A_1547 masked %reduce_sum3A_1561 : vector<16xf32>, vector<16xi1> -> vector<16xf32>
    %reduce_sum3A_1563 = vector.extract %reduce_sum3A_1562[15] : f32 from vector<16xf32>
    %add3A_1564 = arith.addf %add3A_1543, %reduce_sum3A_1563 : f32
    %add3A_1565 = arith.constant 128 : i32
    %add3A_1566 = arith.addi %mul3A_1394, %add3A_1565 : i32
    %get3A_1567 = arith.index_cast %add3A_1566 : i32 to index
    %get3A_1568 = tpu.vector_load %arg5[%get3A_1567] {strides = array<i32>} : memref<100000xf32, #tpu.memory_space<vmem>>, vector<16xf32>,
    %broadcast_in_dim3A_1569 = arith.constant true
    %broadcast_in_dim3A_1570 = vector.broadcast %broadcast_in_dim3A_1569 : i1 to vector<16xi1>
    %masked_cumsum3A_1571 = tpu.scan <sum>, %get3A_1568 masked %broadcast_in_dim3A_1570 : vector<16xf32>, vector<16xi1> -> vector<16xf32>
    %add3A_1572 = vector.broadcast %add3A_1564 : f32 to vector<16xf32>
    %add3A_1573 = arith.addf %masked_cumsum3A_1571, %add3A_1572 : vector<16xf32>
    %le3A_1574 = arith.cmpf ole, %add3A_1573, %broadcast_in_dim3A_1372 : vector<16xf32>
    %jit3A_1575 = arith.constant 1 : i32
    %jit3A_1576 = arith.constant 0 : i32
    %broadcast_in_dim3A_1577 = vector.broadcast %jit3A_1575 : i32 to vector<16xi32>
    %broadcast_in_dim3A_1578 = vector.broadcast %jit3A_1576 : i32 to vector<16xi32>
    %select_n3A_1579 = arith.select %le3A_1574, %broadcast_in_dim3A_1577, %broadcast_in_dim3A_1578 : vector<16xi1>, vector<16xi32>
    %add3A_1580 = arith.addi %add3A_1559, %select_n3A_1579 : vector<16xi32>
    %reduce_sum3A_1581 = arith.constant true
    %reduce_sum3A_1582 = vector.broadcast %reduce_sum3A_1581 : i1 to vector<16xi1>
    %reduce_sum3A_1583 = tpu.scan <sum>, %get3A_1568 masked %reduce_sum3A_1582 : vector<16xf32>, vector<16xi1> -> vector<16xf32>
    %reduce_sum3A_1584 = vector.extract %reduce_sum3A_1583[15] : f32 from vector<16xf32>
    %add3A_1585 = arith.addf %add3A_1564, %reduce_sum3A_1584 : f32
    %add3A_1586 = arith.constant 144 : i32
    %add3A_1587 = arith.addi %mul3A_1394, %add3A_1586 : i32
    %get3A_1588 = arith.index_cast %add3A_1587 : i32 to index
    %get3A_1589 = tpu.vector_load %arg5[%get3A_1588] {strides = array<i32>} : memref<100000xf32, #tpu.memory_space<vmem>>, vector<16xf32>,
    %broadcast_in_dim3A_1590 = arith.constant true
    %broadcast_in_dim3A_1591 = vector.broadcast %broadcast_in_dim3A_1590 : i1 to vector<16xi1>
    %masked_cumsum3A_1592 = tpu.scan <sum>, %get3A_1589 masked %broadcast_in_dim3A_1591 : vector<16xf32>, vector<16xi1> -> vector<16xf32>
    %add3A_1593 = vector.broadcast %add3A_1585 : f32 to vector<16xf32>
    %add3A_1594 = arith.addf %masked_cumsum3A_1592, %add3A_1593 : vector<16xf32>
    %le3A_1595 = arith.cmpf ole, %add3A_1594, %broadcast_in_dim3A_1372 : vector<16xf32>
    %jit3A_1596 = arith.constant 1 : i32
    %jit3A_1597 = arith.constant 0 : i32
    %broadcast_in_dim3A_1598 = vector.broadcast %jit3A_1596 : i32 to vector<16xi32>
    %broadcast_in_dim3A_1599 = vector.broadcast %jit3A_1597 : i32 to vector<16xi32>
    %select_n3A_1600 = arith.select %le3A_1595, %broadcast_in_dim3A_1598, %broadcast_in_dim3A_1599 : vector<16xi1>, vector<16xi32>
    %add3A_1601 = arith.addi %add3A_1580, %select_n3A_1600 : vector<16xi32>
    %reduce_sum3A_1602 = arith.constant true
    %reduce_sum3A_1603 = vector.broadcast %reduce_sum3A_1602 : i1 to vector<16xi1>
    %reduce_sum3A_1604 = tpu.scan <sum>, %get3A_1589 masked %reduce_sum3A_1603 : vector<16xf32>, vector<16xi1> -> vector<16xf32>
    %reduce_sum3A_1605 = vector.extract %reduce_sum3A_1604[15] : f32 from vector<16xf32>
    %add3A_1606 = arith.addf %add3A_1585, %reduce_sum3A_1605 : f32
    %mul3A_1607 = arith.constant 160 : i32
    %mul3A_1608 = arith.muli %scan3A_1379#0, %mul3A_1607 : i32
    %reduce_sum3A_1609 = arith.constant true
    %reduce_sum3A_1610 = vector.broadcast %reduce_sum3A_1609 : i1 to vector<16xi1>
    %reduce_sum3A_1611 = tpu.scan <sum>, %add3A_1601 masked %reduce_sum3A_1610 : vector<16xi32>, vector<16xi1> -> vector<16xi32>
    %reduce_sum3A_1612 = vector.extract %reduce_sum3A_1611[15] : i32 from vector<16xi32>
    %add3A_1613 = arith.addi %mul3A_1608, %reduce_sum3A_1612 : i32
    %min3A_1614 = arith.constant 99999 : i32
    %min3A_1615 = arith.minsi %add3A_1613, %min3A_1614 : i32
    %eq3A_1616 = arith.constant 5 : i32
    %eq3A_1617 = vector.broadcast %eq3A_1616 : i32 to vector<16xi32>
    %eq3A_1618 = arith.cmpi eq, %iota3A, %eq3A_1617 : vector<16xi32>
    %broadcast_in_dim3A_1619 = vector.broadcast %min3A_1615 : i32 to vector<16xi32>
    %select_n3A_1620 = arith.select %eq3A_1618, %broadcast_in_dim3A_1619, %select_n3A_1360 : vector<16xi1>, vector<16xi32>
    %eq3A_1621 = arith.constant 6 : i32
    %eq3A_1622 = vector.broadcast %eq3A_1621 : i32 to vector<16xi32>
    %eq3A_1623 = arith.cmpi eq, %iota3A, %eq3A_1622 : vector<16xi32>
    %jit3A_1624 = arith.constant 0.000000e+00 : f32
    %broadcast_in_dim3A_1625 = vector.broadcast %jit3A_1624 : f32 to vector<16xf32>
    %select_n3A_1626 = arith.select %eq3A_1623, %get3A_67, %broadcast_in_dim3A_1625 : vector<16xi1>, vector<16xf32>
    %reduce_sum3A_1627 = arith.constant true
    %reduce_sum3A_1628 = vector.broadcast %reduce_sum3A_1627 : i1 to vector<16xi1>
    %reduce_sum3A_1629 = tpu.scan <sum>, %select_n3A_1626 masked %reduce_sum3A_1628 : vector<16xf32>, vector<16xi1> -> vector<16xf32>
    %reduce_sum3A_1630 = vector.extract %reduce_sum3A_1629[15] : f32 from vector<16xf32>
    %mul3A_1631 = arith.mulf %reduce_sum3A_1630, %add3A_63 : f32
    %broadcast_in_dim3A_1632 = vector.broadcast %mul3A_1631 : f32 to vector<16xf32>
    %scan3A_1633 = arith.constant 0 : i32
    %scan3A_1634 = arith.constant 625 : i32
    %scan3A_1635 = arith.constant 0 : i32
    %scan3A_1636 = arith.constant 10 : i32
    %scan3A_1637 = arith.addi %scan3A_1635, %scan3A_1636 : i32
    %scan3A_1638 = arith.constant 1 : i32
    %scan3A_1639:2 = scf.for %scan3A_2143 = %scan3A_1635 to %scan3A_1637 step %scan3A_1638 iter_args(%scan3A_2144 = %scan3A_1633, %scan3A_2145 = %scan3A_1634) -> (i32, i32)  : i32 {
      %add3A_2146 = arith.addi %scan3A_2144, %scan3A_2145 : i32
      %shift_right_logical3A = arith.constant 1 : i32
      %shift_right_logical3A_2147 = arith.shrui %add3A_2146, %shift_right_logical3A : i32
      %min3A_2148 = arith.constant 624 : i32
      %min3A_2149 = arith.minsi %shift_right_logical3A_2147, %min3A_2148 : i32
      %get3A_2150 = arith.index_cast %min3A_2149 : i32 to index
      %get3A_2151 = memref.load %arg7[%get3A_2150] : memref<640xf32, #tpu.memory_space<smem>>
      %lt3A = arith.cmpi slt, %scan3A_2144, %scan3A_2145 : i32
      %le3A_2152 = arith.cmpf ole, %get3A_2151, %mul3A_1631 : f32
      %and3A = arith.andi %le3A_2152, %lt3A : i1
      %add3A_2153 = arith.constant 1 : i32
      %add3A_2154 = arith.addi %shift_right_logical3A_2147, %add3A_2153 : i32
      %select_n3A_2155 = arith.select %and3A, %add3A_2154, %scan3A_2144 : i32
      %select_n3A_2156 = arith.select %lt3A, %shift_right_logical3A_2147, %scan3A_2145 : i32
      %select_n3A_2157 = arith.select %and3A, %scan3A_2145, %select_n3A_2156 : i32
      scf.yield %select_n3A_2155, %select_n3A_2157 : i32, i32
    }
    %scan3A_1640 = arith.constant 10 : i32
    %gt3A_1641 = arith.constant 0 : i32
    %gt3A_1642 = arith.cmpi sgt, %scan3A_1639#0, %gt3A_1641 : i32
    %sub3A_1643 = arith.constant 1 : i32
    %sub3A_1644 = arith.subi %scan3A_1639#0, %sub3A_1643 : i32
    %max3A_1645 = arith.constant 0 : i32
    %max3A_1646 = arith.maxsi %sub3A_1644, %max3A_1645 : i32
    %get3A_1647 = arith.index_cast %max3A_1646 : i32 to index
    %get3A_1648 = memref.load %arg7[%get3A_1647] : memref<640xf32, #tpu.memory_space<smem>>
    %jit3A_1649 = arith.constant 0.000000e+00 : f32
    %select_n3A_1650 = arith.select %gt3A_1642, %get3A_1648, %jit3A_1649 : f32
    %min3A_1651 = arith.constant 624 : i32
    %min3A_1652 = arith.minsi %scan3A_1639#0, %min3A_1651 : i32
    %mul3A_1653 = arith.constant 160 : i32
    %mul3A_1654 = arith.muli %min3A_1652, %mul3A_1653 : i32
    %broadcast_in_dim3A_1655 = arith.constant 0 : i32
    %broadcast_in_dim3A_1656 = vector.broadcast %broadcast_in_dim3A_1655 : i32 to vector<16xi32>
    %add3A_1657 = arith.constant 0 : i32
    %add3A_1658 = arith.addi %mul3A_1654, %add3A_1657 : i32
    %get3A_1659 = arith.index_cast %add3A_1658 : i32 to index
    %get3A_1660 = tpu.vector_load %arg5[%get3A_1659] {strides = array<i32>} : memref<100000xf32, #tpu.memory_space<vmem>>, vector<16xf32>,
    %broadcast_in_dim3A_1661 = arith.constant true
    %broadcast_in_dim3A_1662 = vector.broadcast %broadcast_in_dim3A_1661 : i1 to vector<16xi1>
    %masked_cumsum3A_1663 = tpu.scan <sum>, %get3A_1660 masked %broadcast_in_dim3A_1662 : vector<16xf32>, vector<16xi1> -> vector<16xf32>
    %add3A_1664 = vector.broadcast %select_n3A_1650 : f32 to vector<16xf32>
    %add3A_1665 = arith.addf %masked_cumsum3A_1663, %add3A_1664 : vector<16xf32>
    %le3A_1666 = arith.cmpf ole, %add3A_1665, %broadcast_in_dim3A_1632 : vector<16xf32>
    %jit3A_1667 = arith.constant 1 : i32
    %jit3A_1668 = arith.constant 0 : i32
    %broadcast_in_dim3A_1669 = vector.broadcast %jit3A_1667 : i32 to vector<16xi32>
    %broadcast_in_dim3A_1670 = vector.broadcast %jit3A_1668 : i32 to vector<16xi32>
    %select_n3A_1671 = arith.select %le3A_1666, %broadcast_in_dim3A_1669, %broadcast_in_dim3A_1670 : vector<16xi1>, vector<16xi32>
    %add3A_1672 = arith.addi %broadcast_in_dim3A_1656, %select_n3A_1671 : vector<16xi32>
    %reduce_sum3A_1673 = arith.constant true
    %reduce_sum3A_1674 = vector.broadcast %reduce_sum3A_1673 : i1 to vector<16xi1>
    %reduce_sum3A_1675 = tpu.scan <sum>, %get3A_1660 masked %reduce_sum3A_1674 : vector<16xf32>, vector<16xi1> -> vector<16xf32>
    %reduce_sum3A_1676 = vector.extract %reduce_sum3A_1675[15] : f32 from vector<16xf32>
    %add3A_1677 = arith.addf %select_n3A_1650, %reduce_sum3A_1676 : f32
    %add3A_1678 = arith.constant 16 : i32
    %add3A_1679 = arith.addi %mul3A_1654, %add3A_1678 : i32
    %get3A_1680 = arith.index_cast %add3A_1679 : i32 to index
    %get3A_1681 = tpu.vector_load %arg5[%get3A_1680] {strides = array<i32>} : memref<100000xf32, #tpu.memory_space<vmem>>, vector<16xf32>,
    %broadcast_in_dim3A_1682 = arith.constant true
    %broadcast_in_dim3A_1683 = vector.broadcast %broadcast_in_dim3A_1682 : i1 to vector<16xi1>
    %masked_cumsum3A_1684 = tpu.scan <sum>, %get3A_1681 masked %broadcast_in_dim3A_1683 : vector<16xf32>, vector<16xi1> -> vector<16xf32>
    %add3A_1685 = vector.broadcast %add3A_1677 : f32 to vector<16xf32>
    %add3A_1686 = arith.addf %masked_cumsum3A_1684, %add3A_1685 : vector<16xf32>
    %le3A_1687 = arith.cmpf ole, %add3A_1686, %broadcast_in_dim3A_1632 : vector<16xf32>
    %jit3A_1688 = arith.constant 1 : i32
    %jit3A_1689 = arith.constant 0 : i32
    %broadcast_in_dim3A_1690 = vector.broadcast %jit3A_1688 : i32 to vector<16xi32>
    %broadcast_in_dim3A_1691 = vector.broadcast %jit3A_1689 : i32 to vector<16xi32>
    %select_n3A_1692 = arith.select %le3A_1687, %broadcast_in_dim3A_1690, %broadcast_in_dim3A_1691 : vector<16xi1>, vector<16xi32>
    %add3A_1693 = arith.addi %add3A_1672, %select_n3A_1692 : vector<16xi32>
    %reduce_sum3A_1694 = arith.constant true
    %reduce_sum3A_1695 = vector.broadcast %reduce_sum3A_1694 : i1 to vector<16xi1>
    %reduce_sum3A_1696 = tpu.scan <sum>, %get3A_1681 masked %reduce_sum3A_1695 : vector<16xf32>, vector<16xi1> -> vector<16xf32>
    %reduce_sum3A_1697 = vector.extract %reduce_sum3A_1696[15] : f32 from vector<16xf32>
    %add3A_1698 = arith.addf %add3A_1677, %reduce_sum3A_1697 : f32
    %add3A_1699 = arith.constant 32 : i32
    %add3A_1700 = arith.addi %mul3A_1654, %add3A_1699 : i32
    %get3A_1701 = arith.index_cast %add3A_1700 : i32 to index
    %get3A_1702 = tpu.vector_load %arg5[%get3A_1701] {strides = array<i32>} : memref<100000xf32, #tpu.memory_space<vmem>>, vector<16xf32>,
    %broadcast_in_dim3A_1703 = arith.constant true
    %broadcast_in_dim3A_1704 = vector.broadcast %broadcast_in_dim3A_1703 : i1 to vector<16xi1>
    %masked_cumsum3A_1705 = tpu.scan <sum>, %get3A_1702 masked %broadcast_in_dim3A_1704 : vector<16xf32>, vector<16xi1> -> vector<16xf32>
    %add3A_1706 = vector.broadcast %add3A_1698 : f32 to vector<16xf32>
    %add3A_1707 = arith.addf %masked_cumsum3A_1705, %add3A_1706 : vector<16xf32>
    %le3A_1708 = arith.cmpf ole, %add3A_1707, %broadcast_in_dim3A_1632 : vector<16xf32>
    %jit3A_1709 = arith.constant 1 : i32
    %jit3A_1710 = arith.constant 0 : i32
    %broadcast_in_dim3A_1711 = vector.broadcast %jit3A_1709 : i32 to vector<16xi32>
    %broadcast_in_dim3A_1712 = vector.broadcast %jit3A_1710 : i32 to vector<16xi32>
    %select_n3A_1713 = arith.select %le3A_1708, %broadcast_in_dim3A_1711, %broadcast_in_dim3A_1712 : vector<16xi1>, vector<16xi32>
    %add3A_1714 = arith.addi %add3A_1693, %select_n3A_1713 : vector<16xi32>
    %reduce_sum3A_1715 = arith.constant true
    %reduce_sum3A_1716 = vector.broadcast %reduce_sum3A_1715 : i1 to vector<16xi1>
    %reduce_sum3A_1717 = tpu.scan <sum>, %get3A_1702 masked %reduce_sum3A_1716 : vector<16xf32>, vector<16xi1> -> vector<16xf32>
    %reduce_sum3A_1718 = vector.extract %reduce_sum3A_1717[15] : f32 from vector<16xf32>
    %add3A_1719 = arith.addf %add3A_1698, %reduce_sum3A_1718 : f32
    %add3A_1720 = arith.constant 48 : i32
    %add3A_1721 = arith.addi %mul3A_1654, %add3A_1720 : i32
    %get3A_1722 = arith.index_cast %add3A_1721 : i32 to index
    %get3A_1723 = tpu.vector_load %arg5[%get3A_1722] {strides = array<i32>} : memref<100000xf32, #tpu.memory_space<vmem>>, vector<16xf32>,
    %broadcast_in_dim3A_1724 = arith.constant true
    %broadcast_in_dim3A_1725 = vector.broadcast %broadcast_in_dim3A_1724 : i1 to vector<16xi1>
    %masked_cumsum3A_1726 = tpu.scan <sum>, %get3A_1723 masked %broadcast_in_dim3A_1725 : vector<16xf32>, vector<16xi1> -> vector<16xf32>
    %add3A_1727 = vector.broadcast %add3A_1719 : f32 to vector<16xf32>
    %add3A_1728 = arith.addf %masked_cumsum3A_1726, %add3A_1727 : vector<16xf32>
    %le3A_1729 = arith.cmpf ole, %add3A_1728, %broadcast_in_dim3A_1632 : vector<16xf32>
    %jit3A_1730 = arith.constant 1 : i32
    %jit3A_1731 = arith.constant 0 : i32
    %broadcast_in_dim3A_1732 = vector.broadcast %jit3A_1730 : i32 to vector<16xi32>
    %broadcast_in_dim3A_1733 = vector.broadcast %jit3A_1731 : i32 to vector<16xi32>
    %select_n3A_1734 = arith.select %le3A_1729, %broadcast_in_dim3A_1732, %broadcast_in_dim3A_1733 : vector<16xi1>, vector<16xi32>
    %add3A_1735 = arith.addi %add3A_1714, %select_n3A_1734 : vector<16xi32>
    %reduce_sum3A_1736 = arith.constant true
    %reduce_sum3A_1737 = vector.broadcast %reduce_sum3A_1736 : i1 to vector<16xi1>
    %reduce_sum3A_1738 = tpu.scan <sum>, %get3A_1723 masked %reduce_sum3A_1737 : vector<16xf32>, vector<16xi1> -> vector<16xf32>
    %reduce_sum3A_1739 = vector.extract %reduce_sum3A_1738[15] : f32 from vector<16xf32>
    %add3A_1740 = arith.addf %add3A_1719, %reduce_sum3A_1739 : f32
    %add3A_1741 = arith.constant 64 : i32
    %add3A_1742 = arith.addi %mul3A_1654, %add3A_1741 : i32
    %get3A_1743 = arith.index_cast %add3A_1742 : i32 to index
    %get3A_1744 = tpu.vector_load %arg5[%get3A_1743] {strides = array<i32>} : memref<100000xf32, #tpu.memory_space<vmem>>, vector<16xf32>,
    %broadcast_in_dim3A_1745 = arith.constant true
    %broadcast_in_dim3A_1746 = vector.broadcast %broadcast_in_dim3A_1745 : i1 to vector<16xi1>
    %masked_cumsum3A_1747 = tpu.scan <sum>, %get3A_1744 masked %broadcast_in_dim3A_1746 : vector<16xf32>, vector<16xi1> -> vector<16xf32>
    %add3A_1748 = vector.broadcast %add3A_1740 : f32 to vector<16xf32>
    %add3A_1749 = arith.addf %masked_cumsum3A_1747, %add3A_1748 : vector<16xf32>
    %le3A_1750 = arith.cmpf ole, %add3A_1749, %broadcast_in_dim3A_1632 : vector<16xf32>
    %jit3A_1751 = arith.constant 1 : i32
    %jit3A_1752 = arith.constant 0 : i32
    %broadcast_in_dim3A_1753 = vector.broadcast %jit3A_1751 : i32 to vector<16xi32>
    %broadcast_in_dim3A_1754 = vector.broadcast %jit3A_1752 : i32 to vector<16xi32>
    %select_n3A_1755 = arith.select %le3A_1750, %broadcast_in_dim3A_1753, %broadcast_in_dim3A_1754 : vector<16xi1>, vector<16xi32>
    %add3A_1756 = arith.addi %add3A_1735, %select_n3A_1755 : vector<16xi32>
    %reduce_sum3A_1757 = arith.constant true
    %reduce_sum3A_1758 = vector.broadcast %reduce_sum3A_1757 : i1 to vector<16xi1>
    %reduce_sum3A_1759 = tpu.scan <sum>, %get3A_1744 masked %reduce_sum3A_1758 : vector<16xf32>, vector<16xi1> -> vector<16xf32>
    %reduce_sum3A_1760 = vector.extract %reduce_sum3A_1759[15] : f32 from vector<16xf32>
    %add3A_1761 = arith.addf %add3A_1740, %reduce_sum3A_1760 : f32
    %add3A_1762 = arith.constant 80 : i32
    %add3A_1763 = arith.addi %mul3A_1654, %add3A_1762 : i32
    %get3A_1764 = arith.index_cast %add3A_1763 : i32 to index
    %get3A_1765 = tpu.vector_load %arg5[%get3A_1764] {strides = array<i32>} : memref<100000xf32, #tpu.memory_space<vmem>>, vector<16xf32>,
    %broadcast_in_dim3A_1766 = arith.constant true
    %broadcast_in_dim3A_1767 = vector.broadcast %broadcast_in_dim3A_1766 : i1 to vector<16xi1>
    %masked_cumsum3A_1768 = tpu.scan <sum>, %get3A_1765 masked %broadcast_in_dim3A_1767 : vector<16xf32>, vector<16xi1> -> vector<16xf32>
    %add3A_1769 = vector.broadcast %add3A_1761 : f32 to vector<16xf32>
    %add3A_1770 = arith.addf %masked_cumsum3A_1768, %add3A_1769 : vector<16xf32>
    %le3A_1771 = arith.cmpf ole, %add3A_1770, %broadcast_in_dim3A_1632 : vector<16xf32>
    %jit3A_1772 = arith.constant 1 : i32
    %jit3A_1773 = arith.constant 0 : i32
    %broadcast_in_dim3A_1774 = vector.broadcast %jit3A_1772 : i32 to vector<16xi32>
    %broadcast_in_dim3A_1775 = vector.broadcast %jit3A_1773 : i32 to vector<16xi32>
    %select_n3A_1776 = arith.select %le3A_1771, %broadcast_in_dim3A_1774, %broadcast_in_dim3A_1775 : vector<16xi1>, vector<16xi32>
    %add3A_1777 = arith.addi %add3A_1756, %select_n3A_1776 : vector<16xi32>
    %reduce_sum3A_1778 = arith.constant true
    %reduce_sum3A_1779 = vector.broadcast %reduce_sum3A_1778 : i1 to vector<16xi1>
    %reduce_sum3A_1780 = tpu.scan <sum>, %get3A_1765 masked %reduce_sum3A_1779 : vector<16xf32>, vector<16xi1> -> vector<16xf32>
    %reduce_sum3A_1781 = vector.extract %reduce_sum3A_1780[15] : f32 from vector<16xf32>
    %add3A_1782 = arith.addf %add3A_1761, %reduce_sum3A_1781 : f32
    %add3A_1783 = arith.constant 96 : i32
    %add3A_1784 = arith.addi %mul3A_1654, %add3A_1783 : i32
    %get3A_1785 = arith.index_cast %add3A_1784 : i32 to index
    %get3A_1786 = tpu.vector_load %arg5[%get3A_1785] {strides = array<i32>} : memref<100000xf32, #tpu.memory_space<vmem>>, vector<16xf32>,
    %broadcast_in_dim3A_1787 = arith.constant true
    %broadcast_in_dim3A_1788 = vector.broadcast %broadcast_in_dim3A_1787 : i1 to vector<16xi1>
    %masked_cumsum3A_1789 = tpu.scan <sum>, %get3A_1786 masked %broadcast_in_dim3A_1788 : vector<16xf32>, vector<16xi1> -> vector<16xf32>
    %add3A_1790 = vector.broadcast %add3A_1782 : f32 to vector<16xf32>
    %add3A_1791 = arith.addf %masked_cumsum3A_1789, %add3A_1790 : vector<16xf32>
    %le3A_1792 = arith.cmpf ole, %add3A_1791, %broadcast_in_dim3A_1632 : vector<16xf32>
    %jit3A_1793 = arith.constant 1 : i32
    %jit3A_1794 = arith.constant 0 : i32
    %broadcast_in_dim3A_1795 = vector.broadcast %jit3A_1793 : i32 to vector<16xi32>
    %broadcast_in_dim3A_1796 = vector.broadcast %jit3A_1794 : i32 to vector<16xi32>
    %select_n3A_1797 = arith.select %le3A_1792, %broadcast_in_dim3A_1795, %broadcast_in_dim3A_1796 : vector<16xi1>, vector<16xi32>
    %add3A_1798 = arith.addi %add3A_1777, %select_n3A_1797 : vector<16xi32>
    %reduce_sum3A_1799 = arith.constant true
    %reduce_sum3A_1800 = vector.broadcast %reduce_sum3A_1799 : i1 to vector<16xi1>
    %reduce_sum3A_1801 = tpu.scan <sum>, %get3A_1786 masked %reduce_sum3A_1800 : vector<16xf32>, vector<16xi1> -> vector<16xf32>
    %reduce_sum3A_1802 = vector.extract %reduce_sum3A_1801[15] : f32 from vector<16xf32>
    %add3A_1803 = arith.addf %add3A_1782, %reduce_sum3A_1802 : f32
    %add3A_1804 = arith.constant 112 : i32
    %add3A_1805 = arith.addi %mul3A_1654, %add3A_1804 : i32
    %get3A_1806 = arith.index_cast %add3A_1805 : i32 to index
    %get3A_1807 = tpu.vector_load %arg5[%get3A_1806] {strides = array<i32>} : memref<100000xf32, #tpu.memory_space<vmem>>, vector<16xf32>,
    %broadcast_in_dim3A_1808 = arith.constant true
    %broadcast_in_dim3A_1809 = vector.broadcast %broadcast_in_dim3A_1808 : i1 to vector<16xi1>
    %masked_cumsum3A_1810 = tpu.scan <sum>, %get3A_1807 masked %broadcast_in_dim3A_1809 : vector<16xf32>, vector<16xi1> -> vector<16xf32>
    %add3A_1811 = vector.broadcast %add3A_1803 : f32 to vector<16xf32>
    %add3A_1812 = arith.addf %masked_cumsum3A_1810, %add3A_1811 : vector<16xf32>
    %le3A_1813 = arith.cmpf ole, %add3A_1812, %broadcast_in_dim3A_1632 : vector<16xf32>
    %jit3A_1814 = arith.constant 1 : i32
    %jit3A_1815 = arith.constant 0 : i32
    %broadcast_in_dim3A_1816 = vector.broadcast %jit3A_1814 : i32 to vector<16xi32>
    %broadcast_in_dim3A_1817 = vector.broadcast %jit3A_1815 : i32 to vector<16xi32>
    %select_n3A_1818 = arith.select %le3A_1813, %broadcast_in_dim3A_1816, %broadcast_in_dim3A_1817 : vector<16xi1>, vector<16xi32>
    %add3A_1819 = arith.addi %add3A_1798, %select_n3A_1818 : vector<16xi32>
    %reduce_sum3A_1820 = arith.constant true
    %reduce_sum3A_1821 = vector.broadcast %reduce_sum3A_1820 : i1 to vector<16xi1>
    %reduce_sum3A_1822 = tpu.scan <sum>, %get3A_1807 masked %reduce_sum3A_1821 : vector<16xf32>, vector<16xi1> -> vector<16xf32>
    %reduce_sum3A_1823 = vector.extract %reduce_sum3A_1822[15] : f32 from vector<16xf32>
    %add3A_1824 = arith.addf %add3A_1803, %reduce_sum3A_1823 : f32
    %add3A_1825 = arith.constant 128 : i32
    %add3A_1826 = arith.addi %mul3A_1654, %add3A_1825 : i32
    %get3A_1827 = arith.index_cast %add3A_1826 : i32 to index
    %get3A_1828 = tpu.vector_load %arg5[%get3A_1827] {strides = array<i32>} : memref<100000xf32, #tpu.memory_space<vmem>>, vector<16xf32>,
    %broadcast_in_dim3A_1829 = arith.constant true
    %broadcast_in_dim3A_1830 = vector.broadcast %broadcast_in_dim3A_1829 : i1 to vector<16xi1>
    %masked_cumsum3A_1831 = tpu.scan <sum>, %get3A_1828 masked %broadcast_in_dim3A_1830 : vector<16xf32>, vector<16xi1> -> vector<16xf32>
    %add3A_1832 = vector.broadcast %add3A_1824 : f32 to vector<16xf32>
    %add3A_1833 = arith.addf %masked_cumsum3A_1831, %add3A_1832 : vector<16xf32>
    %le3A_1834 = arith.cmpf ole, %add3A_1833, %broadcast_in_dim3A_1632 : vector<16xf32>
    %jit3A_1835 = arith.constant 1 : i32
    %jit3A_1836 = arith.constant 0 : i32
    %broadcast_in_dim3A_1837 = vector.broadcast %jit3A_1835 : i32 to vector<16xi32>
    %broadcast_in_dim3A_1838 = vector.broadcast %jit3A_1836 : i32 to vector<16xi32>
    %select_n3A_1839 = arith.select %le3A_1834, %broadcast_in_dim3A_1837, %broadcast_in_dim3A_1838 : vector<16xi1>, vector<16xi32>
    %add3A_1840 = arith.addi %add3A_1819, %select_n3A_1839 : vector<16xi32>
    %reduce_sum3A_1841 = arith.constant true
    %reduce_sum3A_1842 = vector.broadcast %reduce_sum3A_1841 : i1 to vector<16xi1>
    %reduce_sum3A_1843 = tpu.scan <sum>, %get3A_1828 masked %reduce_sum3A_1842 : vector<16xf32>, vector<16xi1> -> vector<16xf32>
    %reduce_sum3A_1844 = vector.extract %reduce_sum3A_1843[15] : f32 from vector<16xf32>
    %add3A_1845 = arith.addf %add3A_1824, %reduce_sum3A_1844 : f32
    %add3A_1846 = arith.constant 144 : i32
    %add3A_1847 = arith.addi %mul3A_1654, %add3A_1846 : i32
    %get3A_1848 = arith.index_cast %add3A_1847 : i32 to index
    %get3A_1849 = tpu.vector_load %arg5[%get3A_1848] {strides = array<i32>} : memref<100000xf32, #tpu.memory_space<vmem>>, vector<16xf32>,
    %broadcast_in_dim3A_1850 = arith.constant true
    %broadcast_in_dim3A_1851 = vector.broadcast %broadcast_in_dim3A_1850 : i1 to vector<16xi1>
    %masked_cumsum3A_1852 = tpu.scan <sum>, %get3A_1849 masked %broadcast_in_dim3A_1851 : vector<16xf32>, vector<16xi1> -> vector<16xf32>
    %add3A_1853 = vector.broadcast %add3A_1845 : f32 to vector<16xf32>
    %add3A_1854 = arith.addf %masked_cumsum3A_1852, %add3A_1853 : vector<16xf32>
    %le3A_1855 = arith.cmpf ole, %add3A_1854, %broadcast_in_dim3A_1632 : vector<16xf32>
    %jit3A_1856 = arith.constant 1 : i32
    %jit3A_1857 = arith.constant 0 : i32
    %broadcast_in_dim3A_1858 = vector.broadcast %jit3A_1856 : i32 to vector<16xi32>
    %broadcast_in_dim3A_1859 = vector.broadcast %jit3A_1857 : i32 to vector<16xi32>
    %select_n3A_1860 = arith.select %le3A_1855, %broadcast_in_dim3A_1858, %broadcast_in_dim3A_1859 : vector<16xi1>, vector<16xi32>
    %add3A_1861 = arith.addi %add3A_1840, %select_n3A_1860 : vector<16xi32>
    %reduce_sum3A_1862 = arith.constant true
    %reduce_sum3A_1863 = vector.broadcast %reduce_sum3A_1862 : i1 to vector<16xi1>
    %reduce_sum3A_1864 = tpu.scan <sum>, %get3A_1849 masked %reduce_sum3A_1863 : vector<16xf32>, vector<16xi1> -> vector<16xf32>
    %reduce_sum3A_1865 = vector.extract %reduce_sum3A_1864[15] : f32 from vector<16xf32>
    %add3A_1866 = arith.addf %add3A_1845, %reduce_sum3A_1865 : f32
    %mul3A_1867 = arith.constant 160 : i32
    %mul3A_1868 = arith.muli %scan3A_1639#0, %mul3A_1867 : i32
    %reduce_sum3A_1869 = arith.constant true
    %reduce_sum3A_1870 = vector.broadcast %reduce_sum3A_1869 : i1 to vector<16xi1>
    %reduce_sum3A_1871 = tpu.scan <sum>, %add3A_1861 masked %reduce_sum3A_1870 : vector<16xi32>, vector<16xi1> -> vector<16xi32>
    %reduce_sum3A_1872 = vector.extract %reduce_sum3A_1871[15] : i32 from vector<16xi32>
    %add3A_1873 = arith.addi %mul3A_1868, %reduce_sum3A_1872 : i32
    %min3A_1874 = arith.constant 99999 : i32
    %min3A_1875 = arith.minsi %add3A_1873, %min3A_1874 : i32
    %eq3A_1876 = arith.constant 6 : i32
    %eq3A_1877 = vector.broadcast %eq3A_1876 : i32 to vector<16xi32>
    %eq3A_1878 = arith.cmpi eq, %iota3A, %eq3A_1877 : vector<16xi32>
    %broadcast_in_dim3A_1879 = vector.broadcast %min3A_1875 : i32 to vector<16xi32>
    %select_n3A_1880 = arith.select %eq3A_1878, %broadcast_in_dim3A_1879, %select_n3A_1620 : vector<16xi1>, vector<16xi32>
    %eq3A_1881 = arith.constant 7 : i32
    %eq3A_1882 = vector.broadcast %eq3A_1881 : i32 to vector<16xi32>
    %eq3A_1883 = arith.cmpi eq, %iota3A, %eq3A_1882 : vector<16xi32>
    %jit3A_1884 = arith.constant 0.000000e+00 : f32
    %broadcast_in_dim3A_1885 = vector.broadcast %jit3A_1884 : f32 to vector<16xf32>
    %select_n3A_1886 = arith.select %eq3A_1883, %get3A_67, %broadcast_in_dim3A_1885 : vector<16xi1>, vector<16xf32>
    %reduce_sum3A_1887 = arith.constant true
    %reduce_sum3A_1888 = vector.broadcast %reduce_sum3A_1887 : i1 to vector<16xi1>
    %reduce_sum3A_1889 = tpu.scan <sum>, %select_n3A_1886 masked %reduce_sum3A_1888 : vector<16xf32>, vector<16xi1> -> vector<16xf32>
    %reduce_sum3A_1890 = vector.extract %reduce_sum3A_1889[15] : f32 from vector<16xf32>
    %mul3A_1891 = arith.mulf %reduce_sum3A_1890, %add3A_63 : f32
    %broadcast_in_dim3A_1892 = vector.broadcast %mul3A_1891 : f32 to vector<16xf32>
    %scan3A_1893 = arith.constant 0 : i32
    %scan3A_1894 = arith.constant 625 : i32
    %scan3A_1895 = arith.constant 0 : i32
    %scan3A_1896 = arith.constant 10 : i32
    %scan3A_1897 = arith.addi %scan3A_1895, %scan3A_1896 : i32
    %scan3A_1898 = arith.constant 1 : i32
    %scan3A_1899:2 = scf.for %scan3A_2143 = %scan3A_1895 to %scan3A_1897 step %scan3A_1898 iter_args(%scan3A_2144 = %scan3A_1893, %scan3A_2145 = %scan3A_1894) -> (i32, i32)  : i32 {
      %add3A_2146 = arith.addi %scan3A_2144, %scan3A_2145 : i32
      %shift_right_logical3A = arith.constant 1 : i32
      %shift_right_logical3A_2147 = arith.shrui %add3A_2146, %shift_right_logical3A : i32
      %min3A_2148 = arith.constant 624 : i32
      %min3A_2149 = arith.minsi %shift_right_logical3A_2147, %min3A_2148 : i32
      %get3A_2150 = arith.index_cast %min3A_2149 : i32 to index
      %get3A_2151 = memref.load %arg7[%get3A_2150] : memref<640xf32, #tpu.memory_space<smem>>
      %lt3A = arith.cmpi slt, %scan3A_2144, %scan3A_2145 : i32
      %le3A_2152 = arith.cmpf ole, %get3A_2151, %mul3A_1891 : f32
      %and3A = arith.andi %le3A_2152, %lt3A : i1
      %add3A_2153 = arith.constant 1 : i32
      %add3A_2154 = arith.addi %shift_right_logical3A_2147, %add3A_2153 : i32
      %select_n3A_2155 = arith.select %and3A, %add3A_2154, %scan3A_2144 : i32
      %select_n3A_2156 = arith.select %lt3A, %shift_right_logical3A_2147, %scan3A_2145 : i32
      %select_n3A_2157 = arith.select %and3A, %scan3A_2145, %select_n3A_2156 : i32
      scf.yield %select_n3A_2155, %select_n3A_2157 : i32, i32
    }
    %scan3A_1900 = arith.constant 10 : i32
    %gt3A_1901 = arith.constant 0 : i32
    %gt3A_1902 = arith.cmpi sgt, %scan3A_1899#0, %gt3A_1901 : i32
    %sub3A_1903 = arith.constant 1 : i32
    %sub3A_1904 = arith.subi %scan3A_1899#0, %sub3A_1903 : i32
    %max3A_1905 = arith.constant 0 : i32
    %max3A_1906 = arith.maxsi %sub3A_1904, %max3A_1905 : i32
    %get3A_1907 = arith.index_cast %max3A_1906 : i32 to index
    %get3A_1908 = memref.load %arg7[%get3A_1907] : memref<640xf32, #tpu.memory_space<smem>>
    %jit3A_1909 = arith.constant 0.000000e+00 : f32
    %select_n3A_1910 = arith.select %gt3A_1902, %get3A_1908, %jit3A_1909 : f32
    %min3A_1911 = arith.constant 624 : i32
    %min3A_1912 = arith.minsi %scan3A_1899#0, %min3A_1911 : i32
    %mul3A_1913 = arith.constant 160 : i32
    %mul3A_1914 = arith.muli %min3A_1912, %mul3A_1913 : i32
    %broadcast_in_dim3A_1915 = arith.constant 0 : i32
    %broadcast_in_dim3A_1916 = vector.broadcast %broadcast_in_dim3A_1915 : i32 to vector<16xi32>
    %add3A_1917 = arith.constant 0 : i32
    %add3A_1918 = arith.addi %mul3A_1914, %add3A_1917 : i32
    %get3A_1919 = arith.index_cast %add3A_1918 : i32 to index
    %get3A_1920 = tpu.vector_load %arg5[%get3A_1919] {strides = array<i32>} : memref<100000xf32, #tpu.memory_space<vmem>>, vector<16xf32>,
    %broadcast_in_dim3A_1921 = arith.constant true
    %broadcast_in_dim3A_1922 = vector.broadcast %broadcast_in_dim3A_1921 : i1 to vector<16xi1>
    %masked_cumsum3A_1923 = tpu.scan <sum>, %get3A_1920 masked %broadcast_in_dim3A_1922 : vector<16xf32>, vector<16xi1> -> vector<16xf32>
    %add3A_1924 = vector.broadcast %select_n3A_1910 : f32 to vector<16xf32>
    %add3A_1925 = arith.addf %masked_cumsum3A_1923, %add3A_1924 : vector<16xf32>
    %le3A_1926 = arith.cmpf ole, %add3A_1925, %broadcast_in_dim3A_1892 : vector<16xf32>
    %jit3A_1927 = arith.constant 1 : i32
    %jit3A_1928 = arith.constant 0 : i32
    %broadcast_in_dim3A_1929 = vector.broadcast %jit3A_1927 : i32 to vector<16xi32>
    %broadcast_in_dim3A_1930 = vector.broadcast %jit3A_1928 : i32 to vector<16xi32>
    %select_n3A_1931 = arith.select %le3A_1926, %broadcast_in_dim3A_1929, %broadcast_in_dim3A_1930 : vector<16xi1>, vector<16xi32>
    %add3A_1932 = arith.addi %broadcast_in_dim3A_1916, %select_n3A_1931 : vector<16xi32>
    %reduce_sum3A_1933 = arith.constant true
    %reduce_sum3A_1934 = vector.broadcast %reduce_sum3A_1933 : i1 to vector<16xi1>
    %reduce_sum3A_1935 = tpu.scan <sum>, %get3A_1920 masked %reduce_sum3A_1934 : vector<16xf32>, vector<16xi1> -> vector<16xf32>
    %reduce_sum3A_1936 = vector.extract %reduce_sum3A_1935[15] : f32 from vector<16xf32>
    %add3A_1937 = arith.addf %select_n3A_1910, %reduce_sum3A_1936 : f32
    %add3A_1938 = arith.constant 16 : i32
    %add3A_1939 = arith.addi %mul3A_1914, %add3A_1938 : i32
    %get3A_1940 = arith.index_cast %add3A_1939 : i32 to index
    %get3A_1941 = tpu.vector_load %arg5[%get3A_1940] {strides = array<i32>} : memref<100000xf32, #tpu.memory_space<vmem>>, vector<16xf32>,
    %broadcast_in_dim3A_1942 = arith.constant true
    %broadcast_in_dim3A_1943 = vector.broadcast %broadcast_in_dim3A_1942 : i1 to vector<16xi1>
    %masked_cumsum3A_1944 = tpu.scan <sum>, %get3A_1941 masked %broadcast_in_dim3A_1943 : vector<16xf32>, vector<16xi1> -> vector<16xf32>
    %add3A_1945 = vector.broadcast %add3A_1937 : f32 to vector<16xf32>
    %add3A_1946 = arith.addf %masked_cumsum3A_1944, %add3A_1945 : vector<16xf32>
    %le3A_1947 = arith.cmpf ole, %add3A_1946, %broadcast_in_dim3A_1892 : vector<16xf32>
    %jit3A_1948 = arith.constant 1 : i32
    %jit3A_1949 = arith.constant 0 : i32
    %broadcast_in_dim3A_1950 = vector.broadcast %jit3A_1948 : i32 to vector<16xi32>
    %broadcast_in_dim3A_1951 = vector.broadcast %jit3A_1949 : i32 to vector<16xi32>
    %select_n3A_1952 = arith.select %le3A_1947, %broadcast_in_dim3A_1950, %broadcast_in_dim3A_1951 : vector<16xi1>, vector<16xi32>
    %add3A_1953 = arith.addi %add3A_1932, %select_n3A_1952 : vector<16xi32>
    %reduce_sum3A_1954 = arith.constant true
    %reduce_sum3A_1955 = vector.broadcast %reduce_sum3A_1954 : i1 to vector<16xi1>
    %reduce_sum3A_1956 = tpu.scan <sum>, %get3A_1941 masked %reduce_sum3A_1955 : vector<16xf32>, vector<16xi1> -> vector<16xf32>
    %reduce_sum3A_1957 = vector.extract %reduce_sum3A_1956[15] : f32 from vector<16xf32>
    %add3A_1958 = arith.addf %add3A_1937, %reduce_sum3A_1957 : f32
    %add3A_1959 = arith.constant 32 : i32
    %add3A_1960 = arith.addi %mul3A_1914, %add3A_1959 : i32
    %get3A_1961 = arith.index_cast %add3A_1960 : i32 to index
    %get3A_1962 = tpu.vector_load %arg5[%get3A_1961] {strides = array<i32>} : memref<100000xf32, #tpu.memory_space<vmem>>, vector<16xf32>,
    %broadcast_in_dim3A_1963 = arith.constant true
    %broadcast_in_dim3A_1964 = vector.broadcast %broadcast_in_dim3A_1963 : i1 to vector<16xi1>
    %masked_cumsum3A_1965 = tpu.scan <sum>, %get3A_1962 masked %broadcast_in_dim3A_1964 : vector<16xf32>, vector<16xi1> -> vector<16xf32>
    %add3A_1966 = vector.broadcast %add3A_1958 : f32 to vector<16xf32>
    %add3A_1967 = arith.addf %masked_cumsum3A_1965, %add3A_1966 : vector<16xf32>
    %le3A_1968 = arith.cmpf ole, %add3A_1967, %broadcast_in_dim3A_1892 : vector<16xf32>
    %jit3A_1969 = arith.constant 1 : i32
    %jit3A_1970 = arith.constant 0 : i32
    %broadcast_in_dim3A_1971 = vector.broadcast %jit3A_1969 : i32 to vector<16xi32>
    %broadcast_in_dim3A_1972 = vector.broadcast %jit3A_1970 : i32 to vector<16xi32>
    %select_n3A_1973 = arith.select %le3A_1968, %broadcast_in_dim3A_1971, %broadcast_in_dim3A_1972 : vector<16xi1>, vector<16xi32>
    %add3A_1974 = arith.addi %add3A_1953, %select_n3A_1973 : vector<16xi32>
    %reduce_sum3A_1975 = arith.constant true
    %reduce_sum3A_1976 = vector.broadcast %reduce_sum3A_1975 : i1 to vector<16xi1>
    %reduce_sum3A_1977 = tpu.scan <sum>, %get3A_1962 masked %reduce_sum3A_1976 : vector<16xf32>, vector<16xi1> -> vector<16xf32>
    %reduce_sum3A_1978 = vector.extract %reduce_sum3A_1977[15] : f32 from vector<16xf32>
    %add3A_1979 = arith.addf %add3A_1958, %reduce_sum3A_1978 : f32
    %add3A_1980 = arith.constant 48 : i32
    %add3A_1981 = arith.addi %mul3A_1914, %add3A_1980 : i32
    %get3A_1982 = arith.index_cast %add3A_1981 : i32 to index
    %get3A_1983 = tpu.vector_load %arg5[%get3A_1982] {strides = array<i32>} : memref<100000xf32, #tpu.memory_space<vmem>>, vector<16xf32>,
    %broadcast_in_dim3A_1984 = arith.constant true
    %broadcast_in_dim3A_1985 = vector.broadcast %broadcast_in_dim3A_1984 : i1 to vector<16xi1>
    %masked_cumsum3A_1986 = tpu.scan <sum>, %get3A_1983 masked %broadcast_in_dim3A_1985 : vector<16xf32>, vector<16xi1> -> vector<16xf32>
    %add3A_1987 = vector.broadcast %add3A_1979 : f32 to vector<16xf32>
    %add3A_1988 = arith.addf %masked_cumsum3A_1986, %add3A_1987 : vector<16xf32>
    %le3A_1989 = arith.cmpf ole, %add3A_1988, %broadcast_in_dim3A_1892 : vector<16xf32>
    %jit3A_1990 = arith.constant 1 : i32
    %jit3A_1991 = arith.constant 0 : i32
    %broadcast_in_dim3A_1992 = vector.broadcast %jit3A_1990 : i32 to vector<16xi32>
    %broadcast_in_dim3A_1993 = vector.broadcast %jit3A_1991 : i32 to vector<16xi32>
    %select_n3A_1994 = arith.select %le3A_1989, %broadcast_in_dim3A_1992, %broadcast_in_dim3A_1993 : vector<16xi1>, vector<16xi32>
    %add3A_1995 = arith.addi %add3A_1974, %select_n3A_1994 : vector<16xi32>
    %reduce_sum3A_1996 = arith.constant true
    %reduce_sum3A_1997 = vector.broadcast %reduce_sum3A_1996 : i1 to vector<16xi1>
    %reduce_sum3A_1998 = tpu.scan <sum>, %get3A_1983 masked %reduce_sum3A_1997 : vector<16xf32>, vector<16xi1> -> vector<16xf32>
    %reduce_sum3A_1999 = vector.extract %reduce_sum3A_1998[15] : f32 from vector<16xf32>
    %add3A_2000 = arith.addf %add3A_1979, %reduce_sum3A_1999 : f32
    %add3A_2001 = arith.constant 64 : i32
    %add3A_2002 = arith.addi %mul3A_1914, %add3A_2001 : i32
    %get3A_2003 = arith.index_cast %add3A_2002 : i32 to index
    %get3A_2004 = tpu.vector_load %arg5[%get3A_2003] {strides = array<i32>} : memref<100000xf32, #tpu.memory_space<vmem>>, vector<16xf32>,
    %broadcast_in_dim3A_2005 = arith.constant true
    %broadcast_in_dim3A_2006 = vector.broadcast %broadcast_in_dim3A_2005 : i1 to vector<16xi1>
    %masked_cumsum3A_2007 = tpu.scan <sum>, %get3A_2004 masked %broadcast_in_dim3A_2006 : vector<16xf32>, vector<16xi1> -> vector<16xf32>
    %add3A_2008 = vector.broadcast %add3A_2000 : f32 to vector<16xf32>
    %add3A_2009 = arith.addf %masked_cumsum3A_2007, %add3A_2008 : vector<16xf32>
    %le3A_2010 = arith.cmpf ole, %add3A_2009, %broadcast_in_dim3A_1892 : vector<16xf32>
    %jit3A_2011 = arith.constant 1 : i32
    %jit3A_2012 = arith.constant 0 : i32
    %broadcast_in_dim3A_2013 = vector.broadcast %jit3A_2011 : i32 to vector<16xi32>
    %broadcast_in_dim3A_2014 = vector.broadcast %jit3A_2012 : i32 to vector<16xi32>
    %select_n3A_2015 = arith.select %le3A_2010, %broadcast_in_dim3A_2013, %broadcast_in_dim3A_2014 : vector<16xi1>, vector<16xi32>
    %add3A_2016 = arith.addi %add3A_1995, %select_n3A_2015 : vector<16xi32>
    %reduce_sum3A_2017 = arith.constant true
    %reduce_sum3A_2018 = vector.broadcast %reduce_sum3A_2017 : i1 to vector<16xi1>
    %reduce_sum3A_2019 = tpu.scan <sum>, %get3A_2004 masked %reduce_sum3A_2018 : vector<16xf32>, vector<16xi1> -> vector<16xf32>
    %reduce_sum3A_2020 = vector.extract %reduce_sum3A_2019[15] : f32 from vector<16xf32>
    %add3A_2021 = arith.addf %add3A_2000, %reduce_sum3A_2020 : f32
    %add3A_2022 = arith.constant 80 : i32
    %add3A_2023 = arith.addi %mul3A_1914, %add3A_2022 : i32
    %get3A_2024 = arith.index_cast %add3A_2023 : i32 to index
    %get3A_2025 = tpu.vector_load %arg5[%get3A_2024] {strides = array<i32>} : memref<100000xf32, #tpu.memory_space<vmem>>, vector<16xf32>,
    %broadcast_in_dim3A_2026 = arith.constant true
    %broadcast_in_dim3A_2027 = vector.broadcast %broadcast_in_dim3A_2026 : i1 to vector<16xi1>
    %masked_cumsum3A_2028 = tpu.scan <sum>, %get3A_2025 masked %broadcast_in_dim3A_2027 : vector<16xf32>, vector<16xi1> -> vector<16xf32>
    %add3A_2029 = vector.broadcast %add3A_2021 : f32 to vector<16xf32>
    %add3A_2030 = arith.addf %masked_cumsum3A_2028, %add3A_2029 : vector<16xf32>
    %le3A_2031 = arith.cmpf ole, %add3A_2030, %broadcast_in_dim3A_1892 : vector<16xf32>
    %jit3A_2032 = arith.constant 1 : i32
    %jit3A_2033 = arith.constant 0 : i32
    %broadcast_in_dim3A_2034 = vector.broadcast %jit3A_2032 : i32 to vector<16xi32>
    %broadcast_in_dim3A_2035 = vector.broadcast %jit3A_2033 : i32 to vector<16xi32>
    %select_n3A_2036 = arith.select %le3A_2031, %broadcast_in_dim3A_2034, %broadcast_in_dim3A_2035 : vector<16xi1>, vector<16xi32>
    %add3A_2037 = arith.addi %add3A_2016, %select_n3A_2036 : vector<16xi32>
    %reduce_sum3A_2038 = arith.constant true
    %reduce_sum3A_2039 = vector.broadcast %reduce_sum3A_2038 : i1 to vector<16xi1>
    %reduce_sum3A_2040 = tpu.scan <sum>, %get3A_2025 masked %reduce_sum3A_2039 : vector<16xf32>, vector<16xi1> -> vector<16xf32>
    %reduce_sum3A_2041 = vector.extract %reduce_sum3A_2040[15] : f32 from vector<16xf32>
    %add3A_2042 = arith.addf %add3A_2021, %reduce_sum3A_2041 : f32
    %add3A_2043 = arith.constant 96 : i32
    %add3A_2044 = arith.addi %mul3A_1914, %add3A_2043 : i32
    %get3A_2045 = arith.index_cast %add3A_2044 : i32 to index
    %get3A_2046 = tpu.vector_load %arg5[%get3A_2045] {strides = array<i32>} : memref<100000xf32, #tpu.memory_space<vmem>>, vector<16xf32>,
    %broadcast_in_dim3A_2047 = arith.constant true
    %broadcast_in_dim3A_2048 = vector.broadcast %broadcast_in_dim3A_2047 : i1 to vector<16xi1>
    %masked_cumsum3A_2049 = tpu.scan <sum>, %get3A_2046 masked %broadcast_in_dim3A_2048 : vector<16xf32>, vector<16xi1> -> vector<16xf32>
    %add3A_2050 = vector.broadcast %add3A_2042 : f32 to vector<16xf32>
    %add3A_2051 = arith.addf %masked_cumsum3A_2049, %add3A_2050 : vector<16xf32>
    %le3A_2052 = arith.cmpf ole, %add3A_2051, %broadcast_in_dim3A_1892 : vector<16xf32>
    %jit3A_2053 = arith.constant 1 : i32
    %jit3A_2054 = arith.constant 0 : i32
    %broadcast_in_dim3A_2055 = vector.broadcast %jit3A_2053 : i32 to vector<16xi32>
    %broadcast_in_dim3A_2056 = vector.broadcast %jit3A_2054 : i32 to vector<16xi32>
    %select_n3A_2057 = arith.select %le3A_2052, %broadcast_in_dim3A_2055, %broadcast_in_dim3A_2056 : vector<16xi1>, vector<16xi32>
    %add3A_2058 = arith.addi %add3A_2037, %select_n3A_2057 : vector<16xi32>
    %reduce_sum3A_2059 = arith.constant true
    %reduce_sum3A_2060 = vector.broadcast %reduce_sum3A_2059 : i1 to vector<16xi1>
    %reduce_sum3A_2061 = tpu.scan <sum>, %get3A_2046 masked %reduce_sum3A_2060 : vector<16xf32>, vector<16xi1> -> vector<16xf32>
    %reduce_sum3A_2062 = vector.extract %reduce_sum3A_2061[15] : f32 from vector<16xf32>
    %add3A_2063 = arith.addf %add3A_2042, %reduce_sum3A_2062 : f32
    %add3A_2064 = arith.constant 112 : i32
    %add3A_2065 = arith.addi %mul3A_1914, %add3A_2064 : i32
    %get3A_2066 = arith.index_cast %add3A_2065 : i32 to index
    %get3A_2067 = tpu.vector_load %arg5[%get3A_2066] {strides = array<i32>} : memref<100000xf32, #tpu.memory_space<vmem>>, vector<16xf32>,
    %broadcast_in_dim3A_2068 = arith.constant true
    %broadcast_in_dim3A_2069 = vector.broadcast %broadcast_in_dim3A_2068 : i1 to vector<16xi1>
    %masked_cumsum3A_2070 = tpu.scan <sum>, %get3A_2067 masked %broadcast_in_dim3A_2069 : vector<16xf32>, vector<16xi1> -> vector<16xf32>
    %add3A_2071 = vector.broadcast %add3A_2063 : f32 to vector<16xf32>
    %add3A_2072 = arith.addf %masked_cumsum3A_2070, %add3A_2071 : vector<16xf32>
    %le3A_2073 = arith.cmpf ole, %add3A_2072, %broadcast_in_dim3A_1892 : vector<16xf32>
    %jit3A_2074 = arith.constant 1 : i32
    %jit3A_2075 = arith.constant 0 : i32
    %broadcast_in_dim3A_2076 = vector.broadcast %jit3A_2074 : i32 to vector<16xi32>
    %broadcast_in_dim3A_2077 = vector.broadcast %jit3A_2075 : i32 to vector<16xi32>
    %select_n3A_2078 = arith.select %le3A_2073, %broadcast_in_dim3A_2076, %broadcast_in_dim3A_2077 : vector<16xi1>, vector<16xi32>
    %add3A_2079 = arith.addi %add3A_2058, %select_n3A_2078 : vector<16xi32>
    %reduce_sum3A_2080 = arith.constant true
    %reduce_sum3A_2081 = vector.broadcast %reduce_sum3A_2080 : i1 to vector<16xi1>
    %reduce_sum3A_2082 = tpu.scan <sum>, %get3A_2067 masked %reduce_sum3A_2081 : vector<16xf32>, vector<16xi1> -> vector<16xf32>
    %reduce_sum3A_2083 = vector.extract %reduce_sum3A_2082[15] : f32 from vector<16xf32>
    %add3A_2084 = arith.addf %add3A_2063, %reduce_sum3A_2083 : f32
    %add3A_2085 = arith.constant 128 : i32
    %add3A_2086 = arith.addi %mul3A_1914, %add3A_2085 : i32
    %get3A_2087 = arith.index_cast %add3A_2086 : i32 to index
    %get3A_2088 = tpu.vector_load %arg5[%get3A_2087] {strides = array<i32>} : memref<100000xf32, #tpu.memory_space<vmem>>, vector<16xf32>,
    %broadcast_in_dim3A_2089 = arith.constant true
    %broadcast_in_dim3A_2090 = vector.broadcast %broadcast_in_dim3A_2089 : i1 to vector<16xi1>
    %masked_cumsum3A_2091 = tpu.scan <sum>, %get3A_2088 masked %broadcast_in_dim3A_2090 : vector<16xf32>, vector<16xi1> -> vector<16xf32>
    %add3A_2092 = vector.broadcast %add3A_2084 : f32 to vector<16xf32>
    %add3A_2093 = arith.addf %masked_cumsum3A_2091, %add3A_2092 : vector<16xf32>
    %le3A_2094 = arith.cmpf ole, %add3A_2093, %broadcast_in_dim3A_1892 : vector<16xf32>
    %jit3A_2095 = arith.constant 1 : i32
    %jit3A_2096 = arith.constant 0 : i32
    %broadcast_in_dim3A_2097 = vector.broadcast %jit3A_2095 : i32 to vector<16xi32>
    %broadcast_in_dim3A_2098 = vector.broadcast %jit3A_2096 : i32 to vector<16xi32>
    %select_n3A_2099 = arith.select %le3A_2094, %broadcast_in_dim3A_2097, %broadcast_in_dim3A_2098 : vector<16xi1>, vector<16xi32>
    %add3A_2100 = arith.addi %add3A_2079, %select_n3A_2099 : vector<16xi32>
    %reduce_sum3A_2101 = arith.constant true
    %reduce_sum3A_2102 = vector.broadcast %reduce_sum3A_2101 : i1 to vector<16xi1>
    %reduce_sum3A_2103 = tpu.scan <sum>, %get3A_2088 masked %reduce_sum3A_2102 : vector<16xf32>, vector<16xi1> -> vector<16xf32>
    %reduce_sum3A_2104 = vector.extract %reduce_sum3A_2103[15] : f32 from vector<16xf32>
    %add3A_2105 = arith.addf %add3A_2084, %reduce_sum3A_2104 : f32
    %add3A_2106 = arith.constant 144 : i32
    %add3A_2107 = arith.addi %mul3A_1914, %add3A_2106 : i32
    %get3A_2108 = arith.index_cast %add3A_2107 : i32 to index
    %get3A_2109 = tpu.vector_load %arg5[%get3A_2108] {strides = array<i32>} : memref<100000xf32, #tpu.memory_space<vmem>>, vector<16xf32>,
    %broadcast_in_dim3A_2110 = arith.constant true
    %broadcast_in_dim3A_2111 = vector.broadcast %broadcast_in_dim3A_2110 : i1 to vector<16xi1>
    %masked_cumsum3A_2112 = tpu.scan <sum>, %get3A_2109 masked %broadcast_in_dim3A_2111 : vector<16xf32>, vector<16xi1> -> vector<16xf32>
    %add3A_2113 = vector.broadcast %add3A_2105 : f32 to vector<16xf32>
    %add3A_2114 = arith.addf %masked_cumsum3A_2112, %add3A_2113 : vector<16xf32>
    %le3A_2115 = arith.cmpf ole, %add3A_2114, %broadcast_in_dim3A_1892 : vector<16xf32>
    %jit3A_2116 = arith.constant 1 : i32
    %jit3A_2117 = arith.constant 0 : i32
    %broadcast_in_dim3A_2118 = vector.broadcast %jit3A_2116 : i32 to vector<16xi32>
    %broadcast_in_dim3A_2119 = vector.broadcast %jit3A_2117 : i32 to vector<16xi32>
    %select_n3A_2120 = arith.select %le3A_2115, %broadcast_in_dim3A_2118, %broadcast_in_dim3A_2119 : vector<16xi1>, vector<16xi32>
    %add3A_2121 = arith.addi %add3A_2100, %select_n3A_2120 : vector<16xi32>
    %reduce_sum3A_2122 = arith.constant true
    %reduce_sum3A_2123 = vector.broadcast %reduce_sum3A_2122 : i1 to vector<16xi1>
    %reduce_sum3A_2124 = tpu.scan <sum>, %get3A_2109 masked %reduce_sum3A_2123 : vector<16xf32>, vector<16xi1> -> vector<16xf32>
    %reduce_sum3A_2125 = vector.extract %reduce_sum3A_2124[15] : f32 from vector<16xf32>
    %add3A_2126 = arith.addf %add3A_2105, %reduce_sum3A_2125 : f32
    %mul3A_2127 = arith.constant 160 : i32
    %mul3A_2128 = arith.muli %scan3A_1899#0, %mul3A_2127 : i32
    %reduce_sum3A_2129 = arith.constant true
    %reduce_sum3A_2130 = vector.broadcast %reduce_sum3A_2129 : i1 to vector<16xi1>
    %reduce_sum3A_2131 = tpu.scan <sum>, %add3A_2121 masked %reduce_sum3A_2130 : vector<16xi32>, vector<16xi1> -> vector<16xi32>
    %reduce_sum3A_2132 = vector.extract %reduce_sum3A_2131[15] : i32 from vector<16xi32>
    %add3A_2133 = arith.addi %mul3A_2128, %reduce_sum3A_2132 : i32
    %min3A_2134 = arith.constant 99999 : i32
    %min3A_2135 = arith.minsi %add3A_2133, %min3A_2134 : i32
    %eq3A_2136 = arith.constant 7 : i32
    %eq3A_2137 = vector.broadcast %eq3A_2136 : i32 to vector<16xi32>
    %eq3A_2138 = arith.cmpi eq, %iota3A, %eq3A_2137 : vector<16xi32>
    %broadcast_in_dim3A_2139 = vector.broadcast %min3A_2135 : i32 to vector<16xi32>
    %select_n3A_2140 = arith.select %eq3A_2138, %broadcast_in_dim3A_2139, %select_n3A_1880 : vector<16xi1>, vector<16xi32>
    %swap3A_2141 = arith.constant 0 : index
    %swap3A_2142 = tpu.vector_load %arg8[%swap3A_2141] {strides = array<i32>} : memref<16xi32, #tpu.memory_space<vmem>>, vector<16xi32>,
    tpu.vector_store %arg8[%swap3A_2141], %select_n3A_2140 {strides = array<i32>} : memref<16xi32, #tpu.memory_space<vmem>>, vector<16xi32>,
    "tpu.region"() ({
      %run_scoped3A = tpu.sem_alloc : memref<!tpu.dma_semaphore, #tpu.memory_space<semaphore_mem>>
      %dma_start3A = arith.constant 0 : i32
      %dma_start3A_2143 = tpu.memref_slice %arg4[%add3A, %dma_start3A] : memref<32x16xi32, #tpu.memory_space<hbm>> -> memref<1x16xi32, #tpu.memory_space<hbm>>
      %dma_start3A_2144 = tpu.memref_squeeze %dma_start3A_2143 : memref<1x16xi32, #tpu.memory_space<hbm>> -> memref<16xi32, #tpu.memory_space<hbm>>
      %dma_start3A_2145 = arith.constant 0 : i32
      %dma_start3A_2146 = tpu.memref_slice %arg4[%add3A, %dma_start3A_2145] : memref<32x16xi32, #tpu.memory_space<hbm>> -> memref<1x16xi32, #tpu.memory_space<hbm>>
      %dma_start3A_2147 = tpu.memref_squeeze %dma_start3A_2146 : memref<1x16xi32, #tpu.memory_space<hbm>> -> memref<16xi32, #tpu.memory_space<hbm>>
      tpu.enqueue_dma source(%arg8 : memref<16xi32, #tpu.memory_space<vmem>>) target(%dma_start3A_2147 : memref<16xi32, #tpu.memory_space<hbm>>) target_semaphore(%run_scoped3A : memref<!tpu.dma_semaphore, #tpu.memory_space<semaphore_mem>>)
      %dma_wait3A = arith.constant 0 : i32
      %dma_wait3A_2148 = tpu.memref_slice %arg4[%add3A, %dma_wait3A] : memref<32x16xi32, #tpu.memory_space<hbm>> -> memref<1x16xi32, #tpu.memory_space<hbm>>
      %dma_wait3A_2149 = tpu.memref_squeeze %dma_wait3A_2148 : memref<1x16xi32, #tpu.memory_space<hbm>> -> memref<16xi32, #tpu.memory_space<hbm>>
      %dma_wait3A_2150 = arith.constant 0 : i32
      %dma_wait3A_2151 = tpu.memref_slice %arg4[%add3A, %dma_wait3A_2150] : memref<32x16xi32, #tpu.memory_space<hbm>> -> memref<1x16xi32, #tpu.memory_space<hbm>>
      %dma_wait3A_2152 = tpu.memref_squeeze %dma_wait3A_2151 : memref<1x16xi32, #tpu.memory_space<hbm>> -> memref<16xi32, #tpu.memory_space<hbm>>
      tpu.wait_dma2 semaphore(%run_scoped3A : memref<!tpu.dma_semaphore, #tpu.memory_space<semaphore_mem>>) src(%arg8 : memref<16xi32, #tpu.memory_space<vmem>>) dst(%dma_wait3A_2152 : memref<16xi32, #tpu.memory_space<hbm>>)
      tpu.yield
    }) : () -> ()
    return
  }
}

</mosaic_0001>

<sc_bundles>
// kernel: kernel.3.cloned.1.call-start
scs
__scs_entry_jumppad:
0x0: {  	(pc) =	sbr.rel $0x88, $3  }
0x1: {  	(tag) =	ssettag $0x0;
	lr =	simm.s32 $0x1  }
0x2: {  	[smem:$0x3F9F] =	sst lr;
	_ =	strace $0xD0000000  }
0x3: {  	_ = 	snop  }
0x4: {  	_ = 	snop  }
0x5: {  	_ = 	snop  }
0x6: {  	_ = 	snop  }
0x7: {  	_ = 	snop  }
__scs_overlays_trampoline_lowered:
0x8: {  	[smem:$0x3FAE] =	sst s0  }
0x9: {  	[smem:$0x3FAF] =	sst s1  }
0xa: {  	[smem:$0x3FB0] =	sst s2  }
0xb: {  	[smem:$0x3FB1] =	sst s3  }
0xc: {  	[smem:$0x3FB2] =	sst s4  }
0xd: {  	[smem:$0x3FB3] =	sst s5  }
0xe: {  	[smem:$0x3FB4] =	sst s6  }
0xf: {  	[smem:$0x3FB5] =	sst s7  }
0x10: {  	[smem:$0x3FB6] =	sst s8  }
0x11: {  	[smem:$0x3FB7] =	sst s9;
	s0 =	simm.s32 @!p0 $0x0  }
0x12: {  	s1 =	sld [smem:$0x3F9D];
	s0 =	simm.s32 @p0 $0x1  }
0x13: {  	[smem:$0x3FB8] =	sst s0;
	s0 =	simm.s32 @!p1 $0x0  }
0x14: {  	s2 =	sld [smem:$0x3F9C];
	s0 =	simm.s32 @p1 $0x1  }
0x15: {  	[smem:$0x3FB9] =	sst s0;
	s0 =	simm.s32 @!p2 $0x0  }
0x16: {  	s3 =	sld [smem:$0x3FDB];
	s0 =	simm.s32 @p2 $0x1  }
0x17: {  	s4 =	simm.s32 $0x1BF5;
	[smem:$0x3FBB] =	sst s0  }
0x18: {  	s0 =	sld [smem:$0x3F9E];
	_ =	swait.ge [sflag:s4], $0x0  }
0x19: {  	s7 =	sld [smem:$0x3F9F]  }
0x1a: {  	s8 =	sadd.s32 $0xFFFFE003, lr  }
0x1b: {  	s9 =	sadd.s32 $0xFFFFFEF7, lr;
	s5 =	simm.s32 $0xFFFFFFFF;
	p2 =	slt.u32 s8, $0xFFFFF086  }
0x1c: {  	p1 =	slt.u32 s9, $0xF7A;
	s5 =	simm.s32 @!p2 $0x0  }
0x1d: {  	s5 =	simm.s32 @p1 $0x1;
	p0 =	seq.s32 s7, s2  }
0x1e: {  	s7 =	smul.u32 @!p0 $0xF7A, s2;
	p2 =	seq.s32 @!p0 s5, $0x0  }
0x1f: {  	s9 =	smul.u32 $0xF7A, s1;
	s8 =	simm.s32 @!p0 $0x1BF5;
	p2 =	por !p2, p0  }
0x20: {  	[sflag:s8] =	ssyncset.s32 @!p0 $0xFFFFF086;
	s6 =	sadd.s32 @!p0 s3, s7;
	s7 =	simm.s32 @!p0 $0x108  }
0x21: {  	s3 =	sadd.s32 s3, s9;
	s6 =	sadd.s32 @!p0 $0x88, s6;
	s7 =	simm.s32 @p2 $0x1082  }
0x22: {  	[simem:s7], [sflag:s8] =	dma.local @!p0 [hbm:s6], $0xF7A  }
0x23: {  	s9 =	sor.u32 $0xD0000000, s2;
	s6 =	simm.s32 $0x108;
	_ =	swait.ge @!p0 [sflag:s8], $0x0  }
0x24: {  	s3 =	sadd.s32 $0x88, s3;
	s6 =	simm.s32 @!p1 $0x1082;
	[sflag:s4] =	ssyncset.s32 $0xFFFFF086  }
0x25: {  	[simem:s6], [sflag:s4] =	dma.local [hbm:s3], $0xF7A  }
0x26: {  	[smem:$0x3F9F] =	sst s1;
	(tag) =	ssettag s2;
	_ =	strace s9  }
0x27: {  	s1 =	sld [smem:$0x3FAF]  }
0x28: {  	s2 =	sld [smem:$0x3FB0]  }
0x29: {  	s4 =	sld [smem:$0x3FB2]  }
0x2a: {  	p0 =	seq.s32 s5, $0x0;
	s5 =	sld [smem:$0x3FB3]  }
0x2b: {  	s6 =	sld [smem:$0x3FB4]  }
0x2c: {  	s7 =	sld [smem:$0x3FB5]  }
0x2d: {  	s3 =	simm.s32 $0x108;
	s8 =	sld [smem:$0x3FB6]  }
0x2e: {  	s3 =	simm.s32 @!p0 $0x1082;
	s9 =	sld [smem:$0x3FB7]  }
0x2f: {  	lr =	sadd.s32 s0, s3;
	s0 =	sld [smem:$0x3FAE]  }
0x30: {  	s3 =	sld [smem:$0x3FB1]  }
0x31: {  	[smem:$0x3FBA] =	sst s10  }
0x32: {  	s10 =	sld [smem:$0x3FB8];
	_ =	sdelay $0x3  }
0x33: {  	p0 =	seq.s32 s10, $0x1;
	s10 =	sld [smem:$0x3FBA];
	_ =	sdelay $0x3  }
0x34: {  	[smem:$0x3FBA] =	sst s10  }
0x35: {  	s10 =	sld [smem:$0x3FB9];
	_ =	sdelay $0x3  }
0x36: {  	p1 =	seq.s32 s10, $0x1;
	s10 =	sld [smem:$0x3FBA];
	_ =	sdelay $0x3  }
0x37: {  	[smem:$0x3FBA] =	sst s10  }
0x38: {  	s10 =	sld [smem:$0x3FBB]  }
0x39: {  	_ = 	snop;
	(pc) =	sbr.ind lr, $3  }
0x3a: {  	_ = 	snop  }
0x3b: {  	_ = 	snop  }
0x3c: {  	p2 =	seq.s32 s10, $0x1;
	s10 =	sld [smem:$0x3FBA]  }
0x3d: {  	_ =	shalt  }
0x3e: {  	_ =	shalt  }
0x3f: {  	_ =	shalt  }
0x40: {  	_ =	shalt  }
0x41: {  	_ =	shalt  }
0x42: {  	_ =	shalt  }
0x43: {  	_ =	shalt  }
0x44: {  	_ =	shalt  }
0x45: {  	_ =	shalt  }
0x46: {  	_ =	shalt  }
0x47: {  	_ =	shalt  }
0x48: {  	_ =	shalt  }
0x49: {  	_ =	shalt  }
0x4a: {  	_ =	shalt  }
0x4b: {  	_ =	shalt  }
0x4c: {  	_ =	shalt  }
0x4d: {  	_ =	shalt  }
0x4e: {  	_ =	shalt  }
0x4f: {  	_ =	shalt  }
0x50: {  	_ =	shalt  }
0x51: {  	_ =	shalt  }
0x52: {  	_ =	shalt  }
0x53: {  	_ =	shalt  }
0x54: {  	_ =	shalt  }
0x55: {  	_ =	shalt  }
0x56: {  	_ =	shalt  }
0x57: {  	_ =	shalt  }
0x58: {  	_ =	shalt  }
0x59: {  	_ =	shalt  }
0x5a: {  	_ =	shalt  }
0x5b: {  	_ =	shalt  }
0x5c: {  	_ =	shalt  }
0x5d: {  	_ =	shalt  }
0x5e: {  	_ =	shalt  }
0x5f: {  	_ =	shalt  }
0x60: {  	_ =	shalt  }
0x61: {  	_ =	shalt  }
0x62: {  	_ =	shalt  }
0x63: {  	_ =	shalt  }
0x64: {  	_ =	shalt  }
0x65: {  	_ =	shalt  }
0x66: {  	_ =	shalt  }
0x67: {  	_ =	shalt  }
0x68: {  	_ =	shalt  }
0x69: {  	_ =	shalt  }
0x6a: {  	_ =	shalt  }
0x6b: {  	_ =	shalt  }
0x6c: {  	_ =	shalt  }
0x6d: {  	_ =	shalt  }
0x6e: {  	_ =	shalt  }
0x6f: {  	_ =	shalt  }
0x70: {  	_ =	shalt  }
0x71: {  	_ =	shalt  }
0x72: {  	_ =	shalt  }
0x73: {  	_ =	shalt  }
0x74: {  	_ =	shalt  }
0x75: {  	_ =	shalt  }
0x76: {  	_ =	shalt  }
0x77: {  	_ =	shalt  }
0x78: {  	_ =	shalt  }
0x79: {  	_ =	shalt  }
0x7a: {  	_ =	shalt  }
0x7b: {  	_ =	shalt  }
0x7c: {  	_ =	shalt  }
0x7d: {  	_ =	shalt  }
0x7e: {  	_ =	shalt  }
0x7f: {  	_ =	shalt  }
0x80: {  	_ =	shalt  }
0x81: {  	_ =	shalt  }
0x82: {  	_ =	shalt  }
0x83: {  	_ =	shalt  }
0x84: {  	_ =	shalt  }
0x85: {  	_ =	shalt  }
0x86: {  	_ =	shalt  }
0x87: {  	_ =	shalt  }
.Lfunc_end0:
.L_simem_size_0:
called_computation_lowered:
.L_overlay_start_0:
0x88: {  	s2 =	sld [smem:$0x3FD9]  }
0x89: {  	s3 =	sld [smem:$0x3FFE];
	_ =	sdelay $0x1  }
0x8a: {  	s1 =	srdreg.scid  }
0x8b: {  	s0 =	sand.u32 $0x1, s1  }
0x8c: {  	s17 =	sshll.u32 s0, $0xA;
	s2 =	sadd.s32 s3, s2  }
0x8d: {  	s2 =	sadd.s32 s2, s17  }
0x8e: {  	[smem:$0x3FC6] =	sst s2  }
0x8f: {  	_ = 	snop  }
0x90: {  	s2 =	sld [smem:$0x3FC9];
	(tm) =	ssettm $0x1  }
0x91: {  	s18 =	sld [smem:$0x3FFB];
	_ =	sdelay $0x3  }
0x92: {  	_ =	strace s18  }
0x93: {  	s3 =	sld [smem:$0x3FFC];
	_ =	sdelay $0x3  }
0x94: {  	_ =	strace s3  }
0x95: {  	s3 =	sld [smem:$0x3FFD];
	_ =	sdelay $0x3  }
0x96: {  	_ =	strace s3  }
0x97: {  	_ =	strace $0x8FFFFFFF  }
0x98: {  	s19 =	sld [smem:$0x3FDB];
	_ =	sdelay $0x1  }
0x99: {  	s4 =	simm.s32 $_scs_section_size  }
0x9a: {  	s5 =	simm.s32 $_size__tile_overlayer_lowered;
	s6 =	simm.s32 $_tile_overlayer_lowered  }
0x9b: {  	s22 =	simm.s32 $0x1BFF;
	s21 =	sshll.u32 s6, $0x1;
	s3 =	sadd.s32 s4, s19  }
0x9c: {  	s7 =	simm.s32 $0x0;
	s20 =	sshll.u32 s5, $0x1;
	s5 =	sadd.s32 s21, s3  }
0x9d: {  	[timem:s7], [sflag:s22] =	dma.local [hbm:s5], s20  }
0x9e: {  	_ =	swait.ge [sflag:s22], s20  }
0x9f: {  	s4 =	ssub.s32 $0x0, s20;
	[sflag:s22] =	ssyncset.done $0x0  }
0xa0: {  	[sflag:s22] =	ssyncadd.s32 s4;
	_ =	sdelay $0x1  }
0xa1: {  	s23 =	simm.s32 $0x1B8B  }
0xa2: {  	_ =	swait.ge [sflag:s23], $0x1  }
0xa3: {  	[sflag:s23] =	ssyncset.done $0x0  }
0xa4: {  	s25 =	simm.s32 $0x1B8E;
	s24 =	sld [smem:$0x3FFE];
	[sflag:s23] =	ssyncadd.s32 $0xFFFFFFFF  }
0xa5: {  	s26 =	simm.s32 $execute0_lowered;
	[smem:$0x3FD2] =	sst s25  }
0xa6: {  	s5 =	sshll.u32 s26, $0x1;
	_ =	strace $0x80000046;
	[dreg:$0x1] =	wrdreg $0xFFFFFFFF  }
0xa7: {  	s28 =	simm.s32 $_size_execute0_lowered;
	s3 =	sadd.s32 s3, s5;
	[dreg:$0x0] =	wrdreg $0x0  }
0xa8: {  	s5 =	sshll.u32 s28, $0x1;
	[dreg:$0x2] =	wrdreg s3  }
0xa9: {  	[dreg:$0x3] =	wrdreg s5  }
0xaa: {  	[dreg:$0x4] =	wrdreg $0xC0  }
0xab: {  	_ =	task [dreg:s7], $0x5FFFF  }
0xac: {  	[dreg:$0x1] =	wrdreg $0xFFFFFFFF  }
0xad: {  	[dreg:$0x0] =	wrdreg $0x60  }
0xae: {  	[dreg:$0x2] =	wrdreg s2  }
0xaf: {  	[dreg:$0x3] =	wrdreg s24  }
0xb0: {  	[dreg:$0x4] =	wrdreg $0x9  }
0xb1: {  	_ =	task.clear_ibuf [dreg:s7], $0x5FFFF;
	_ =	strace $0x90000046  }
0xb2: {  	s29 =	simm.s32 $0x9;
	_ =	strace $0x80000048  }
0xb3: {  	_ =	swait.ge [sflag:s29], $0x1  }
0xb4: {  	[sflag:s29] =	ssyncadd.s32 $0xFFFFFFFF  }
0xb5: {  	_ =	strace $0x90000048  }
0xb6: {  	_ =	sfence  }
0xb7: {  	s30 =	sld [smem:$0x0];
	_ =	sdelay $0x2  }
0xb8: {  	s31 =	sshll.u32 s1, $0xD;
	s1 =	sshrl.u32 s1, $0x2  }
0xb9: {  	s3 =	sand.u32 $0x4000, s31;
	s1 =	sadd.s32 s1, s30  }
0xba: {  	s0 =	sor.u32 s3, s0;
	s1 =	sshll.u32 s1, $0x11  }
0xbb: {  	s0 =	sor.u32 s1, s0  }
0xbc: {  	s0 =	sadd.s32 $0x8F2B, s0  }
0xbd: {  	[sflag:s0] =	ssyncadd.remote.s32 $0x1  }
0xbe: {  	_ =	sfence.sel $0xFFFF  }
0xbf: {  	[dreg:$0x0] =	wrdreg $0xFFFFFFFF;
	(pc) =	sbr.abs _section_cstart, $3  }
0xc0: {  	[dreg:$0x1] =	wrdreg $0xFFFFFFFF  }
0xc1: {  	_ =	task.clear_ibuf [dreg:s7], $0x2FFFF;
	_ =	strace $0x9FFFFFFF  }
0xc2: {  	(tm) =	ssettm $0x7FFFFFFF  }
0xc3: {  	_ =	shalt  }
tec
execute0_lowered:
.L_overlay_start_1:
0x0: {  	(tag) =	ssettag $0x1  }
0x1: {  	s0 =	rddreg [dreg:$0x0]  }
0x2: {  	s1 =	rddreg [dreg:$0x1]  }
0x3: {  	s2 =	simm.s32 $0x0;
	s3 =	srdreg.scid;
	s5 =	stileid.u32  }
0x4: {  	s3 =	sand.u32 $0x1, s3;
	s4 =	sshrl.u32 s5, $0x2;
	s5 =	sshll.u32 s5, $0x8  }
0x5: {  	[smem:$0x7FF] =	sst s2;
	s6 =	sshll.u32 s3, $0x7;
	s5 =	sand.u32 $0x300, s5  }
0x6: {  	s7 =	smul.u32 $0xC3800, s4;
	_ =	strace $0x80000047;
	s3 =	ssub.s32 $0x2, s3  }
0x7: {  	s4 =	sshll.u32 s4, $0xA;
	s5 =	sor.u32 s6, s5;
	s28 =	sshrl.u32 s3, $0x1  }
0x8: {  	s4 =	sor.u32 s4, s5;
	s5 =	sor.u32 s7, s5;
	s6 =	ssub.s32 s3, s28  }
0x9: {  	vm0 =	vmmov $0x1;
	vm3 =	vcmask $0xB10;
	vm4 =	vcmask $0xF14;
	s4 =	sshrl.u32 s4, $0x3;
	s5 =	sshrl.u32 s5, $0x3;
	s31 =	smax.u32 s6, $0x1  }
0xa: {  	vm5 =	vcmask $0x1318;
	vm6 =	vcmask $0x171C;
	vm7 =	vcmask $0x1B20;
	s1 =	sadd.s32 s4, s1;
	s0 =	sadd.s32 s0, s5;
	[dreg:$0x6] =	wrdreg s31  }
0xb: {  	v0 =	vimm.s32 $0x0;
	vm8 =	vcmask $0x300;
	vm9 =	vcmask $0x704;
	[dreg:$0x3] =	wrdreg s0;
	s29 =	sadd.s32 $0x600, s1  }
0xc: {  	vm10 =	vcmask $0xB08;
	vm11 =	vcmask $0xF0C;
	vm12 =	vcmask $0x1310;
	s30 =	sadd.s32 $0x800, s1;
	[dreg:$0x4] =	wrdreg s29  }
0xd: {  	vm13 =	vcmask $0x1714;
	vm14 =	vcmask $0x1B18;
	vm15 =	vcmask $0x1F1C;
	s11 =	simm.s32 $0x1;
	s12 =	simm.s32 $0x0;
	[dreg:$0x5] =	wrdreg s30  }
.LBB2_1:
0xe: {  	s0 =	rddreg [dreg:$0x3];
	s1 =	simm.s32 $0x80;
	s3 =	simm.s32 $0x400  }
0xf: {  	[tilespmem:s2], [sflag:$0x1] =	stream.strided.gather [hbm4b:s0+s1], $0x18700, s3, s1, $0x38;
	[tilespmem:$0x18800] =	vst v63  }
0x10: {  	_ =	swait.ge [sflag:s11], $0x18700  }
0x11: {  	[sflag:s11] =	ssyncset.done $0x0  }
0x12: {  	s20 =	simm.s32 $0x18700;
	s19 =	rddreg [dreg:$0x4];
	[sflag:s11] =	ssyncadd.s32 $0xFFFE7900  }
0x13: {  	[tilespmem:s20], [sflag:$0x1] =	stream.linear.gather [hbm4b:s19+s2], $0x80, $0x38;
	[tilespmem:$0x18800] =	vst v63  }
0x14: {  	_ =	swait.ge [sflag:s11], $0x80  }
0x15: {  	[sflag:s11] =	ssyncset.done $0x0  }
0x16: {  	s21 =	simm.s32 $0xA0;
	[sflag:s11] =	ssyncadd.s32 $0xFFFFFF80  }
0x17: {  	v1 =	vld [tilespmem:s21+$0x0]  }
0x18: {  	v2 =	vld [tilespmem:s21+$0x10]  }
0x19: {  	v3 =	vld [tilespmem:s21+$0xFFFFFF60]  }
0x1a: {  	v4 =	vld [tilespmem:s21+$0x20]  }
0x1b: {  	v5 =	vld [tilespmem:s21+$0xFFFFFF70]  }
0x1c: {  	v6 =	vld [tilespmem:s21+$0x30]  }
0x1d: {  	v7 =	vld [tilespmem:s21+$0xFFFFFF80];
	v1 =	vadd.f32 $0.0e+00, v1  }
0x1e: {  	s24 =	simm.s32 $0x1E0;
	v8 =	vld [tilespmem:s21+$0x40]  }
0x1f: {  	v9 =	vld [tilespmem:s24+$0x0];
	v3 =	vadd.f32 $0.0e+00, v3;
	v1 =	vadd.f32 v2, v1  }
0x20: {  	v2 =	vld [tilespmem:s21+$0xFFFFFF90]  }
0x21: {  	v3 =	vadd.f32 v5, v3;
	v5 =	vld [tilespmem:s21+$0x50];
	v1 =	vadd.f32 v4, v1  }
0x22: {  	v4 =	vld [tilespmem:s21+$0xFFFFFFA0]  }
0x23: {  	v3 =	vadd.f32 v7, v3;
	v7 =	vld [tilespmem:s21+$0x60];
	v1 =	vadd.f32 v6, v1  }
0x24: {  	v6 =	vld [tilespmem:s21+$0xFFFFFFB0]  }
0x25: {  	s22 =	simm.s32 $0xA0;
	v2 =	vadd.f32 v2, v3;
	v3 =	vld [tilespmem:s21+$0x70];
	v1 =	vadd.f32 v8, v1  }
0x26: {  	s1 =	sand.u32 $0x7FFE0, s22;
	v8 =	vld [tilespmem:s21+$0xFFFFFFC0]  }
0x27: {  	v2 =	vadd.f32 v4, v2;
	v4 =	vld [tilespmem:s1+$0x80];
	v1 =	vadd.f32 v5, v1  }
0x28: {  	v5 =	vld [tilespmem:s21+$0xFFFFFFD0]  }
0x29: {  	s23 =	sand.u32 $0x3FFC0, s2;
	v2 =	vadd.f32 v6, v2;
	v6 =	vld [tilespmem:s21+$0x90];
	v1 =	vadd.f32 v7, v1  }
0x2a: {  	v7 =	vld [tilespmem:s23+$0x80]  }
0x2b: {  	v2 =	vadd.f32 v8, v2;
	v8 =	vld [tilespmem:s24+$0x10];
	v1 =	vadd.f32 v3, v1  }
0x2c: {  	v3 =	vld [tilespmem:s21+$0xFFFFFFF0]  }
0x2d: {  	v2 =	vadd.f32 v5, v2;
	v1 =	vadd.f32 v4, v1;
	v4 =	vld [tilespmem:s24+$0xFFFFFF60]  }
0x2e: {  	v5 =	vld [tilespmem:s24+$0x20]  }
0x2f: {  	v2 =	vadd.f32 v7, v2;
	v1 =	vadd.f32 v6, v1;
	v6 =	vld [tilespmem:s24+$0xFFFFFF70]  }
0x30: {  	v7 =	vld [tilespmem:s24+$0x30]  }
0x31: {  	v2 =	vadd.f32 v3, v2;
	v3 =	vadd.f32 $0.0e+00, v9;
	(xrf2) =	vadd.scan.msk.f32 $0xffff, v1;
	v1 =	vld [tilespmem:s24+$0xFFFFFF80]  }
0x32: {  	v9 =	vld [tilespmem:s24+$0x40];
	v4 =	vadd.f32 $0.0e+00, v4  }
0x33: {  	(xrf2) =	vadd.scan.msk.f32 $0xffff, v2;
	v2 =	vadd.f32 v8, v3;
	v3 =	vld [tilespmem:s24+$0xFFFFFF90]  }
0x34: {  	v8 =	vld [tilespmem:s24+$0xFFFFFFC0];
	v4 =	vadd.f32 v6, v4  }
0x35: {  	v2 =	vadd.f32 v5, v2;
	v5 =	vld [tilespmem:s24+$0xFFFFFFA0]  }
0x36: {  	v6 =	vld [tilespmem:s24+$0x50];
	v1 =	vadd.f32 v1, v4  }
0x37: {  	v2 =	vadd.f32 v7, v2;
	v7 =	vld [tilespmem:s24+$0xFFFFFFB0]  }
0x38: {  	v4 =	vld [tilespmem:s24+$0x60];
	v1 =	vadd.f32 v3, v1  }
0x39: {  	s25 =	simm.s32 $0x1E0;
	v3 =	vld [tilespmem:s24+$0x70];
	v2 =	vadd.f32 v9, v2  }
0x3a: {  	s0 =	sand.u32 $0x7FFE0, s25;
	v9 =	vld [tilespmem:s24+$0xFFFFFFD0];
	v1 =	vadd.f32 v5, v1  }
0x3b: {  	s26 =	simm.s32 $0x140;
	v5 =	vld [tilespmem:s0+$0x80];
	v2 =	vadd.f32 v6, v2  }
0x3c: {  	s0 =	sand.u32 $0x3FFC0, s26;
	v6, _, _ =	vpop (xrf2);
	v1 =	vadd.f32 v7, v1;
	v7 =	vld [tilespmem:s24+$0x90]  }
0x3d: {  	s13 =	simm.s32 $0x320;
	v10, _, _ =	vpop (xrf2);
	v2 =	vadd.f32 v4, v2;
	v4 =	vld [tilespmem:s0+$0x80]  }
0x3e: {  	(v2sf) =	vpush v10, $0xF;
	v10 =	vld [tilespmem:s13+$0x0]  }
0x3f: {  	v1 =	vadd.f32 v8, v1;
	v2 =	vadd.f32 v3, v2;
	v3 =	vld [tilespmem:s24+$0xFFFFFFF0]  }
0x40: {  	(v2sf) =	vpush v6, $0xF;
	v6 =	vld [tilespmem:s13+$0x10]  }
0x41: {  	v1 =	vadd.f32 v9, v1;
	v2 =	vadd.f32 v5, v2;
	v5 =	vld [tilespmem:s13+$0xFFFFFF60]  }
0x42: {  	v8 =	vld [tilespmem:s13+$0x20]  }
0x43: {  	v1 =	vadd.f32 v4, v1;
	v2 =	vadd.f32 v7, v2;
	v4 =	vld [tilespmem:s13+$0xFFFFFF70]  }
0x44: {  	v9 =	vld [tilespmem:s13+$0x30];
	v7 =	vadd.f32 $0.0e+00, v10  }
0x45: {  	v1 =	vadd.f32 v3, v1;
	(xrf2) =	vadd.scan.msk.f32 $0xffff, v2;
	v2 =	vld [tilespmem:s13+$0xFFFFFF80]  }
0x46: {  	v3 =	vadd.f32 v6, v7;
	v6 =	vld [tilespmem:s13+$0x40];
	v5 =	vadd.f32 $0.0e+00, v5  }
0x47: {  	(xrf2) =	vadd.scan.msk.f32 $0xffff, v1;
	v1 =	vld [tilespmem:s13+$0xFFFFFF90]  }
0x48: {  	v3 =	vadd.f32 v8, v3;
	v4 =	vadd.f32 v4, v5  }
0x49: {  	v5 =	vld [tilespmem:s13+$0x50]  }
0x4a: {  	v7 =	vld [tilespmem:s13+$0xFFFFFFA0];
	v3 =	vadd.f32 v9, v3;
	v2 =	vadd.f32 v2, v4  }
0x4b: {  	v8 =	vld [tilespmem:s13+$0x60]  }
0x4c: {  	v9 =	vld [tilespmem:s13+$0xFFFFFFB0];
	v3 =	vadd.f32 v6, v3;
	v2 =	vadd.f32 v1, v2  }
0x4d: {  	s28 =	simm.f32 $0.0e+00;
	s29 =	simm.s32 $0x320;
	v10 =	vld [tilespmem:s13+$0x70];
	s7 =	spop (v2sf)  }
0x4e: {  	s1 =	sand.u32 $0x7FFE0, s29;
	v1 =	vld [tilespmem:s13+$0xFFFFFFC0];
	v5 =	vadd.f32 v5, v3;
	s7 =	sadd.f32 s7, s28  }
0x4f: {  	v3 =	vld [tilespmem:s1+$0x80];
	v6 =	vadd.f32 v7, v2;
	s30 =	spop (v2sf)  }
0x50: {  	s16 =	simm.s32 $0x280;
	s31 =	simm.s32 $0x0;
	v4 =	vld [tilespmem:s13+$0xFFFFFFD0];
	v8 =	vadd.f32 v8, v5;
	v2, _, _ =	vpop (xrf2);
	s14 =	sadd.f32 s30, s7  }
0x51: {  	s17 =	simm.s32 $0x460;
	s15 =	sand.u32 $0x3FFC0, s16;
	v5 =	vld [tilespmem:s13+$0x90];
	v7 =	vadd.f32 v9, v6;
	[smem:s31] =	sst s7;
	v9, _, _ =	vpop (xrf2)  }
0x52: {  	s0 =	simm.s32 $0x4;
	v6 =	vld [tilespmem:s15+$0x80];
	s15 =	simm.s32 $0x1;
	v8 =	vadd.f32 v10, v8;
	(v2sf) =	vpush v9, $0xF;
	[smem:s11] =	sst s14  }
.LBB2_2:
0x53: {  	v9 =	vld [tilespmem:s17+$0x0];
	v1 =	vadd.f32 v1, v7  }
0x54: {  	v7 =	vld [tilespmem:s13+$0xFFFFFFF0];
	v3 =	vadd.f32 v3, v8;
	(v2sf) =	vpush v2, $0xF;
	s13 =	smov.u32 s17  }
0x55: {  	v2 =	vld [tilespmem:s17+$0x10];
	v1 =	vadd.f32 v4, v1  }
0x56: {  	s0 =	sadd.s32 $0x2, s0;
	v4 =	vld [tilespmem:s17+$0xFFFFFF60];
	v3 =	vadd.f32 v5, v3  }
0x57: {  	p0 =	slt.u32 s0, $0x26E;
	v5 =	vld [tilespmem:s17+$0x20];
	v1 =	vadd.f32 v6, v1  }
0x58: {  	v6 =	vld [tilespmem:s17+$0xFFFFFF70];
	v8 =	vadd.f32 $0.0e+00, v9;
	(xrf2) =	vadd.scan.msk.f32 $0xffff, v3  }
0x59: {  	v3 =	vld [tilespmem:s17+$0x30];
	v1 =	vadd.f32 v7, v1  }
0x5a: {  	v7 =	vld [tilespmem:s17+$0xFFFFFF80];
	v2 =	vadd.f32 v2, v8  }
0x5b: {  	v4 =	vadd.f32 $0.0e+00, v4;
	v8 =	vld [tilespmem:s17+$0x40];
	(xrf2) =	vadd.scan.msk.f32 $0xffff, v1  }
0x5c: {  	v1 =	vld [tilespmem:s17+$0xFFFFFF90];
	v2 =	vadd.f32 v5, v2  }
0x5d: {  	v4 =	vadd.f32 v6, v4;
	v5 =	vld [tilespmem:s17+$0x50]  }
0x5e: {  	v6 =	vld [tilespmem:s17+$0xFFFFFFA0];
	v2 =	vadd.f32 v3, v2  }
0x5f: {  	v3 =	vadd.f32 v7, v4;
	v7 =	vld [tilespmem:s17+$0x60]  }
0x60: {  	s16 =	sadd.s32 $0x140, s16;
	v9 =	vld [tilespmem:s17+$0xFFFFFFB0];
	v4 =	vadd.f32 v8, v2  }
0x61: {  	s1 =	sadd.s32 $0xA0, s16;
	v3 =	vadd.f32 v1, v3;
	v8 =	vld [tilespmem:s17+$0x70];
	s7 =	spop (v2sf)  }
.Ltmp0:
0x62: {  	s1 =	sand.u32 $0x7FFE0, s1;
	v1 =	vld [tilespmem:s17+$0xFFFFFFC0];
	v5 =	vadd.f32 v5, v4;
	v2, _, _ =	vpop (xrf2);
	s7 =	sadd.f32 s7, s14;
	(pc) =	sbr.rel @p0 .LBB2_2-.Ltmp0, $4  }
0x63: {  	s15 =	sadd.s32 $0x2, s15;
	v6 =	vadd.f32 v6, v3;
	v3 =	vld [tilespmem:s1+$0x80];
	s1 =	spop (v2sf)  }
0x64: {  	s18 =	sadd.s32 $0xFFFFFFFF, s15;
	v4 =	vld [tilespmem:s17+$0xFFFFFFD0];
	v10 =	vadd.f32 v7, v5;
	s14 =	sadd.f32 s1, s7  }
0x65: {  	s1 =	sand.u32 $0x3FFC0, s16;
	v7 =	vadd.f32 v9, v6;
	v5 =	vld [tilespmem:s17+$0x90];
	v9, _, _ =	vpop (xrf2);
	[smem:s18] =	sst s7  }
0x66: {  	s17 =	sadd.s32 $0x140, s17;
	v6 =	vld [tilespmem:s1+$0x80];
	v8 =	vadd.f32 v8, v10;
	(v2sf) =	vpush v9, $0xF;
	[smem:s15] =	sst s14  }
0x67: {  	v9 =	vld [tilespmem:$0x18600];
	_ =	sdelay $0x1  }
0x68: {  	v10 =	vld [tilespmem:$0x18610];
	_ =	sdelay $0x1  }
0x69: {  	v11 =	vld [tilespmem:$0x18620]  }
0x6a: {  	v9 =	vadd.f32 $0.0e+00, v9  }
0x6b: {  	v12 =	vld [tilespmem:$0x18630]  }
0x6c: {  	v9 =	vadd.f32 v10, v9  }
0x6d: {  	v29 =	vld [tilespmem:$0x18640]  }
0x6e: {  	v9 =	vadd.f32 v11, v9  }
0x6f: {  	v30 =	vld [tilespmem:$0x18650]  }
0x70: {  	v9 =	vadd.f32 v12, v9  }
0x71: {  	v1 =	vadd.f32 v1, v7;
	v31 =	vld [tilespmem:$0x18660]  }
0x72: {  	v32 =	vld [tilespmem:s13+$0xFFFFFFF0];
	v9 =	vadd.f32 v29, v9  }
0x73: {  	v33 =	vld [tilespmem:$0x18670];
	v1 =	vadd.f32 v4, v1  }
0x74: {  	v3 =	vadd.f32 v3, v8;
	v34 =	vadd.f32 v30, v9  }
0x75: {  	v35 =	vld [tilespmem:$0x18680];
	v1 =	vadd.f32 v6, v1  }
0x76: {  	v3 =	vadd.f32 v5, v3;
	v36 =	vadd.f32 v31, v34  }
0x77: {  	v37 =	vld [tilespmem:$0x18690];
	v1 =	vadd.f32 v32, v1  }
0x78: {  	(xrf2) =	vadd.scan.msk.f32 $0xffff, v3;
	v3 =	vadd.f32 v33, v36  }
0x79: {  	(xrf2) =	vadd.scan.msk.f32 $0xffff, v1  }
0x7a: {  	v1 =	vld [tilespmem:$0x18700];
	v3 =	vadd.f32 v35, v3;
	_ =	sdelay $0x1  }
0x7b: {  	v3 =	vadd.f32 v37, v3;
	_ =	sdelay $0x1  }
0x7c: {  	(xrf2) =	vadd.scan.msk.f32 $0xffff, v3  }
0x7d: {  	v3 =	vnsel vm0, $0x0, v1  }
0x7e: {  	(xrf2) =	vadd.scan.msk.f32 $0xffff, v3;
	_ =	sdelay $0x1  }
0x7f: {  	(v2sf) =	vpush v2, $0xF;
	v2, _, _ =	vpop (xrf2)  }
0x80: {  	v3, _, _ =	vpop (xrf2)  }
0x81: {  	(v2sf) =	vpush v3, $0xF;
	_ =	sdelay $0x1  }
0x82: {  	(v2sf) =	vpush v2, $0xF;
	_ =	sdelay $0x1  }
0x83: {  	v2, _, _ =	vpop (xrf2)  }
0x84: {  	(v2sf) =	vpush v2, $0xF  }
0x85: {  	v2, _, _ =	vpop (xrf2)  }
0x86: {  	(v2sf) =	vpush v2, $0xF;
	_ =	sdelay $0x3  }
0x87: {  	s0 =	spop (v2sf)  }
0x88: {  	s0 =	sadd.f32 s0, s14  }
0x89: {  	s7 =	sadd.s32 $0x2, s15;
	s1 =	spop (v2sf)  }
0x8a: {  	s19 =	sadd.s32 $0xFFFFFFFF, s7;
	s1 =	sadd.f32 s1, s0  }
0x8b: {  	[smem:s19] =	sst s0;
	s20 =	spop (v2sf)  }
0x8c: {  	s0 =	sadd.f32 s20, s1  }
0x8d: {  	[smem:s7] =	sst s1;
	s7 =	sadd.s32 $0x2, s7;
	s21 =	spop (v2sf)  }
0x8e: {  	s22 =	sadd.s32 $0xFFFFFFFF, s7;
	s1 =	sadd.f32 s21, s0  }
0x8f: {  	[smem:s22] =	sst s0  }
0x90: {  	[smem:s7] =	sst s1;
	s23 =	spop (v2sf)  }
0x91: {  	s18 =	sadd.f32 s23, s1  }
0x92: {  	s17 =	sld [smem:$0x138];
	s24 =	spop (v2sf)  }
0x93: {  	s19 =	smul.f32 s24, s18;
	_ =	sdelay $0x1  }
0x94: {  	p0 =	sle.f32 s17, s19  }
0x95: {  	s0 =	simm.s32 $0x1D5  }
0x96: {  	s0 =	simm.s32 @!p0 $0x9C  }
0x97: {  	s25 =	sld [smem:s0+$0x0];
	_ =	sdelay $0x2  }
0x98: {  	s13 =	simm.s32 $0x139;
	s7 =	simm.s32 $0x271;
	p1 =	sle.f32 s25, s19  }
0x99: {  	s13 =	simm.s32 @!p0 $0x0;
	s7 =	simm.s32 @!p0 $0x138;
	s1 =	sadd.s32 $0x1, s0  }
0x9a: {  	s13 =	smov.u32 @p1 s1;
	s0 =	smov.u32 @p1 s7  }
0x9b: {  	s1 =	sadd.s32 s13, s0  }
0x9c: {  	[smem:$0x270] =	sst s18;
	s1 =	sshrl.u32 s1, $0x1  }
0x9d: {  	s26 =	sld [smem:s1+$0x0];
	_ =	sdelay $0x2  }
0x9e: {  	p1 =	slt.u32 s13, s0;
	p0 =	sle.f32 s26, s19  }
0x9f: {  	s14 =	smov.u32 s13;
	s15 =	smov.u32 s0;
	s7 =	sadd.s32 $0x1, s1  }
0xa0: {  	s15 =	smov.u32 @p1 s1;
	s14 =	smov.u32 @p0 s7  }
0xa1: {  	s15 =	smov.u32 @p0 s0;
	s13 =	smov.u32 @p1 s14  }
0xa2: {  	s0 =	sxor.u32 s13, s15  }
0xa3: {  	s28 =	sand.u32 s13, s15;
	s0 =	sshrl.u32 s0, $0x1  }
0xa4: {  	s29 =	sld [smem:s28+s0];
	_ =	sdelay $0x2  }
0xa5: {  	s14 =	smov.u32 s15;
	s0 =	sadd.s32 s0, s28;
	p0 =	sle.f32 s29, s19  }
0xa6: {  	p1 =	slt.u32 s13, s15;
	s7 =	smov.u32 s13;
	s1 =	sadd.s32 $0x1, s0  }
0xa7: {  	s14 =	smov.u32 @p1 s0;
	s7 =	smov.u32 @p0 s1  }
0xa8: {  	s14 =	smov.u32 @p0 s15;
	s13 =	smov.u32 @p1 s7  }
0xa9: {  	s30 =	sxor.u32 s13, s14  }
0xaa: {  	s31 =	sand.u32 s13, s14;
	s0 =	sshrl.u32 s30, $0x1  }
0xab: {  	s3 =	sld [smem:s31+s0];
	_ =	sdelay $0x1  }
0xac: {  	vm1 =	vcmask $0x308  }
0xad: {  	v2 =	vsel vm1, $0x0, v1;
	s15 =	smov.u32 s14;
	s0 =	sadd.s32 s0, s31;
	p0 =	sle.f32 s3, s19  }
0xae: {  	(xrf2) =	vadd.scan.msk.f32 $0xffff, v2;
	p1 =	slt.u32 s13, s14;
	s7 =	smov.u32 s13;
	s1 =	sadd.s32 $0x1, s0  }
0xaf: {  	s15 =	smov.u32 @p1 s0;
	s7 =	smov.u32 @p0 s1  }
0xb0: {  	s15 =	smov.u32 @p0 s14;
	s13 =	smov.u32 @p1 s7  }
0xb1: {  	s4 =	sadd.s32 s13, s15  }
0xb2: {  	s0 =	sshrl.u32 s4, $0x1  }
0xb3: {  	s5 =	sld [smem:s0+$0x0];
	_ =	sdelay $0x2  }
0xb4: {  	s14 =	smov.u32 s15;
	p0 =	sle.f32 s5, s19  }
0xb5: {  	p1 =	slt.u32 s13, s15;
	s7 =	smov.u32 s13;
	s1 =	sadd.s32 $0x1, s0  }
0xb6: {  	v2, _, _ =	vpop (xrf2);
	s14 =	smov.u32 @p1 s0;
	s7 =	smov.u32 @p0 s1  }
0xb7: {  	(v2sf) =	vpush v2, $0xF;
	s14 =	smov.u32 @p0 s15;
	s13 =	smov.u32 @p1 s7  }
0xb8: {  	s6 =	sadd.s32 s13, s14  }
0xb9: {  	s0 =	sshrl.u32 s6, $0x1  }
0xba: {  	s7 =	sld [smem:s0+$0x0];
	_ =	sdelay $0x2  }
0xbb: {  	s15 =	smov.u32 s14;
	p0 =	sle.f32 s7, s19  }
0xbc: {  	p1 =	slt.u32 s13, s14;
	s1 =	sadd.s32 $0x1, s0;
	s7 =	smov.u32 s13  }
0xbd: {  	s15 =	smov.u32 @p1 s0;
	s7 =	smov.u32 @p0 s1  }
0xbe: {  	s15 =	smov.u32 @p0 s14;
	s13 =	smov.u32 @p1 s7  }
0xbf: {  	s8 =	sadd.s32 s13, s15  }
0xc0: {  	s0 =	sshrl.u32 s8, $0x1  }
0xc1: {  	s9 =	sld [smem:s0+$0x0];
	_ =	sdelay $0x2  }
0xc2: {  	s10 =	spop (v2sf);
	p0 =	sle.f32 s9, s19  }
0xc3: {  	s21 =	smul.f32 s10, s18;
	s7 =	smov.u32 s13;
	s1 =	sadd.s32 $0x1, s0  }
0xc4: {  	p1 =	slt.u32 s13, s15;
	s7 =	smov.u32 @p0 s1;
	s1 =	smov.u32 s15  }
0xc5: {  	s1 =	smov.u32 @p1 s0;
	s13 =	smov.u32 @p1 s7;
	p1 =	sle.f32 s17, s21  }
0xc6: {  	s7 =	simm.s32 $0x1D5  }
0xc7: {  	s7 =	simm.s32 @!p1 $0x9C  }
0xc8: {  	s1 =	smov.u32 @p0 s15;
	s22 =	sld [smem:s7+$0x0]  }
0xc9: {  	s16 =	sadd.s32 s13, s1  }
0xca: {  	s14 =	simm.s32 $0x139;
	s0 =	sshrl.u32 s16, $0x1  }
0xcb: {  	s16 =	simm.s32 $0x271;
	s20 =	sld [smem:s0+$0x0];
	p2 =	sle.f32 s22, s21  }
0xcc: {  	s14 =	simm.s32 @!p1 $0x0;
	s15 =	sadd.s32 $0x1, s7;
	s16 =	simm.s32 @!p1 $0x138  }
0xcd: {  	p1 =	slt.u32 s13, s1;
	s14 =	smov.u32 @p2 s15;
	s7 =	smov.u32 @p2 s16  }
0xce: {  	p0 =	sle.f32 s20, s19;
	s15 =	smov.u32 s1;
	s16 =	sadd.s32 s14, s7  }
0xcf: {  	s20 =	sadd.s32 $0x1, s0;
	s15 =	smov.u32 @p1 s0;
	s0 =	sshrl.u32 s16, $0x1  }
0xd0: {  	s22 =	smov.u32 s13;
	s23 =	sld [smem:s0+$0x0]  }
0xd1: {  	s22 =	smov.u32 @p0 s20  }
0xd2: {  	s13 =	smov.u32 @p1 s22;
	s15 =	smov.u32 @p0 s1;
	p1 =	slt.u32 s14, s7  }
0xd3: {  	s22 =	smov.u32 s14;
	s24 =	sadd.s32 s13, s15;
	p0 =	sle.f32 s23, s21  }
0xd4: {  	s20 =	sadd.s32 $0x1, s0;
	s16 =	sshrl.u32 s24, $0x1;
	s23 =	smov.u32 s7  }
0xd5: {  	s25 =	smin.u32 s16, $0x270;
	s23 =	smov.u32 @p1 s0;
	s22 =	smov.u32 @p0 s20  }
0xd6: {  	s26 =	sld [smem:s25+$0x0];
	s23 =	smov.u32 @p0 s7;
	s14 =	smov.u32 @p1 s22  }
0xd7: {  	s28 =	sxor.u32 s14, s23  }
0xd8: {  	s29 =	sand.u32 s14, s23;
	s0 =	sshrl.u32 s28, $0x1  }
0xd9: {  	p0 =	sle.f32 s26, s19;
	s30 =	sld [smem:s29+s0]  }
0xda: {  	s7 =	sadd.s32 $0x1, s16;
	s16 =	smov.u32 s13  }
0xdb: {  	p1 =	slt.u32 s13, s15;
	s15 =	smov.u32 s14;
	s16 =	smov.u32 @p0 s7  }
0xdc: {  	s13 =	smov.u32 @p1 s16;
	s0 =	sadd.s32 s0, s29;
	p0 =	sle.f32 s30, s21  }
0xdd: {  	p1 =	slt.u32 s14, s23;
	s16 =	smov.u32 s23;
	s7 =	sadd.s32 $0x1, s0  }
0xde: {  	s16 =	smov.u32 @p1 s0;
	s15 =	smov.u32 @p0 s7  }
0xdf: {  	vm1 =	vcmask $0x70C;
	s31 =	smin.u32 s13, $0x270;
	s16 =	smov.u32 @p0 s23;
	s14 =	smov.u32 @p1 s15  }
0xe0: {  	v46 =	vsel vm1, $0x0, v1;
	s3 =	smul.u32 $0xA0, s31;
	s4 =	sxor.u32 s14, s16  }
0xe1: {  	(xrf2) =	vadd.scan.msk.f32 $0xffff, v46;
	s5 =	sand.u32 s14, s16;
	s0 =	sshrl.u32 s4, $0x1  }
0xe2: {  	v38 =	vld [tilespmem:s3+$0x0];
	s6 =	sld [smem:s5+s0]  }
0xe3: {  	v39 =	vld [tilespmem:s3+$0x10]  }
0xe4: {  	v40 =	vld [tilespmem:s3+$0x20]  }
0xe5: {  	v41 =	vld [tilespmem:s3+$0x30];
	s22 =	smov.u32 s16;
	s0 =	sadd.s32 s0, s5;
	p0 =	sle.f32 s6, s21  }
0xe6: {  	v42 =	vld [tilespmem:s3+$0x40];
	p1 =	slt.u32 s14, s16;
	s15 =	smov.u32 s14;
	s7 =	sadd.s32 $0x1, s0  }
0xe7: {  	v43 =	vld [tilespmem:s3+$0x50];
	s22 =	smov.u32 @p1 s0;
	s15 =	smov.u32 @p0 s7  }
0xe8: {  	v44 =	vld [tilespmem:s3+$0x60];
	s22 =	smov.u32 @p0 s16;
	s14 =	smov.u32 @p1 s15  }
0xe9: {  	v45 =	vld [tilespmem:s3+$0x70];
	s7 =	smax.u32 s13, $0x1;
	s8 =	sadd.s32 s14, s22  }
0xea: {  	v3 =	vld [tilespmem:s3+$0x80];
	s20 =	sld [smem:s7+$0xFFFFFFFF];
	s0 =	sshrl.u32 s8, $0x1  }
0xeb: {  	v2 =	vld [tilespmem:s3+$0x90];
	s9 =	sld [smem:s0+$0x0];
	v12, _, _ =	vpop (xrf2)  }
0xec: {  	(v2sf) =	vpush v12, $0xF;
	_ =	sdelay $0xe  }
0xed: {  	s10 =	spop (v2sf)  }
0xee: {  	s25 =	smul.f32 s10, s18;
	_ =	sdelay $0x1  }
0xef: {  	p1 =	sle.f32 s17, s25  }
0xf0: {  	s7 =	simm.s32 $0x1D5  }
0xf1: {  	s7 =	simm.s32 @!p1 $0x9C  }
0xf2: {  	s15 =	sld [smem:s7+$0x0]  }
0xf3: {  	s23 =	simm.s32 $0x271;
	s26 =	smov.u32 s22;
	s8 =	simm.s32 $0x139  }
0xf4: {  	p0 =	slt.u32 s14, s22;
	s24 =	smov.u32 s14;
	s8 =	simm.s32 @!p1 $0x0  }
0xf5: {  	v47 =	vsel vm3, $0x0, v1;
	s23 =	simm.s32 @!p1 $0x138;
	p1 =	sle.f32 s9, s21;
	p2 =	sle.f32 s15, s25  }
0xf6: {  	s16 =	sadd.s32 $0x1, s0;
	s26 =	smov.u32 @p0 s0;
	(xrf2) =	vadd.scan.msk.f32 $0xffff, v47;
	s1 =	sadd.s32 $0x1, s7  }
0xf7: {  	s24 =	smov.u32 @p1 s16;
	s8 =	smov.u32 @p2 s1;
	s7 =	smov.u32 @p2 s23  }
0xf8: {  	s26 =	smov.u32 @p1 s22;
	s14 =	smov.u32 @p0 s24;
	s16 =	sadd.s32 s8, s7  }
0xf9: {  	s22 =	sadd.s32 s14, s26;
	s0 =	sshrl.u32 s16, $0x1  }
0xfa: {  	s1 =	sshrl.u32 s22, $0x1;
	s23 =	sld [smem:s0+$0x0]  }
0xfb: {  	s24 =	sld [smem:s1+$0x0];
	_ =	sdelay $0x1  }
0xfc: {  	p2 =	slt.u32 s8, s7;
	s22 =	sadd.s32 $0x1, s1;
	p1 =	sle.f32 s23, s25  }
0xfd: {  	s16 =	sadd.s32 $0x1, s0;
	p0 =	sle.f32 s24, s21;
	s23 =	smov.u32 s8  }
0xfe: {  	s24 =	smov.u32 s14;
	s23 =	smov.u32 @p1 s16;
	s16 =	smov.u32 s7  }
0xff: {  	v50, _, _ =	vpop (xrf2);
	s24 =	smov.u32 @p0 s22;
	s8 =	smov.u32 @p2 s23;
	s16 =	smov.u32 @p2 s0  }
0x100: {  	(v2sf) =	vpush v50, $0xF;
	p2 =	slt.u32 s14, s26;
	s0 =	smov.u32 s26;
	s16 =	smov.u32 @p1 s7  }
0x101: {  	s14 =	smov.u32 @p2 s24;
	s0 =	smov.u32 @p2 s1;
	s28 =	sxor.u32 s8, s16  }
0x102: {  	v48 =	vsel vm4, $0x0, v1;
	s0 =	smov.u32 @p0 s26;
	s7 =	sand.u32 s8, s16;
	s1 =	sshrl.u32 s28, $0x1  }
0x103: {  	(xrf2) =	vadd.scan.msk.f32 $0xffff, v48;
	s29 =	sadd.s32 s14, s0;
	s30 =	sld [smem:s7+s1]  }
0x104: {  	v49 =	vsel vm5, $0x0, v1;
	s22 =	sshrl.u32 s29, $0x1  }
0x105: {  	(xrf2) =	vadd.scan.msk.f32 $0xffff, v49;
	s31 =	sld [smem:s22+$0x0]  }
0x106: {  	s1 =	sadd.s32 s1, s7;
	p0 =	sle.f32 s30, s25  }
0x107: {  	s23 =	smov.u32 s8;
	p2 =	slt.u32 s8, s16;
	s7 =	sadd.s32 $0x1, s1  }
0x108: {  	v51 =	vsel vm6, $0x0, v1;
	s24 =	smov.u32 s14;
	p1 =	sle.f32 s31, s21;
	s23 =	smov.u32 @p0 s7  }
0x109: {  	(xrf2) =	vadd.scan.msk.f32 $0xffff, v51;
	s7 =	sadd.s32 $0x1, s22;
	s8 =	smov.u32 @p2 s23;
	s23 =	smov.u32 s16  }
0x10a: {  	v1 =	vsel vm7, $0x0, v1;
	s24 =	smov.u32 @p1 s7;
	s23 =	smov.u32 @p2 s1  }
0x10b: {  	(xrf2) =	vadd.scan.msk.f32 $0xffff, v1;
	p2 =	slt.u32 s14, s0;
	s1 =	smov.u32 s0;
	s23 =	smov.u32 @p0 s16  }
0x10c: {  	(xrf2) =	vadd.scan.msk.f32 $0xffff, v38;
	s1 =	smov.u32 @p2 s22;
	s14 =	smov.u32 @p2 s24;
	s3 =	sxor.u32 s8, s23  }
0x10d: {  	v1, _, _ =	vpop (xrf2);
	s1 =	smov.u32 @p1 s0;
	s16 =	sand.u32 s8, s23;
	s0 =	sshrl.u32 s3, $0x1  }
0x10e: {  	(v2sf) =	vpush v1, $0xF;
	(xrf2) =	vadd.scan.msk.f32 $0xffff, v39;
	s4 =	sadd.s32 s14, s1;
	s5 =	sld [smem:s16+s0]  }
0x10f: {  	v1, _, _ =	vpop (xrf2);
	s10 =	spop (v2sf);
	s22 =	smov.u32 s8;
	s7 =	sshrl.u32 s4, $0x1  }
0x110: {  	(v2sf) =	vpush v1, $0xF;
	(xrf2) =	vadd.scan.msk.f32 $0xffff, v40;
	s24 =	smul.f32 s10, s18;
	p2 =	slt.u32 s8, s23;
	s6 =	sld [smem:s7+$0x0]  }
0x111: {  	s26 =	smov.u32 s23;
	s0 =	sadd.s32 s0, s16;
	p1 =	sle.f32 s5, s25  }
0x112: {  	(xrf2) =	vadd.scan.msk.f32 $0xffff, v41;
	s16 =	sadd.s32 $0x1, s0;
	s26 =	smov.u32 @p2 s0;
	s0 =	sadd.s32 $0x1, s7  }
0x113: {  	v1, _, _ =	vpop (xrf2);
	p0 =	sle.f32 s6, s21;
	s22 =	smov.u32 @p1 s16;
	s26 =	smov.u32 @p1 s23  }
0x114: {  	(xrf2) =	vadd.scan.msk.f32 $0xffff, v42;
	(v2sf) =	vpush v1, $0xF;
	s16 =	smov.u32 s14;
	p1 =	slt.u32 s14, s1;
	s8 =	smov.u32 @p2 s22  }
0x115: {  	v1, _, _ =	vpop (xrf2);
	s16 =	smov.u32 @p0 s0;
	s0 =	smov.u32 s1;
	s22 =	sadd.s32 s8, s26  }
0x116: {  	(xrf2) =	vadd.scan.msk.f32 $0xffff, v43;
	(v2sf) =	vpush v1, $0xF;
	v1, _, _ =	vpop (xrf2);
	s29 =	smov.u32 s26;
	s0 =	smov.u32 @p1 s7;
	s22 =	sshrl.u32 s22, $0x1  }
0x117: {  	(v2sf) =	vpush v1, $0xF;
	s14 =	smov.u32 @p1 s16;
	s0 =	smov.u32 @p0 s1;
	s9 =	sld [smem:s22+$0x0]  }
0x118: {  	(xrf2) =	vadd.scan.msk.f32 $0xffff, v44;
	v52, _, _ =	vpop (xrf2);
	s16 =	smov.u32 s8;
	p1 =	sle.f32 s17, s24;
	s1 =	sadd.s32 s14, s0  }
0x119: {  	(v2sf) =	vpush v52, $0xF;
	p0 =	slt.u32 s8, s26;
	s7 =	sadd.s32 $0x1, s22;
	s15 =	sshrl.u32 s1, $0x1  }
0x11a: {  	v53, _, _ =	vpop (xrf2);
	(xrf2) =	vadd.scan.msk.f32 $0xffff, v45;
	s29 =	smov.u32 @p0 s22;
	s1 =	smin.u32 s15, $0x270;
	p2 =	sle.f32 s9, s25  }
0x11b: {  	(v2sf) =	vpush v53, $0xF;
	s23 =	sadd.s32 $0x1, s15;
	s28 =	sld [smem:s1+$0x0];
	s1 =	simm.s32 $0x1D5  }
0x11c: {  	v54, _, _ =	vpop (xrf2);
	(xrf2) =	vadd.scan.msk.f32 $0xffff, v3;
	s1 =	simm.s32 @!p1 $0x9C;
	s16 =	smov.u32 @p2 s7;
	s29 =	smov.u32 @p2 s26  }
0x11d: {  	(v2sf) =	vpush v54, $0xF;
	s30 =	sld [smem:s1+$0x0];
	s26 =	spop (v2sf);
	s8 =	smov.u32 @p0 s16  }
0x11e: {  	v3, _, _ =	vpop (xrf2);
	p0 =	slt.u32 s14, s0;
	p2 =	sle.f32 s28, s21;
	s16 =	simm.s32 $0x139  }
0x11f: {  	(v2sf) =	vpush v3, $0xF;
	s28 =	simm.s32 $0x271;
	s22 =	spop (v2sf);
	s31 =	sadd.s32 s8, s29  }
0x120: {  	v55, _, _ =	vpop (xrf2);
	s16 =	simm.s32 @!p1 $0x0;
	s28 =	simm.s32 @!p1 $0x138;
	s15 =	smov.u32 s8  }
0x121: {  	(v2sf) =	vpush v55, $0xF;
	s7 =	sshrl.u32 s31, $0x1;
	p1 =	sle.f32 s30, s24;
	s31 =	smov.u32 s14  }
0x122: {  	v56, _, _ =	vpop (xrf2);
	s30 =	sadd.s32 $0x1, s1;
	s3 =	sld [smem:s7+$0x0];
	s31 =	smov.u32 @p2 s23  }
0x123: {  	s16 =	smov.u32 @p1 s30;
	s1 =	smov.u32 @p1 s28;
	s28 =	spop (v2sf);
	(v2sf) =	vpush v56, $0xF  }
0x124: {  	v57, _, _ =	vpop (xrf2);
	s14 =	smov.u32 @p0 s31;
	p1 =	seq.s32 s13, $0x0;
	s4 =	sadd.s32 s16, s1  }
0x125: {  	s23 =	spop (v2sf);
	(v2sf) =	vpush v57, $0xF;
	p0 =	sle.f32 s3, s25;
	s31 =	sshrl.u32 s4, $0x1  }
0x126: {  	v58, _, _ =	vpop (xrf2);
	s20 =	simm.s32 @p1 $0x0;
	s9 =	spop (v2sf);
	s5 =	sld [smem:s31+$0x0]  }
0x127: {  	s0 =	sadd.s32 $0x1, s7;
	p1 =	slt.u32 s8, s29;
	(v2sf) =	vpush v58, $0xF;
	s9 =	sadd.f32 s9, s20  }
0x128: {  	s30 =	smov.u32 s16;
	s6 =	spop (v2sf);
	s15 =	smov.u32 @p0 s0  }
0x129: {  	s0 =	smov.u32 s29;
	s8 =	smov.u32 @p1 s15;
	s15 =	sadd.f32 s6, s9  }
0x12a: {  	s10 =	spop (v2sf);
	s0 =	smov.u32 @p1 s7;
	p1 =	sle.f32 s5, s24  }
0x12b: {  	s0 =	smov.u32 @p0 s29;
	s29 =	sadd.s32 $0x1, s31;
	s10 =	sadd.f32 s10, s15  }
0x12c: {  	s3 =	spop (v2sf);
	p0 =	slt.u32 s16, s1;
	s30 =	smov.u32 @p1 s29  }
0x12d: {  	s16 =	smov.u32 @p0 s30;
	s30 =	smov.u32 s1;
	s29 =	sadd.f32 s3, s10  }
0x12e: {  	(xrf2) =	vadd.scan.msk.f32 $0xffff, v2;
	v1 =	vadd.f32 s20, v1;
	v6 =	vadd.f32 s9, v52;
	s4 =	sadd.s32 s8, s0;
	s30 =	smov.u32 @p0 s31;
	s5 =	spop (v2sf)  }
0x12f: {  	s7 =	sshrl.u32 s4, $0x1;
	s30 =	smov.u32 @p1 s1;
	s6 =	sadd.f32 s5, s29  }
0x130: {  	vm1 =	vle.f32 v1, s19;
	vm2 =	vle.f32 v6, s19;
	v1 =	vadd.f32 s15, v53;
	s9 =	sld [smem:s7+$0x0];
	s4 =	spop (v2sf);
	s3 =	sxor.u32 s16, s30  }
0x131: {  	v2 =	vsel vm1, $0x1, v0;
	v59 =	vsel vm2, $0x1, v0;
	v4 =	vadd.f32 s10, v54;
	s31 =	sand.u32 s16, s30;
	s20 =	sshrl.u32 s3, $0x1;
	s10 =	sadd.f32 s4, s6  }
0x132: {  	v2 =	vadd.s32 v2, v59;
	vm1 =	vle.f32 v1, s19;
	s5 =	sld [smem:s31+s20];
	s3 =	spop (v2sf)  }
0x133: {  	v1 =	vsel vm1, $0x1, v0;
	vm1 =	vle.f32 v4, s19;
	v3 =	vadd.f32 s29, v3;
	s4 =	smin.u32 s14, $0x270;
	s3 =	sadd.f32 s3, s10  }
0x134: {  	v1 =	vadd.s32 v1, v2;
	v2 =	vsel vm1, $0x1, v0;
	v60 =	vadd.f32 s6, v55;
	s29 =	smul.u32 $0xA0, s4;
	s6 =	spop (v2sf)  }
0x135: {  	s15 =	smov.u32 s16;
	v1 =	vadd.s32 v2, v1;
	vm1 =	vle.f32 v3, s19;
	s1 =	sadd.f32 s6, s3  }
0x136: {  	s4 =	sadd.s32 s20, s31;
	v3 =	vsel vm1, $0x1, v0;
	vm1 =	vle.f32 v60, s19;
	v61 =	vadd.f32 s10, v56;
	v2 =	vld [tilespmem:s29+$0x0];
	p1 =	sle.f32 s5, s24;
	s5 =	spop (v2sf)  }
0x137: {  	p0 =	sle.f32 s9, s25;
	s9 =	sadd.s32 $0x1, s4;
	v1 =	vadd.s32 v3, v1;
	v3 =	vsel vm1, $0x1, v0;
	v62 =	vadd.f32 s3, v57;
	s6 =	sadd.f32 s5, s1  }
0x138: {  	v9, _, _ =	vpop (xrf2);
	p2 =	slt.u32 s16, s30;
	v63 =	vld [tilespmem:s29+$0x10];
	s10 =	smov.u32 s8;
	v1 =	vadd.s32 v3, v1;
	vm1 =	vle.f32 v61, s19;
	s15 =	smov.u32 @p1 s9;
	v3 =	vadd.f32 s1, v58  }
0x139: {  	v10 =	vsel vm1, $0x1, v0;
	s9 =	sadd.s32 $0x1, s7;
	s16 =	smov.u32 @p2 s15;
	s15 =	smov.u32 s30;
	vm1 =	vle.f32 v62, s19;
	v4 =	vadd.f32 s6, v9  }
0x13a: {  	v11 =	vld [tilespmem:s29+$0x20];
	v1 =	vadd.s32 v10, v1;
	s10 =	smov.u32 @p0 s9;
	s15 =	smov.u32 @p2 s4;
	v12 =	vsel vm1, $0x1, v0;
	vm1 =	vle.f32 v3, s19  }
0x13b: {  	s1 =	smov.u32 s0;
	p2 =	slt.u32 s8, s0;
	(xrf2) =	vadd.scan.msk.f32 $0xffff, v2;
	s15 =	smov.u32 @p1 s30;
	v1 =	vadd.s32 v12, v1;
	v3 =	vsel vm1, $0x1, v0;
	vm1 =	vle.f32 v4, s19  }
0x13c: {  	v2 =	vld [tilespmem:s29+$0x30];
	s1 =	smov.u32 @p2 s7;
	s8 =	smov.u32 @p2 s10;
	s7 =	sxor.u32 s16, s15;
	v1 =	vadd.s32 v3, v1;
	v3 =	vsel vm1, $0x1, v0  }
0x13d: {  	(xrf2) =	vadd.scan.msk.f32 $0xffff, v63;
	s1 =	smov.u32 @p0 s0;
	s10 =	sand.u32 s16, s15;
	s0 =	sshrl.u32 s7, $0x1;
	v1 =	vadd.s32 v3, v1  }
0x13e: {  	s9 =	sadd.s32 s8, s1;
	s19 =	sld [smem:s10+s0];
	v3 =	vld [tilespmem:s29+$0x40];
	(xrf0) =	vadd.scan.msk.s32 $0xffff, v1  }
0x13f: {  	s26 =	smul.f32 s26, s18;
	(xrf2) =	vadd.scan.msk.f32 $0xffff, v11;
	s3 =	sshrl.u32 s9, $0x1  }
0x140: {  	s6 =	smax.u32 s14, $0x1;
	p2 =	slt.u32 s16, s15;
	s20 =	sld [smem:s3+$0x0];
	v1 =	vld [tilespmem:s29+$0x50]  }
0x141: {  	s0 =	sadd.s32 s0, s10;
	s9 =	smov.u32 s15;
	(xrf2) =	vadd.scan.msk.f32 $0xffff, v2;
	p1 =	sle.f32 s19, s24  }
0x142: {  	s7 =	smov.u32 s16;
	s4 =	sadd.s32 $0x1, s0;
	v2 =	vld [tilespmem:s29+$0x60];
	s9 =	smov.u32 @p2 s0  }
0x143: {  	s0 =	sadd.s32 $0x1, s3;
	p0 =	sle.f32 s20, s25;
	s7 =	smov.u32 @p1 s4;
	(xrf2) =	vadd.scan.msk.f32 $0xffff, v3  }
0x144: {  	s4 =	smov.u32 s8;
	s9 =	smov.u32 @p1 s15;
	s16 =	smov.u32 @p2 s7;
	v3 =	vld [tilespmem:s29+$0x70];
	v13, _, _ =	vpop (xrf0)  }
0x145: {  	p1 =	slt.u32 s8, s1;
	s7 =	smov.u32 s1;
	v14, _, _ =	vpop (xrf2);
	s30 =	sadd.s32 s16, s9;
	(xrf2) =	vadd.scan.msk.f32 $0xffff, v1;
	(v2sf) =	vpush v13, $0xF  }
0x146: {  	s4 =	smov.u32 @p0 s0;
	s7 =	smov.u32 @p1 s3;
	v1 =	vld [tilespmem:s29+$0x80];
	s3 =	sshrl.u32 s30, $0x1;
	(v2sf) =	vpush v14, $0xF  }
0x147: {  	s8 =	smov.u32 @p1 s4;
	v15, _, _ =	vpop (xrf2);
	s7 =	smov.u32 @p0 s1;
	(xrf2) =	vadd.scan.msk.f32 $0xffff, v2;
	s0 =	sld [smem:s3+$0x0]  }
0x148: {  	s19 =	simm.s32 $0x139;
	p0 =	sle.f32 s17, s26;
	s1 =	sadd.s32 s8, s7;
	(v2sf) =	vpush v15, $0xF  }
0x149: {  	p2 =	slt.u32 s16, s9;
	v2, _, _ =	vpop (xrf2);
	s10 =	smov.u32 s8;
	s31 =	sshrl.u32 s1, $0x1;
	(xrf2) =	vadd.scan.msk.f32 $0xffff, v3  }
0x14a: {  	s19 =	simm.s32 @!p0 $0x0;
	s1 =	smin.u32 s31, $0x270;
	p1 =	sle.f32 s0, s24;
	(v2sf) =	vpush v2, $0xF  }
0x14b: {  	v3, _, _ =	vpop (xrf2);
	s5 =	sld [smem:s1+$0x0];
	s0 =	sadd.s32 $0x1, s3;
	s1 =	smov.u32 s16;
	(xrf2) =	vadd.scan.msk.f32 $0xffff, v1  }
0x14c: {  	s4 =	sadd.s32 $0x1, s31;
	(v2sf) =	vpush v3, $0xF;
	s1 =	smov.u32 @p1 s0;
	s0 =	smov.u32 s9  }
0x14d: {  	s16 =	smov.u32 @p2 s1;
	s0 =	smov.u32 @p2 s3;
	s1 =	simm.s32 $0x1D5;
	v1, _, _ =	vpop (xrf2)  }
0x14e: {  	p2 =	sle.f32 s5, s25;
	s3 =	sld [smem:s6+$0xFFFFFFFF];
	s1 =	simm.s32 @!p0 $0x9C;
	(v2sf) =	vpush v1, $0xF  }
0x14f: {  	s0 =	smov.u32 @p1 s9;
	p1 =	slt.u32 s8, s7;
	s15 =	sld [smem:s1+$0x0];
	v16, _, _ =	vpop (xrf2)  }
0x150: {  	s9 =	simm.s32 $0x271;
	s10 =	smov.u32 @p2 s4;
	s20 =	sadd.s32 s16, s0;
	(v2sf) =	vpush v16, $0xF  }
0x151: {  	s9 =	simm.s32 @!p0 $0x138;
	p0 =	seq.s32 s14, $0x0;
	p2 =	slt.u32 s16, s0;
	v17, _, _ =	vpop (xrf2)  }
0x152: {  	s8 =	smov.u32 @p1 s10;
	s4 =	sshrl.u32 s20, $0x1;
	(v2sf) =	vpush v17, $0xF;
	p1 =	sle.f32 s15, s26  }
0x153: {  	s10 =	sadd.s32 $0x1, s1;
	s3 =	simm.s32 @p0 $0x0;
	s30 =	sld [smem:s4+$0x0];
	v18, _, _ =	vpop (xrf2)  }
0x154: {  	s19 =	smov.u32 @p1 s10;
	s1 =	smov.u32 @p1 s9;
	s20 =	spop (v2sf);
	(v2sf) =	vpush v18, $0xF  }
0x155: {  	s15 =	smov.u32 s16;
	v19, _, _ =	vpop (xrf2);
	s9 =	sadd.s32 s19, s1;
	s31 =	spop (v2sf)  }
0x156: {  	p0 =	sle.f32 s30, s24;
	s7 =	sshrl.u32 s9, $0x1;
	(v2sf) =	vpush v19, $0xF;
	s9 =	sadd.f32 s31, s3  }
0x157: {  	s10 =	sadd.s32 $0x1, s4;
	s5 =	sld [smem:s7+$0x0];
	s6 =	spop (v2sf)  }
0x158: {  	v20 =	vld [tilespmem:s29+$0x90];
	s30 =	smov.u32 s0;
	s15 =	smov.u32 @p0 s10;
	s10 =	sadd.f32 s6, s9  }
0x159: {  	s30 =	smov.u32 @p2 s4;
	s29 =	spop (v2sf)  }
0x15a: {  	s16 =	smov.u32 @p2 s15;
	s4 =	sadd.s32 $0x1, s7;
	s15 =	sadd.f32 s29, s10  }
0x15b: {  	p2 =	slt.u32 s19, s1;
	p1 =	sle.f32 s5, s26;
	s5 =	spop (v2sf)  }
0x15c: {  	s31 =	smov.u32 s19;
	s6 =	smin.u32 s8, $0x270;
	s5 =	sadd.f32 s5, s15  }
0x15d: {  	v4 =	vadd.f32 s3, v14;
	(xrf2) =	vadd.scan.msk.f32 $0xffff, v20;
	v5 =	vadd.f32 s9, v15;
	s31 =	smov.u32 @p1 s4;
	s29 =	smul.u32 $0xA0, s6;
	s6 =	spop (v2sf)  }
0x15e: {  	s19 =	smov.u32 @p2 s31;
	s31 =	smov.u32 s1;
	s3 =	sadd.f32 s6, s5  }
0x15f: {  	vm1 =	vle.f32 v4, s21;
	vm2 =	vle.f32 v5, s21;
	v2 =	vadd.f32 s10, v2;
	s31 =	smov.u32 @p2 s7;
	s9 =	spop (v2sf)  }
0x160: {  	v4 =	vsel vm1, $0x1, v0;
	v5 =	vsel vm2, $0x1, v0;
	v3 =	vadd.f32 s15, v3;
	s31 =	smov.u32 @p1 s1;
	s1 =	sadd.f32 s9, s3  }
0x161: {  	s30 =	smov.u32 @p0 s0;
	v4 =	vadd.s32 v4, v5;
	vm1 =	vle.f32 v2, s21;
	s10 =	sxor.u32 s19, s31;
	s15 =	spop (v2sf)  }
0x162: {  	v2 =	vsel vm1, $0x1, v0;
	s7 =	sand.u32 s19, s31;
	vm1 =	vle.f32 v3, s21;
	v1 =	vadd.f32 s5, v1;
	s0 =	sshrl.u32 s10, $0x1;
	s4 =	sadd.f32 s15, s1  }
0x163: {  	s6 =	sadd.s32 s16, s30;
	v2 =	vadd.s32 v2, v4;
	v3 =	vsel vm1, $0x1, v0;
	s9 =	sld [smem:s7+s0];
	v21 =	vadd.f32 s3, v16;
	s10 =	spop (v2sf)  }
0x164: {  	s5 =	sshrl.u32 s6, $0x1;
	v2 =	vadd.s32 v3, v2;
	vm1 =	vle.f32 v1, s21;
	s3 =	sadd.f32 s10, s4  }
0x165: {  	v1 =	vld [tilespmem:s29+$0x0];
	v3 =	vsel vm1, $0x1, v0;
	s15 =	sld [smem:s5+$0x0];
	vm1 =	vle.f32 v21, s21;
	v22 =	vadd.f32 s1, v17;
	s6 =	spop (v2sf)  }
0x166: {  	s0 =	sadd.s32 s0, s7;
	v2 =	vadd.s32 v3, v2;
	p0 =	sle.f32 s9, s26;
	v3 =	vsel vm1, $0x1, v0;
	v23 =	vadd.f32 s4, v18;
	s1 =	sadd.f32 s6, s3  }
0x167: {  	v24 =	vld [tilespmem:s29+$0x10];
	v25, _, _ =	vpop (xrf2);
	s7 =	smov.u32 s19;
	s4 =	sadd.s32 $0x1, s0;
	v2 =	vadd.s32 v3, v2;
	vm1 =	vle.f32 v22, s21;
	v3 =	vadd.f32 s3, v19  }
0x168: {  	p2 =	slt.u32 s19, s31;
	p1 =	sle.f32 s15, s24;
	s7 =	smov.u32 @p0 s4;
	v26 =	vsel vm1, $0x1, v0;
	vm1 =	vle.f32 v23, s21;
	v4 =	vadd.f32 s1, v25  }
0x169: {  	v27 =	vld [tilespmem:s29+$0x20];
	s4 =	smov.u32 s31;
	s3 =	smov.u32 s16;
	s19 =	smov.u32 @p2 s7;
	v2 =	vadd.s32 v26, v2;
	v28 =	vsel vm1, $0x1, v0;
	vm1 =	vle.f32 v3, s21  }
0x16a: {  	(xrf2) =	vadd.scan.msk.f32 $0xffff, v1;
	s4 =	smov.u32 @p2 s0;
	p2 =	slt.u32 s16, s30;
	s0 =	smov.u32 s30;
	v2 =	vadd.s32 v28, v2;
	v3 =	vsel vm1, $0x1, v0;
	vm1 =	vle.f32 v4, s21  }
0x16b: {  	v1 =	vld [tilespmem:s29+$0x30];
	s0 =	smov.u32 @p2 s5;
	s4 =	smov.u32 @p0 s31;
	s1 =	sadd.s32 $0x1, s5;
	v2 =	vadd.s32 v3, v2;
	v3 =	vsel vm1, $0x1, v0  }
0x16c: {  	(xrf2) =	vadd.scan.msk.f32 $0xffff, v24;
	s0 =	smov.u32 @p1 s30;
	s7 =	sxor.u32 s19, s4;
	s3 =	smov.u32 @p1 s1;
	v2 =	vadd.s32 v3, v2  }
0x16d: {  	s9 =	sand.u32 s19, s4;
	s1 =	sshrl.u32 s7, $0x1;
	s16 =	smov.u32 @p2 s3;
	v3 =	vld [tilespmem:s29+$0x40];
	(xrf0) =	vadd.scan.msk.s32 $0xffff, v2  }
0x16e: {  	(xrf2) =	vadd.scan.msk.f32 $0xffff, v27;
	s10 =	sld [smem:s9+s1];
	s3 =	sadd.s32 s16, s0  }
0x16f: {  	s3 =	sshrl.u32 s3, $0x1;
	v2 =	vld [tilespmem:s29+$0x50]  }
0x170: {  	s7 =	smov.u32 s19;
	(xrf2) =	vadd.scan.msk.f32 $0xffff, v1;
	s1 =	sadd.s32 s1, s9;
	s15 =	sld [smem:s3+$0x0]  }
0x171: {  	v1 =	vld [tilespmem:s29+$0x60];
	p2 =	slt.u32 s19, s4;
	s9 =	smov.u32 s4;
	p1 =	sle.f32 s10, s26  }
0x172: {  	s5 =	sadd.s32 $0x1, s1;
	s9 =	smov.u32 @p2 s1;
	s1 =	sadd.s32 $0x1, s3;
	(xrf2) =	vadd.scan.msk.f32 $0xffff, v3  }
0x173: {  	s7 =	smov.u32 @p1 s5;
	s5 =	smov.u32 s16;
	p0 =	sle.f32 s15, s24;
	v3 =	vld [tilespmem:s29+$0x70];
	v29, _, _ =	vpop (xrf0)  }
0x174: {  	s9 =	smov.u32 @p1 s4;
	v30, _, _ =	vpop (xrf2);
	p1 =	slt.u32 s16, s0;
	s19 =	smov.u32 @p2 s7;
	(xrf2) =	vadd.scan.msk.f32 $0xffff, v2;
	(v2sf) =	vpush v29, $0xF  }
0x175: {  	s4 =	sadd.s32 s19, s9;
	v2 =	vld [tilespmem:s29+$0x80];
	s5 =	smov.u32 @p0 s1;
	s1 =	smov.u32 s0;
	(v2sf) =	vpush v30, $0xF  }
0x176: {  	v31, _, _ =	vpop (xrf2);
	s1 =	smov.u32 @p1 s3;
	s3 =	sshrl.u32 s4, $0x1;
	(xrf2) =	vadd.scan.msk.f32 $0xffff, v1  }
0x177: {  	s21 =	sld [smem:s3+$0x0];
	(v2sf) =	vpush v31, $0xF  }
0x178: {  	s16 =	smov.u32 @p1 s5;
	v1, _, _ =	vpop (xrf2);
	s1 =	smov.u32 @p0 s0;
	(xrf2) =	vadd.scan.msk.f32 $0xffff, v3  }
0x179: {  	s10 =	smov.u32 s9;
	s30 =	sadd.s32 s16, s1;
	(v2sf) =	vpush v1, $0xF  }
0x17a: {  	s7 =	smov.u32 s19;
	s4 =	sshrl.u32 s30, $0x1;
	v3, _, _ =	vpop (xrf2);
	p0 =	sle.f32 s21, s26;
	(xrf2) =	vadd.scan.msk.f32 $0xffff, v2  }
0x17b: {  	p1 =	slt.u32 s19, s9;
	s5 =	sadd.s32 $0x1, s3;
	s31 =	smin.u32 s4, $0x270;
	(v2sf) =	vpush v3, $0xF  }
0x17c: {  	s10 =	smov.u32 @p1 s3;
	s6 =	sld [smem:s31+$0x0];
	s7 =	smov.u32 @p0 s5;
	v2, _, _ =	vpop (xrf2)  }
0x17d: {  	s10 =	smov.u32 @p0 s9;
	s19 =	smov.u32 @p1 s7;
	(v2sf) =	vpush v2, $0xF  }
0x17e: {  	s15 =	sadd.s32 s19, s10;
	v32, _, _ =	vpop (xrf2)  }
0x17f: {  	s21 =	smax.u32 s8, $0x1;
	p0 =	sle.f32 s6, s24;
	s0 =	sshrl.u32 s15, $0x1;
	(v2sf) =	vpush v32, $0xF  }
0x180: {  	s4 =	sadd.s32 $0x1, s4;
	s5 =	smov.u32 s16;
	s30 =	sld [smem:s0+$0x0];
	v33, _, _ =	vpop (xrf2)  }
0x181: {  	s3 =	sld [smem:s21+$0xFFFFFFFF];
	p1 =	slt.u32 s16, s1;
	s5 =	smov.u32 @p0 s4;
	(v2sf) =	vpush v33, $0xF  }
0x182: {  	s1 =	sadd.s32 $0x1, s0;
	s16 =	smov.u32 @p1 s5;
	v34, _, _ =	vpop (xrf2)  }
0x183: {  	p1 =	seq.s32 s8, $0x0;
	p0 =	sle.f32 s30, s26;
	s21 =	spop (v2sf);
	(v2sf) =	vpush v34, $0xF  }
0x184: {  	s4 =	smov.u32 s19;
	s3 =	simm.s32 @p1 $0x0;
	v35, _, _ =	vpop (xrf2);
	s31 =	spop (v2sf)  }
0x185: {  	s4 =	smov.u32 @p0 s1;
	(v2sf) =	vpush v35, $0xF;
	s1 =	sadd.f32 s31, s3  }
0x186: {  	p1 =	slt.u32 s19, s10;
	s5 =	spop (v2sf)  }
0x187: {  	v36 =	vld [tilespmem:s29+$0x90];
	s30 =	smov.u32 s10;
	s19 =	smov.u32 @p1 s4;
	s4 =	sadd.f32 s5, s1  }
0x188: {  	s29 =	smul.f32 s22, s18;
	s30 =	smov.u32 @p1 s0;
	s6 =	spop (v2sf)  }
0x189: {  	s7 =	smin.u32 s16, $0x270;
	s30 =	smov.u32 @p0 s10;
	s9 =	sadd.f32 s6, s4  }
0x18a: {  	p1 =	sle.f32 s17, s29;
	s10 =	sadd.s32 s19, s30;
	s15 =	spop (v2sf)  }
0x18b: {  	s31 =	smul.u32 $0xA0, s7;
	s7 =	sshrl.u32 s10, $0x1;
	s5 =	sadd.f32 s15, s9  }
0x18c: {  	(xrf2) =	vadd.scan.msk.f32 $0xffff, v36;
	v4 =	vadd.f32 s3, v30;
	s0 =	simm.s32 $0x1D5;
	s22 =	sld [smem:s7+$0x0];
	v5 =	vadd.f32 s1, v31;
	s3 =	spop (v2sf)  }
0x18d: {  	s0 =	simm.s32 @!p1 $0x9C;
	s1 =	sadd.f32 s3, s5  }
0x18e: {  	vm1 =	vle.f32 v4, s25;
	vm2 =	vle.f32 v5, s25;
	v1 =	vadd.f32 s4, v1;
	s6 =	spop (v2sf);
	s3 =	sld [smem:s0+$0x0]  }
0x18f: {  	v4 =	vsel vm1, $0x1, v0;
	v5 =	vsel vm2, $0x1, v0;
	v3 =	vadd.f32 s9, v3;
	s4 =	sadd.f32 s6, s1  }
0x190: {  	p0 =	sle.f32 s22, s26;
	v4 =	vadd.s32 v4, v5;
	vm1 =	vle.f32 v1, s25;
	s15 =	spop (v2sf)  }
0x191: {  	s22 =	simm.s32 $0x139;
	v1 =	vsel vm1, $0x1, v0;
	vm1 =	vle.f32 v3, s25;
	v2 =	vadd.f32 s5, v2;
	p2 =	sle.f32 s3, s29;
	s6 =	sadd.f32 s15, s4  }
0x192: {  	s22 =	simm.s32 @!p1 $0x0;
	s5 =	sadd.s32 $0x1, s0;
	v1 =	vadd.s32 v1, v4;
	v3 =	vsel vm1, $0x1, v0;
	v37 =	vadd.f32 s1, v32;
	s9 =	spop (v2sf)  }
0x193: {  	s10 =	simm.s32 $0x271;
	v1 =	vadd.s32 v3, v1;
	vm1 =	vle.f32 v2, s25;
	s22 =	smov.u32 @p2 s5;
	s5 =	sadd.f32 s9, s6  }
0x194: {  	s10 =	simm.s32 @!p1 $0x138;
	v2 =	vld [tilespmem:s31+$0x0];
	v3 =	vsel vm1, $0x1, v0;
	vm1 =	vle.f32 v37, s25;
	v38 =	vadd.f32 s4, v33;
	s15 =	spop (v2sf)  }
0x195: {  	v1 =	vadd.s32 v3, v1;
	s0 =	smov.u32 @p2 s10;
	v3 =	vsel vm1, $0x1, v0;
	v39 =	vadd.f32 s6, v34;
	s6 =	sadd.f32 s15, s5  }
0x196: {  	v41, _, _ =	vpop (xrf2);
	v40 =	vld [tilespmem:s31+$0x10];
	s4 =	sadd.s32 $0x1, s7;
	s9 =	smov.u32 s19;
	s10 =	sadd.s32 s22, s0;
	v1 =	vadd.s32 v3, v1;
	vm1 =	vle.f32 v38, s25;
	v3 =	vadd.f32 s5, v35  }
0x197: {  	s9 =	smov.u32 @p0 s4;
	s4 =	sshrl.u32 s10, $0x1;
	v42 =	vsel vm1, $0x1, v0;
	vm1 =	vle.f32 v39, s25;
	v4 =	vadd.f32 s6, v41  }
0x198: {  	v43 =	vld [tilespmem:s31+$0x20];
	p1 =	slt.u32 s19, s30;
	s1 =	smov.u32 s30;
	s10 =	sld [smem:s4+$0x0];
	v1 =	vadd.s32 v42, v1;
	v44 =	vsel vm1, $0x1, v0;
	vm1 =	vle.f32 v3, s25  }
0x199: {  	s1 =	smov.u32 @p1 s7;
	(xrf2) =	vadd.scan.msk.f32 $0xffff, v2;
	v1 =	vadd.s32 v44, v1;
	v3 =	vsel vm1, $0x1, v0;
	vm1 =	vle.f32 v4, s25  }
0x19a: {  	s1 =	smov.u32 @p0 s30;
	v2 =	vld [tilespmem:s31+$0x30];
	s19 =	smov.u32 @p1 s9;
	p1 =	slt.u32 s22, s0;
	v1 =	vadd.s32 v3, v1;
	v3 =	vsel vm1, $0x1, v0  }
0x19b: {  	s7 =	sadd.s32 $0x1, s4;
	(xrf2) =	vadd.scan.msk.f32 $0xffff, v40;
	s15 =	sadd.s32 s19, s1;
	p0 =	sle.f32 s10, s29;
	v1 =	vadd.s32 v3, v1  }
0x19c: {  	s9 =	smov.u32 s22;
	s3 =	sshrl.u32 s15, $0x1;
	s10 =	smov.u32 s0;
	v3 =	vld [tilespmem:s31+$0x40];
	(xrf0) =	vadd.scan.msk.s32 $0xffff, v1  }
0x19d: {  	(xrf2) =	vadd.scan.msk.f32 $0xffff, v43;
	s25 =	sld [smem:s3+$0x0];
	s10 =	smov.u32 @p1 s4;
	s9 =	smov.u32 @p0 s7  }
0x19e: {  	s10 =	smov.u32 @p0 s0;
	s22 =	smov.u32 @p1 s9;
	v1 =	vld [tilespmem:s31+$0x50]  }
0x19f: {  	(xrf2) =	vadd.scan.msk.f32 $0xffff, v2;
	s0 =	sxor.u32 s22, s10  }
0x1a0: {  	v2 =	vld [tilespmem:s31+$0x60];
	p0 =	sle.f32 s25, s26;
	s30 =	sand.u32 s22, s10;
	s0 =	sshrl.u32 s0, $0x1  }
0x1a1: {  	s5 =	sadd.s32 $0x1, s3;
	s7 =	smov.u32 s19;
	s6 =	sld [smem:s30+s0];
	(xrf2) =	vadd.scan.msk.f32 $0xffff, v3  }
0x1a2: {  	p1 =	slt.u32 s19, s1;
	s4 =	smov.u32 s10;
	s7 =	smov.u32 @p0 s5;
	v3 =	vld [tilespmem:s31+$0x70];
	v45, _, _ =	vpop (xrf0)  }
0x1a3: {  	s5 =	smov.u32 s1;
	s0 =	sadd.s32 s0, s30;
	v46, _, _ =	vpop (xrf2);
	s19 =	smov.u32 @p1 s7;
	(xrf2) =	vadd.scan.msk.f32 $0xffff, v1;
	(v2sf) =	vpush v45, $0xF  }
0x1a4: {  	s5 =	smov.u32 @p1 s3;
	s3 =	smov.u32 s22;
	p1 =	sle.f32 s6, s29;
	(v2sf) =	vpush v46, $0xF  }
0x1a5: {  	v47, _, _ =	vpop (xrf2);
	s5 =	smov.u32 @p0 s1;
	p0 =	slt.u32 s22, s10;
	s1 =	sadd.s32 $0x1, s0;
	v1 =	vld [tilespmem:s31+$0x80];
	(xrf2) =	vadd.scan.msk.f32 $0xffff, v2  }
0x1a6: {  	s4 =	smov.u32 @p0 s0;
	s3 =	smov.u32 @p1 s1;
	(v2sf) =	vpush v47, $0xF  }
0x1a7: {  	v2, _, _ =	vpop (xrf2);
	s4 =	smov.u32 @p1 s10;
	s22 =	smov.u32 @p0 s3;
	(xrf2) =	vadd.scan.msk.f32 $0xffff, v3  }
0x1a8: {  	s10 =	sadd.s32 s19, s5;
	s15 =	sxor.u32 s22, s4;
	(v2sf) =	vpush v2, $0xF  }
0x1a9: {  	s0 =	sshrl.u32 s10, $0x1;
	s3 =	sand.u32 s22, s4;
	v3, _, _ =	vpop (xrf2);
	s1 =	sshrl.u32 s15, $0x1  }
0x1aa: {  	s25 =	smin.u32 s0, $0x270;
	(xrf2) =	vadd.scan.msk.f32 $0xffff, v1;
	s30 =	sld [smem:s3+s1];
	(v2sf) =	vpush v3, $0xF  }
0x1ab: {  	s6 =	smax.u32 s16, $0x1;
	s7 =	sld [smem:s25+$0x0];
	v1, _, _ =	vpop (xrf2)  }
0x1ac: {  	s10 =	sld [smem:s6+$0xFFFFFFFF];
	p2 =	slt.u32 s22, s4;
	s9 =	smov.u32 s22;
	(v2sf) =	vpush v1, $0xF  }
0x1ad: {  	s0 =	sadd.s32 $0x1, s0;
	s1 =	sadd.s32 s1, s3;
	p1 =	sle.f32 s30, s29;
	v48, _, _ =	vpop (xrf2)  }
0x1ae: {  	s3 =	sadd.s32 $0x1, s1;
	p0 =	sle.f32 s7, s26;
	s7 =	smov.u32 s4;
	(v2sf) =	vpush v48, $0xF  }
0x1af: {  	s7 =	smov.u32 @p2 s1;
	s1 =	smov.u32 s19;
	s9 =	smov.u32 @p1 s3;
	v49, _, _ =	vpop (xrf2)  }
0x1b0: {  	s30 =	smul.f32 s28, s18;
	s7 =	smov.u32 @p1 s4;
	s22 =	smov.u32 @p2 s9;
	(v2sf) =	vpush v49, $0xF  }
0x1b1: {  	s1 =	smov.u32 @p0 s0;
	p0 =	seq.s32 s16, $0x0;
	s9 =	sadd.s32 s22, s7;
	v50, _, _ =	vpop (xrf2)  }
0x1b2: {  	p1 =	slt.u32 s19, s5;
	s3 =	sshrl.u32 s9, $0x1;
	s25 =	spop (v2sf);
	(v2sf) =	vpush v50, $0xF  }
0x1b3: {  	s10 =	simm.s32 @p0 $0x0;
	s0 =	sld [smem:s3+$0x0];
	s15 =	spop (v2sf)  }
0x1b4: {  	s19 =	smov.u32 @p1 s1;
	v51, _, _ =	vpop (xrf2);
	s1 =	sadd.f32 s15, s10  }
0x1b5: {  	p2 =	sle.f32 s17, s30;
	(v2sf) =	vpush v51, $0xF;
	s28 =	spop (v2sf)  }
0x1b6: {  	s5 =	smov.u32 s22;
	p0 =	sle.f32 s0, s29;
	s9 =	sadd.f32 s28, s1  }
0x1b7: {  	v52 =	vld [tilespmem:s31+$0x90];
	s4 =	sadd.s32 $0x1, s3;
	s0 =	simm.s32 $0x1D5;
	s31 =	spop (v2sf)  }
0x1b8: {  	s0 =	simm.s32 @!p2 $0x9C;
	s5 =	smov.u32 @p0 s4;
	s4 =	sadd.f32 s31, s9  }
0x1b9: {  	p1 =	slt.u32 s22, s7;
	s15 =	sld [smem:s0+$0x0];
	s6 =	spop (v2sf)  }
0x1ba: {  	s22 =	smov.u32 @p1 s5;
	s5 =	sadd.f32 s6, s4  }
0x1bb: {  	v4 =	vadd.f32 s10, v46;
	s10 =	simm.s32 $0x271;
	s28 =	simm.s32 $0x139;
	s6 =	spop (v2sf)  }
0x1bc: {  	(xrf2) =	vadd.scan.msk.f32 $0xffff, v52;
	s10 =	simm.s32 @!p2 $0x138;
	s28 =	simm.s32 @!p2 $0x0;
	s6 =	sadd.f32 s6, s5  }
0x1bd: {  	v5 =	vadd.f32 s1, v47;
	p2 =	sle.f32 s15, s30;
	s31 =	smin.u32 s19, $0x270;
	s15 =	spop (v2sf)  }
0x1be: {  	vm1 =	vle.f32 v4, s24;
	s1 =	sadd.s32 $0x1, s0;
	v2 =	vadd.f32 s9, v2;
	s31 =	smul.u32 $0xA0, s31;
	v3 =	vadd.f32 s4, v3;
	s4 =	sadd.f32 s15, s6  }
0x1bf: {  	v4 =	vsel vm1, $0x1, v0;
	vm2 =	vle.f32 v5, s24;
	s28 =	smov.u32 @p2 s1;
	s1 =	smov.u32 s7;
	s15 =	spop (v2sf)  }
0x1c0: {  	v5 =	vsel vm2, $0x1, v0;
	vm1 =	vle.f32 v2, s24;
	s0 =	smov.u32 @p2 s10;
	s1 =	smov.u32 @p1 s3;
	v1 =	vadd.f32 s5, v1;
	s5 =	sadd.f32 s15, s4  }
0x1c1: {  	v4 =	vadd.s32 v4, v5;
	v2 =	vsel vm1, $0x1, v0;
	vm1 =	vle.f32 v3, s24;
	s1 =	smov.u32 @p0 s7;
	s15 =	sadd.s32 s28, s0;
	s9 =	spop (v2sf)  }
0x1c2: {  	v2 =	vadd.s32 v2, v4;
	v3 =	vsel vm1, $0x1, v0;
	s7 =	sadd.s32 s22, s1;
	v53 =	vadd.f32 s6, v48;
	s3 =	sshrl.u32 s15, $0x1;
	s6 =	sadd.f32 s9, s5  }
0x1c3: {  	v2 =	vadd.s32 v3, v2;
	vm1 =	vle.f32 v1, s24;
	s7 =	sshrl.u32 s7, $0x1;
	s9 =	sld [smem:s3+$0x0]  }
0x1c4: {  	v1 =	vld [tilespmem:s31+$0x0];
	v3 =	vsel vm1, $0x1, v0;
	vm1 =	vle.f32 v53, s24;
	v54 =	vadd.f32 s4, v49;
	s15 =	sld [smem:s7+$0x0];
	s10 =	spop (v2sf)  }
0x1c5: {  	v2 =	vadd.s32 v3, v2;
	v3 =	vsel vm1, $0x1, v0;
	v55 =	vadd.f32 s5, v50;
	s4 =	sadd.f32 s10, s6  }
0x1c6: {  	v57, _, _ =	vpop (xrf2);
	v56 =	vld [tilespmem:s31+$0x10];
	p2 =	slt.u32 s28, s0;
	v2 =	vadd.s32 v3, v2;
	vm1 =	vle.f32 v54, s24;
	s5 =	sadd.s32 $0x1, s7;
	v3 =	vadd.f32 s6, v51;
	p0 =	sle.f32 s9, s30  }
0x1c7: {  	v58 =	vsel vm1, $0x1, v0;
	vm1 =	vle.f32 v55, s24;
	s6 =	smov.u32 s28;
	p1 =	sle.f32 s15, s29;
	v4 =	vadd.f32 s4, v57;
	s4 =	sadd.s32 $0x1, s3  }
0x1c8: {  	v59 =	vld [tilespmem:s31+$0x20];
	v2 =	vadd.s32 v58, v2;
	v60 =	vsel vm1, $0x1, v0;
	s9 =	smov.u32 s22;
	vm1 =	vle.f32 v3, s24;
	s6 =	smov.u32 @p0 s4;
	s4 =	smov.u32 s0  }
0x1c9: {  	(xrf2) =	vadd.scan.msk.f32 $0xffff, v1;
	v2 =	vadd.s32 v60, v2;
	s9 =	smov.u32 @p1 s5;
	v3 =	vsel vm1, $0x1, v0;
	vm1 =	vle.f32 v4, s24;
	s4 =	smov.u32 @p2 s3  }
0x1ca: {  	v1 =	vld [tilespmem:s31+$0x30];
	s28 =	smov.u32 @p2 s6;
	v2 =	vadd.s32 v3, v2;
	p2 =	slt.u32 s22, s1;
	v3 =	vsel vm1, $0x1, v0;
	s4 =	smov.u32 @p0 s0  }
0x1cb: {  	(xrf2) =	vadd.scan.msk.f32 $0xffff, v56;
	s3 =	smov.u32 s1;
	s22 =	smov.u32 @p2 s9;
	v2 =	vadd.s32 v3, v2;
	s0 =	sxor.u32 s28, s4  }
0x1cc: {  	s3 =	smov.u32 @p2 s7;
	v3 =	vld [tilespmem:s31+$0x40];
	s9 =	sand.u32 s28, s4;
	(xrf0) =	vadd.scan.msk.s32 $0xffff, v2;
	s0 =	sshrl.u32 s0, $0x1  }
0x1cd: {  	(xrf2) =	vadd.scan.msk.f32 $0xffff, v59;
	s3 =	smov.u32 @p1 s1;
	s15 =	sld [smem:s9+s0]  }
0x1ce: {  	v2 =	vld [tilespmem:s31+$0x50];
	s10 =	sadd.s32 s22, s3  }
0x1cf: {  	(xrf2) =	vadd.scan.msk.f32 $0xffff, v1;
	s5 =	sshrl.u32 s10, $0x1  }
0x1d0: {  	v1 =	vld [tilespmem:s31+$0x60];
	s0 =	sadd.s32 s0, s9;
	s24 =	sld [smem:s5+$0x0];
	p1 =	sle.f32 s15, s30  }
0x1d1: {  	s6 =	smov.u32 s28;
	p2 =	slt.u32 s28, s4;
	s1 =	sadd.s32 $0x1, s0;
	(xrf2) =	vadd.scan.msk.f32 $0xffff, v3  }
0x1d2: {  	s9 =	smov.u32 s22;
	v3 =	vld [tilespmem:s31+$0x70];
	v61, _, _ =	vpop (xrf0);
	s6 =	smov.u32 @p1 s1;
	s1 =	smov.u32 s4  }
0x1d3: {  	v62, _, _ =	vpop (xrf2);
	s7 =	sadd.s32 $0x1, s5;
	p0 =	sle.f32 s24, s29;
	(xrf2) =	vadd.scan.msk.f32 $0xffff, v2;
	(v2sf) =	vpush v61, $0xF;
	s1 =	smov.u32 @p2 s0  }
0x1d4: {  	v2 =	vld [tilespmem:s31+$0x80];
	s28 =	smov.u32 @p2 s6;
	p2 =	slt.u32 s22, s3;
	(v2sf) =	vpush v62, $0xF;
	s1 =	smov.u32 @p1 s4  }
0x1d5: {  	v63, _, _ =	vpop (xrf2);
	(xrf2) =	vadd.scan.msk.f32 $0xffff, v1;
	s9 =	smov.u32 @p0 s7;
	s0 =	smov.u32 s3;
	s4 =	sxor.u32 s28, s1  }
0x1d6: {  	s0 =	smov.u32 @p2 s5;
	(v2sf) =	vpush v63, $0xF;
	s7 =	sand.u32 s28, s1;
	s4 =	sshrl.u32 s4, $0x1  }
0x1d7: {  	v1, _, _ =	vpop (xrf2);
	s22 =	smov.u32 @p2 s9;
	s0 =	smov.u32 @p0 s3;
	(xrf2) =	vadd.scan.msk.f32 $0xffff, v3;
	s10 =	sld [smem:s7+s4]  }
0x1d8: {  	s9 =	sadd.s32 s22, s0;
	(v2sf) =	vpush v1, $0xF  }
0x1d9: {  	s24 =	smax.u32 s19, $0x1;
	v3, _, _ =	vpop (xrf2);
	(xrf2) =	vadd.scan.msk.f32 $0xffff, v2;
	s5 =	sshrl.u32 s9, $0x1  }
0x1da: {  	(v2sf) =	vpush v3, $0xF;
	s3 =	sadd.s32 s4, s7;
	s15 =	sld [smem:s5+$0x0];
	p1 =	sle.f32 s10, s30  }
0x1db: {  	p2 =	slt.u32 s28, s1;
	s9 =	smov.u32 s28;
	s6 =	sadd.s32 $0x1, s3;
	v2, _, _ =	vpop (xrf2)  }
0x1dc: {  	s4 =	sld [smem:s24+$0xFFFFFFFF];
	s7 =	smov.u32 s22;
	(v2sf) =	vpush v2, $0xF;
	s9 =	smov.u32 @p1 s6  }
0x1dd: {  	p0 =	sle.f32 s15, s29;
	v12, _, _ =	vpop (xrf2);
	s6 =	smov.u32 s1;
	s28 =	smov.u32 @p2 s9  }
0x1de: {  	(v2sf) =	vpush v12, $0xF;
	s6 =	smov.u32 @p2 s3;
	p2 =	slt.u32 s22, s0;
	s3 =	sadd.s32 $0x1, s5  }
0x1df: {  	v13, _, _ =	vpop (xrf2);
	s9 =	smov.u32 s0;
	s6 =	smov.u32 @p1 s1;
	s7 =	smov.u32 @p0 s3  }
0x1e0: {  	(v2sf) =	vpush v13, $0xF;
	s9 =	smov.u32 @p2 s5;
	s1 =	sadd.s32 s28, s6;
	s22 =	smov.u32 @p2 s7  }
0x1e1: {  	s9 =	smov.u32 @p0 s0;
	v14, _, _ =	vpop (xrf2);
	p0 =	seq.s32 s19, $0x0;
	s1 =	sshrl.u32 s1, $0x1  }
0x1e2: {  	s4 =	simm.s32 @p0 $0x0;
	s10 =	sadd.s32 s22, s9;
	s24 =	spop (v2sf);
	(v2sf) =	vpush v14, $0xF  }
0x1e3: {  	v15, _, _ =	vpop (xrf2);
	s0 =	sld [smem:s1+$0x0];
	s5 =	sshrl.u32 s10, $0x1;
	s7 =	spop (v2sf)  }
0x1e4: {  	v16 =	vld [tilespmem:s31+$0x90];
	s31 =	smin.u32 s5, $0x270;
	(v2sf) =	vpush v15, $0xF;
	s3 =	sadd.f32 s7, s4  }
0x1e5: {  	s10 =	sld [smem:s31+$0x0];
	s15 =	spop (v2sf)  }
0x1e6: {  	p0 =	sle.f32 s0, s30;
	s7 =	sadd.f32 s15, s3  }
0x1e7: {  	s0 =	sadd.s32 $0x1, s1;
	s31 =	spop (v2sf);
	s15 =	smov.u32 s28  }
0x1e8: {  	p1 =	slt.u32 s28, s6;
	s15 =	smov.u32 @p0 s0;
	s31 =	sadd.f32 s31, s7  }
0x1e9: {  	s0 =	smov.u32 s6;
	s28 =	smov.u32 @p1 s15;
	s15 =	spop (v2sf)  }
0x1ea: {  	v4 =	vadd.f32 s4, v62;
	s4 =	sadd.s32 $0x1, s5;
	s0 =	smov.u32 @p1 s1;
	s1 =	sadd.f32 s15, s31  }
0x1eb: {  	(xrf2) =	vadd.scan.msk.f32 $0xffff, v16;
	s5 =	smov.u32 s22;
	p2 =	sle.f32 s10, s29;
	v5 =	vadd.f32 s3, v63;
	s15 =	spop (v2sf)  }
0x1ec: {  	p1 =	slt.u32 s22, s9;
	s0 =	smov.u32 @p0 s6;
	s3 =	sadd.f32 s15, s1  }
0x1ed: {  	vm1 =	vle.f32 v4, s26;
	s5 =	smov.u32 @p2 s4;
	vm2 =	vle.f32 v5, s26;
	v1 =	vadd.f32 s7, v1;
	s9 =	sadd.s32 s28, s0;
	s10 =	spop (v2sf)  }
0x1ee: {  	v4 =	vsel vm1, $0x1, v0;
	s22 =	smov.u32 @p1 s5;
	v5 =	vsel vm2, $0x1, v0;
	v3 =	vadd.f32 s31, v3;
	s4 =	sshrl.u32 s9, $0x1;
	s5 =	sadd.f32 s10, s3  }
0x1ef: {  	v4 =	vadd.s32 v4, v5;
	vm1 =	vle.f32 v1, s26;
	s6 =	sld [smem:s4+$0x0];
	s15 =	spop (v2sf)  }
0x1f0: {  	s18 =	smul.f32 s23, s18;
	s31 =	smin.u32 s22, $0x270;
	v1 =	vsel vm1, $0x1, v0;
	vm1 =	vle.f32 v3, s26;
	v2 =	vadd.f32 s1, v2;
	s7 =	sadd.f32 s15, s5  }
0x1f1: {  	s31 =	smul.u32 $0xA0, s31;
	v1 =	vadd.s32 v1, v4;
	v3 =	vsel vm1, $0x1, v0;
	v17 =	vadd.f32 s3, v12;
	s10 =	spop (v2sf)  }
0x1f2: {  	p2 =	slt.u32 s28, s0;
	v1 =	vadd.s32 v3, v1;
	vm1 =	vle.f32 v2, s26;
	p1 =	sle.f32 s6, s30;
	s15 =	sadd.f32 s10, s7  }
0x1f3: {  	s1 =	sadd.s32 $0x1, s4;
	v2 =	vld [tilespmem:s31+$0x0];
	s6 =	smov.u32 s28;
	v3 =	vsel vm1, $0x1, v0;
	vm1 =	vle.f32 v17, s26;
	v18 =	vadd.f32 s5, v13;
	s23 =	spop (v2sf)  }
0x1f4: {  	v1 =	vadd.s32 v3, v1;
	s6 =	smov.u32 @p1 s1;
	s1 =	smov.u32 s0;
	v3 =	vsel vm1, $0x1, v0;
	v19 =	vadd.f32 s7, v14;
	s5 =	sadd.f32 s23, s15  }
0x1f5: {  	p0 =	sle.f32 s17, s18;
	v21, _, _ =	vpop (xrf2);
	v20 =	vld [tilespmem:s31+$0x10];
	s1 =	smov.u32 @p2 s4;
	v1 =	vadd.s32 v3, v1;
	vm1 =	vle.f32 v18, s26;
	v3 =	vadd.f32 s15, v15  }
0x1f6: {  	s1 =	smov.u32 @p1 s0;
	s0 =	simm.s32 $0x1D5;
	v22 =	vsel vm1, $0x1, v0;
	vm1 =	vle.f32 v19, s26;
	v4 =	vadd.f32 s5, v21  }
0x1f7: {  	v23 =	vld [tilespmem:s31+$0x20];
	s0 =	simm.s32 @!p0 $0x9C;
	v1 =	vadd.s32 v22, v1;
	v24 =	vsel vm1, $0x1, v0;
	vm1 =	vle.f32 v3, s26  }
0x1f8: {  	s28 =	smov.u32 @p2 s6;
	(xrf2) =	vadd.scan.msk.f32 $0xffff, v2;
	s7 =	sld [smem:s0+$0x0];
	v1 =	vadd.s32 v24, v1;
	v3 =	vsel vm1, $0x1, v0;
	vm1 =	vle.f32 v4, s26  }
0x1f9: {  	v2 =	vld [tilespmem:s31+$0x30];
	s6 =	sadd.s32 s28, s1;
	v1 =	vadd.s32 v3, v1;
	v3 =	vsel vm1, $0x1, v0  }
0x1fa: {  	s17 =	simm.s32 $0x139;
	(xrf2) =	vadd.scan.msk.f32 $0xffff, v20;
	s3 =	sshrl.u32 s6, $0x1;
	v1 =	vadd.s32 v3, v1  }
0x1fb: {  	s6 =	simm.s32 $0x271;
	s9 =	sld [smem:s3+$0x0];
	p1 =	sle.f32 s7, s18;
	v3 =	vld [tilespmem:s31+$0x40];
	(xrf0) =	vadd.scan.msk.s32 $0xffff, v1  }
0x1fc: {  	s17 =	simm.s32 @!p0 $0x0;
	s4 =	sadd.s32 $0x1, s0;
	(xrf2) =	vadd.scan.msk.f32 $0xffff, v23;
	s6 =	simm.s32 @!p0 $0x138  }
0x1fd: {  	s17 =	smov.u32 @p1 s4;
	s0 =	smov.u32 @p1 s6;
	v1 =	vld [tilespmem:s31+$0x50]  }
0x1fe: {  	s5 =	smov.u32 s28;
	(xrf2) =	vadd.scan.msk.f32 $0xffff, v2;
	p0 =	sle.f32 s9, s30;
	s6 =	sadd.s32 s17, s0  }
0x1ff: {  	v2 =	vld [tilespmem:s31+$0x60];
	s4 =	sadd.s32 $0x1, s3;
	p1 =	slt.u32 s28, s1;
	s6 =	sshrl.u32 s6, $0x1  }
0x200: {  	s5 =	smov.u32 @p0 s4;
	s4 =	smov.u32 s1;
	s10 =	sld [smem:s6+$0x0];
	(xrf2) =	vadd.scan.msk.f32 $0xffff, v3  }
0x201: {  	s4 =	smov.u32 @p1 s3;
	v3 =	vld [tilespmem:s31+$0x70];
	v25, _, _ =	vpop (xrf0)  }
0x202: {  	s28 =	smov.u32 @p1 s5;
	s4 =	smov.u32 @p0 s1;
	v26, _, _ =	vpop (xrf2);
	(xrf2) =	vadd.scan.msk.f32 $0xffff, v1;
	(v2sf) =	vpush v25, $0xF  }
0x203: {  	s7 =	smov.u32 s17;
	s1 =	sadd.s32 s28, s4;
	v1 =	vld [tilespmem:s31+$0x80];
	p1 =	sle.f32 s10, s18;
	(v2sf) =	vpush v26, $0xF  }
0x204: {  	s5 =	sadd.s32 $0x1, s6;
	p0 =	slt.u32 s17, s0;
	v27, _, _ =	vpop (xrf2);
	s1 =	sshrl.u32 s1, $0x1;
	(xrf2) =	vadd.scan.msk.f32 $0xffff, v2  }
0x205: {  	s15 =	sld [smem:s1+$0x0];
	s7 =	smov.u32 @p1 s5;
	s5 =	smov.u32 s0;
	(v2sf) =	vpush v27, $0xF  }
0x206: {  	v2, _, _ =	vpop (xrf2);
	s5 =	smov.u32 @p0 s6;
	(xrf2) =	vadd.scan.msk.f32 $0xffff, v3  }
0x207: {  	s3 =	smov.u32 s28;
	s17 =	smov.u32 @p0 s7;
	s5 =	smov.u32 @p1 s0;
	(v2sf) =	vpush v2, $0xF  }
0x208: {  	p0 =	sle.f32 s15, s30;
	p1 =	slt.u32 s28, s4;
	v3, _, _ =	vpop (xrf2);
	s23 =	sxor.u32 s17, s5;
	(xrf2) =	vadd.scan.msk.f32 $0xffff, v1  }
0x209: {  	s0 =	sadd.s32 $0x1, s1;
	s7 =	sand.u32 s17, s5;
	s6 =	sshrl.u32 s23, $0x1;
	(v2sf) =	vpush v3, $0xF  }
0x20a: {  	s3 =	smov.u32 @p0 s0;
	s0 =	smov.u32 s4;
	s26 =	sld [smem:s7+s6];
	v1, _, _ =	vpop (xrf2)  }
0x20b: {  	s9 =	smax.u32 s22, $0x1;
	s0 =	smov.u32 @p1 s1;
	(v2sf) =	vpush v1, $0xF  }
0x20c: {  	s28 =	smov.u32 @p1 s3;
	s1 =	sld [smem:s9+$0xFFFFFFFF];
	s9 =	smov.u32 s17;
	v28, _, _ =	vpop (xrf2)  }
0x20d: {  	s0 =	smov.u32 @p0 s4;
	s6 =	sadd.s32 s6, s7;
	p0 =	sle.f32 s26, s18;
	(v2sf) =	vpush v28, $0xF  }
0x20e: {  	p1 =	slt.u32 s17, s5;
	s4 =	sadd.s32 s28, s0;
	s7 =	sadd.s32 $0x1, s6;
	v29, _, _ =	vpop (xrf2)  }
0x20f: {  	s4 =	sshrl.u32 s4, $0x1;
	s9 =	smov.u32 @p0 s7;
	s7 =	smov.u32 s5;
	(v2sf) =	vpush v29, $0xF  }
0x210: {  	s10 =	smin.u32 s4, $0x270;
	s7 =	smov.u32 @p1 s6;
	v30, _, _ =	vpop (xrf2)  }
0x211: {  	s7 =	smov.u32 @p0 s5;
	p0 =	seq.s32 s22, $0x0;
	s23 =	spop (v2sf);
	(v2sf) =	vpush v30, $0xF  }
0x212: {  	s3 =	sld [smem:s10+$0x0];
	s1 =	simm.s32 @p0 $0x0;
	v31, _, _ =	vpop (xrf2);
	s15 =	spop (v2sf)  }
0x213: {  	s17 =	smov.u32 @p1 s9;
	(v2sf) =	vpush v31, $0xF;
	s6 =	sadd.f32 s15, s1  }
0x214: {  	s5 =	sxor.u32 s17, s7;
	s9 =	sand.u32 s17, s7;
	s26 =	spop (v2sf)  }
0x215: {  	v32 =	vld [tilespmem:s31+$0x90];
	p0 =	sle.f32 s3, s30;
	s5 =	sshrl.u32 s5, $0x1;
	s3 =	sadd.f32 s26, s6  }
0x216: {  	s4 =	sadd.s32 $0x1, s4;
	s10 =	sld [smem:s9+s5];
	s31 =	spop (v2sf)  }
0x217: {  	p1 =	slt.u32 s28, s0;
	s15 =	smov.u32 s28;
	s0 =	sadd.f32 s31, s3  }
0x218: {  	s15 =	smov.u32 @p0 s4;
	s4 =	sadd.s32 s5, s9;
	s26 =	spop (v2sf)  }
0x219: {  	p0 =	sle.f32 s10, s18;
	s10 =	smov.u32 s17;
	s5 =	sadd.f32 s26, s0  }
0x21a: {  	(xrf2) =	vadd.scan.msk.f32 $0xffff, v32;
	v4 =	vadd.f32 s1, v26;
	s28 =	smov.u32 @p1 s15;
	s9 =	sadd.s32 $0x1, s4;
	v5 =	vadd.f32 s6, v27;
	s31 =	spop (v2sf)  }
0x21b: {  	p1 =	slt.u32 s17, s7;
	s6 =	smov.u32 s7;
	s1 =	sadd.f32 s31, s5  }
0x21c: {  	vm1 =	vle.f32 v4, s29;
	s10 =	smov.u32 @p0 s9;
	s6 =	smov.u32 @p1 s4;
	vm2 =	vle.f32 v5, s29;
	v2 =	vadd.f32 s3, v2;
	s9 =	spop (v2sf)  }
0x21d: {  	v4 =	vsel vm1, $0x1, v0;
	s17 =	smov.u32 @p1 s10;
	s6 =	smov.u32 @p0 s7;
	v5 =	vsel vm2, $0x1, v0;
	v3 =	vadd.f32 s0, v3;
	s0 =	sadd.f32 s9, s1  }
0x21e: {  	s10 =	smin.u32 s28, $0x270;
	s15 =	sadd.s32 s17, s6;
	v4 =	vadd.s32 v4, v5;
	vm1 =	vle.f32 v2, s29;
	s26 =	spop (v2sf)  }
0x21f: {  	s3 =	sshrl.u32 s15, $0x1;
	v2 =	vsel vm1, $0x1, v0;
	s31 =	smul.u32 $0xA0, s10;
	vm1 =	vle.f32 v3, s29;
	v1 =	vadd.f32 s5, v1;
	s9 =	sadd.f32 s26, s0  }
0x220: {  	s10 =	sld [smem:s3+$0x0];
	v2 =	vadd.s32 v2, v4;
	v3 =	vsel vm1, $0x1, v0;
	v33 =	vadd.f32 s1, v28;
	s15 =	spop (v2sf)  }
0x221: {  	v2 =	vadd.s32 v3, v2;
	vm1 =	vle.f32 v1, s29;
	s1 =	sadd.f32 s15, s9  }
0x222: {  	v1 =	vld [tilespmem:s31+$0x0];
	v3 =	vsel vm1, $0x1, v0;
	vm1 =	vle.f32 v33, s29;
	v34 =	vadd.f32 s0, v29;
	s26 =	spop (v2sf)  }
0x223: {  	v2 =	vadd.s32 v3, v2;
	v3 =	vsel vm1, $0x1, v0;
	v35 =	vadd.f32 s9, v30;
	s0 =	sadd.f32 s26, s1  }
0x224: {  	p1 =	slt.u32 s17, s6;
	v37, _, _ =	vpop (xrf2);
	v36 =	vld [tilespmem:s31+$0x10];
	p0 =	sle.f32 s10, s18;
	v2 =	vadd.s32 v3, v2;
	vm1 =	vle.f32 v34, s29;
	v3 =	vadd.f32 s1, v31  }
0x225: {  	s7 =	smov.u32 s6;
	s4 =	sadd.s32 $0x1, s3;
	s5 =	smov.u32 s17;
	v38 =	vsel vm1, $0x1, v0;
	vm1 =	vle.f32 v35, s29;
	v4 =	vadd.f32 s0, v37  }
0x226: {  	s7 =	smov.u32 @p1 s3;
	v39 =	vld [tilespmem:s31+$0x20];
	s5 =	smov.u32 @p0 s4;
	v2 =	vadd.s32 v38, v2;
	v40 =	vsel vm1, $0x1, v0;
	vm1 =	vle.f32 v3, s29  }
0x227: {  	s7 =	smov.u32 @p0 s6;
	s17 =	smov.u32 @p1 s5;
	(xrf2) =	vadd.scan.msk.f32 $0xffff, v1;
	v2 =	vadd.s32 v40, v2;
	v3 =	vsel vm1, $0x1, v0;
	vm1 =	vle.f32 v4, s29  }
0x228: {  	s3 =	sadd.s32 s17, s7;
	v1 =	vld [tilespmem:s31+$0x30];
	v2 =	vadd.s32 v3, v2;
	v3 =	vsel vm1, $0x1, v0  }
0x229: {  	(xrf2) =	vadd.scan.msk.f32 $0xffff, v36;
	s0 =	sshrl.u32 s3, $0x1;
	v2 =	vadd.s32 v3, v2  }
0x22a: {  	s4 =	sld [smem:s0+$0x0];
	v3 =	vld [tilespmem:s31+$0x40];
	(xrf0) =	vadd.scan.msk.s32 $0xffff, v2  }
0x22b: {  	(xrf2) =	vadd.scan.msk.f32 $0xffff, v39  }
0x22c: {  	v2 =	vld [tilespmem:s31+$0x50]  }
0x22d: {  	p1 =	slt.u32 s17, s7;
	(xrf2) =	vadd.scan.msk.f32 $0xffff, v1;
	p0 =	sle.f32 s4, s18  }
0x22e: {  	s3 =	smov.u32 s17;
	s1 =	sadd.s32 $0x1, s0;
	v1 =	vld [tilespmem:s31+$0x60];
	s4 =	smov.u32 s7  }
0x22f: {  	s4 =	smov.u32 @p1 s0;
	s3 =	smov.u32 @p0 s1;
	(xrf2) =	vadd.scan.msk.f32 $0xffff, v3  }
0x230: {  	s4 =	smov.u32 @p0 s7;
	s17 =	smov.u32 @p1 s3;
	v3 =	vld [tilespmem:s31+$0x70];
	v41, _, _ =	vpop (xrf0)  }
0x231: {  	v42, _, _ =	vpop (xrf2);
	s5 =	sadd.s32 s17, s4;
	(xrf2) =	vadd.scan.msk.f32 $0xffff, v2;
	(v2sf) =	vpush v41, $0xF  }
0x232: {  	s0 =	sshrl.u32 s5, $0x1;
	v2 =	vld [tilespmem:s31+$0x80];
	(v2sf) =	vpush v42, $0xF  }
0x233: {  	v43, _, _ =	vpop (xrf2);
	s6 =	sld [smem:s0+$0x0];
	(xrf2) =	vadd.scan.msk.f32 $0xffff, v1  }
0x234: {  	(v2sf) =	vpush v43, $0xF  }
0x235: {  	v1, _, _ =	vpop (xrf2);
	(xrf2) =	vadd.scan.msk.f32 $0xffff, v3  }
0x236: {  	p1 =	slt.u32 s17, s4;
	p0 =	sle.f32 s6, s18;
	(v2sf) =	vpush v1, $0xF  }
0x237: {  	s3 =	smov.u32 s17;
	s5 =	smov.u32 s4;
	s1 =	sadd.s32 $0x1, s0;
	v3, _, _ =	vpop (xrf2);
	(xrf2) =	vadd.scan.msk.f32 $0xffff, v2  }
0x238: {  	s5 =	smov.u32 @p1 s0;
	s3 =	smov.u32 @p0 s1;
	(v2sf) =	vpush v3, $0xF  }
0x239: {  	s5 =	smov.u32 @p0 s4;
	s17 =	smov.u32 @p1 s3;
	v2, _, _ =	vpop (xrf2)  }
0x23a: {  	s9 =	smax.u32 s28, $0x1;
	s7 =	sadd.s32 s17, s5;
	(v2sf) =	vpush v2, $0xF  }
0x23b: {  	s1 =	sld [smem:s9+$0xFFFFFFFF];
	s0 =	sshrl.u32 s7, $0x1;
	v44, _, _ =	vpop (xrf2)  }
0x23c: {  	s10 =	sld [smem:s0+$0x0];
	(v2sf) =	vpush v44, $0xF  }
0x23d: {  	v45, _, _ =	vpop (xrf2)  }
0x23e: {  	p1 =	seq.s32 s28, $0x0;
	(v2sf) =	vpush v45, $0xF  }
0x23f: {  	s4 =	smov.u32 s17;
	s1 =	simm.s32 @p1 $0x0;
	p0 =	sle.f32 s10, s18;
	v46, _, _ =	vpop (xrf2)  }
0x240: {  	p1 =	slt.u32 s17, s5;
	s3 =	sadd.s32 $0x1, s0;
	s26 =	spop (v2sf);
	(v2sf) =	vpush v46, $0xF  }
0x241: {  	s4 =	smov.u32 @p0 s3;
	s3 =	smov.u32 s5;
	v47, _, _ =	vpop (xrf2);
	s15 =	spop (v2sf)  }
0x242: {  	s3 =	smov.u32 @p1 s0;
	(v2sf) =	vpush v47, $0xF;
	s29 =	sadd.f32 s15, s1  }
0x243: {  	s17 =	smov.u32 @p1 s4;
	s3 =	smov.u32 @p0 s5;
	s7 =	spop (v2sf)  }
0x244: {  	v48 =	vld [tilespmem:s31+$0x90];
	s5 =	sadd.s32 s17, s3;
	s4 =	sadd.f32 s7, s29  }
0x245: {  	s5 =	sshrl.u32 s5, $0x1;
	s9 =	spop (v2sf)  }
0x246: {  	s10 =	smin.u32 s5, $0x270;
	s6 =	sadd.f32 s9, s4  }
0x247: {  	s7 =	sld [smem:s10+$0x0];
	s15 =	spop (v2sf)  }
0x248: {  	s9 =	sadd.f32 s15, s6  }
0x249: {  	v4 =	vadd.f32 s1, v42;
	(xrf2) =	vadd.scan.msk.f32 $0xffff, v48;
	v5 =	vadd.f32 s29, v43;
	s29 =	spop (v2sf)  }
0x24a: {  	v1 =	vadd.f32 s4, v1;
	p0 =	sle.f32 s7, s18;
	s0 =	sadd.f32 s29, s9  }
0x24b: {  	vm1 =	vle.f32 v4, s30;
	s1 =	sadd.s32 $0x1, s5;
	s5 =	smov.u32 s17;
	vm2 =	vle.f32 v5, s30;
	v3 =	vadd.f32 s6, v3;
	s31 =	spop (v2sf)  }
0x24c: {  	v4 =	vsel vm1, $0x1, v0;
	p1 =	slt.u32 s17, s3;
	v5 =	vsel vm2, $0x1, v0;
	vm1 =	vle.f32 v1, s30;
	s5 =	smov.u32 @p0 s1;
	s7 =	sadd.f32 s31, s0  }
0x24d: {  	v4 =	vadd.s32 v4, v5;
	v1 =	vsel vm1, $0x1, v0;
	s17 =	smov.u32 @p1 s5;
	s10 =	spop (v2sf);
	vm1 =	vle.f32 v3, s30  }
0x24e: {  	v2 =	vadd.f32 s9, v2;
	v1 =	vadd.s32 v1, v4;
	s15 =	smin.u32 s17, $0x270;
	v3 =	vsel vm1, $0x1, v0;
	s4 =	sadd.f32 s10, s7  }
0x24f: {  	v49 =	vadd.f32 s0, v44;
	s1 =	smul.u32 $0xA0, s15;
	v1 =	vadd.s32 v3, v1;
	v3 =	vadd.f32 s7, v45;
	s29 =	spop (v2sf)  }
0x250: {  	vm1 =	vle.f32 v2, s30;
	s0 =	sadd.f32 s29, s4  }
0x251: {  	v2 =	vsel vm1, $0x1, v0;
	vm1 =	vle.f32 v49, s30;
	v50 =	vld [tilespmem:s1+$0x0];
	s31 =	spop (v2sf)  }
0x252: {  	v1 =	vadd.s32 v2, v1;
	v2 =	vsel vm1, $0x1, v0;
	v51 =	vadd.f32 s4, v46;
	s3 =	sadd.f32 s31, s0  }
0x253: {  	v52 =	vld [tilespmem:s1+$0x10];
	v1 =	vadd.s32 v2, v1;
	vm1 =	vle.f32 v3, s30;
	v2 =	vadd.f32 s0, v47;
	v3, _, _ =	vpop (xrf2)  }
0x254: {  	v53 =	vsel vm1, $0x1, v0;
	vm1 =	vle.f32 v51, s30;
	v3 =	vadd.f32 s3, v3  }
0x255: {  	v1 =	vadd.s32 v53, v1;
	v5 =	vsel vm1, $0x1, v0;
	vm1 =	vle.f32 v2, s30;
	v2 =	vld [tilespmem:s1+$0x20]  }
0x256: {  	(xrf2) =	vadd.scan.msk.f32 $0xffff, v50;
	v1 =	vadd.s32 v5, v1;
	v54 =	vsel vm1, $0x1, v0;
	vm1 =	vle.f32 v3, s30  }
0x257: {  	v55 =	vld [tilespmem:s1+$0x30];
	v1 =	vadd.s32 v54, v1;
	v3 =	vsel vm1, $0x1, v0  }
0x258: {  	(xrf2) =	vadd.scan.msk.f32 $0xffff, v52;
	v1 =	vadd.s32 v3, v1  }
0x259: {  	(xrf0) =	vadd.scan.msk.s32 $0xffff, v1;
	v1 =	vld [tilespmem:s1+$0x40]  }
0x25a: {  	(xrf2) =	vadd.scan.msk.f32 $0xffff, v2  }
0x25b: {  	v2 =	vld [tilespmem:s1+$0x50]  }
0x25c: {  	(xrf2) =	vadd.scan.msk.f32 $0xffff, v55  }
0x25d: {  	v3 =	vld [tilespmem:s1+$0x60]  }
0x25e: {  	(xrf2) =	vadd.scan.msk.f32 $0xffff, v1  }
0x25f: {  	v56 =	vld [tilespmem:s1+$0x70];
	v1, _, _ =	vpop (xrf0)  }
0x260: {  	(v2sf) =	vpush v1, $0xF;
	v1, _, _ =	vpop (xrf2);
	(xrf2) =	vadd.scan.msk.f32 $0xffff, v2  }
0x261: {  	v2 =	vld [tilespmem:s1+$0x80];
	(v2sf) =	vpush v1, $0xF  }
0x262: {  	v57, _, _ =	vpop (xrf2);
	(xrf2) =	vadd.scan.msk.f32 $0xffff, v3  }
0x263: {  	(v2sf) =	vpush v57, $0xF  }
0x264: {  	v3, _, _ =	vpop (xrf2);
	(xrf2) =	vadd.scan.msk.f32 $0xffff, v56  }
0x265: {  	(v2sf) =	vpush v3, $0xF  }
0x266: {  	v58, _, _ =	vpop (xrf2);
	(xrf2) =	vadd.scan.msk.f32 $0xffff, v2  }
0x267: {  	(v2sf) =	vpush v58, $0xF  }
0x268: {  	v2, _, _ =	vpop (xrf2)  }
0x269: {  	(v2sf) =	vpush v2, $0xF  }
0x26a: {  	v59, _, _ =	vpop (xrf2)  }
0x26b: {  	(v2sf) =	vpush v59, $0xF  }
0x26c: {  	s5 =	smax.u32 s17, $0x1;
	v60, _, _ =	vpop (xrf2)  }
0x26d: {  	s3 =	sld [smem:s5+$0xFFFFFFFF];
	(v2sf) =	vpush v60, $0xF  }
0x26e: {  	v61, _, _ =	vpop (xrf2)  }
0x26f: {  	p0 =	seq.s32 s17, $0x0;
	s0 =	spop (v2sf);
	(v2sf) =	vpush v61, $0xF  }
0x270: {  	s3 =	simm.s32 @p0 $0x0;
	v62, _, _ =	vpop (xrf2);
	s6 =	spop (v2sf)  }
0x271: {  	(v2sf) =	vpush v62, $0xF;
	s4 =	sadd.f32 s6, s3  }
0x272: {  	s7 =	spop (v2sf)  }
0x273: {  	v63 =	vld [tilespmem:s1+$0x90];
	s5 =	sadd.f32 s7, s4  }
0x274: {  	s9 =	spop (v2sf)  }
0x275: {  	s1 =	sadd.f32 s9, s5  }
0x276: {  	s10 =	spop (v2sf)  }
0x277: {  	v1 =	vadd.f32 s3, v1;
	s6 =	sadd.f32 s10, s1  }
0x278: {  	(xrf2) =	vadd.scan.msk.f32 $0xffff, v63;
	v5 =	vadd.f32 s4, v57;
	s15 =	spop (v2sf)  }
0x279: {  	vm1 =	vle.f32 v1, s18;
	v3 =	vadd.f32 s5, v3;
	s7 =	sadd.f32 s15, s6  }
0x27a: {  	v1 =	vsel vm1, $0x1, v0;
	vm2 =	vle.f32 v5, s18;
	s29 =	spop (v2sf)  }
0x27b: {  	v4 =	vadd.f32 s1, v58;
	vm1 =	vle.f32 v3, s18;
	v3 =	vsel vm2, $0x1, v0;
	s9 =	sadd.f32 s29, s7  }
0x27c: {  	v1 =	vadd.s32 v1, v3;
	v3 =	vsel vm1, $0x1, v0;
	v2 =	vadd.f32 s6, v2;
	s30 =	spop (v2sf)  }
0x27d: {  	vm2 =	vle.f32 v4, s18;
	v1 =	vadd.s32 v3, v1;
	s10 =	sadd.f32 s30, s9  }
0x27e: {  	v6 =	vadd.f32 s7, v59;
	vm1 =	vle.f32 v2, s18;
	v2 =	vsel vm2, $0x1, v0;
	s31 =	spop (v2sf)  }
0x27f: {  	v1 =	vadd.s32 v2, v1;
	s3 =	sadd.f32 s31, s10  }
0x280: {  	v2 =	vsel vm1, $0x1, v0;
	v7 =	vadd.f32 s9, v60;
	vm2 =	vle.f32 v6, s18;
	s6 =	spop (v2sf)  }
0x281: {  	v1 =	vadd.s32 v2, v1;
	v2 =	vsel vm2, $0x1, v0;
	v8 =	vadd.f32 s10, v61;
	s1 =	sadd.f32 s6, s3  }
0x282: {  	v10, _, _ =	vpop (xrf2);
	vm1 =	vle.f32 v7, s18;
	v1 =	vadd.s32 v2, v1;
	v9 =	vadd.f32 s3, v62  }
0x283: {  	v2 =	vsel vm1, $0x1, v0;
	vm2 =	vle.f32 v8, s18;
	v10 =	vadd.f32 s1, v10  }
0x284: {  	v1 =	vadd.s32 v2, v1;
	v2 =	vsel vm2, $0x1, v0;
	vm1 =	vle.f32 v9, s18  }
0x285: {  	v1 =	vadd.s32 v2, v1;
	v3 =	vsel vm1, $0x1, v0;
	vm2 =	vle.f32 v10, s18  }
0x286: {  	v1 =	vadd.s32 v3, v1;
	v2 =	vsel vm2, $0x1, v0  }
0x287: {  	v1 =	vadd.s32 v2, v1  }
0x288: {  	(xrf0) =	vadd.scan.msk.s32 $0xffff, v1;
	_ =	sdelay $0x5  }
0x289: {  	v1, _, _ =	vpop (xrf0)  }
0x28a: {  	(v2sf) =	vpush v1, $0xF;
	_ =	sdelay $0x4  }
0x28b: {  	s13 =	smul.u32 $0xA0, s13  }
0x28c: {  	s15 =	smul.u32 $0xA0, s14  }
0x28d: {  	s1 =	sadd.s32 s13, s20;
	s20 =	smul.u32 $0xA0, s16  }
0x28e: {  	s3 =	sadd.s32 s15, s21;
	s21 =	smul.u32 $0xA0, s19  }
0x28f: {  	p0 =	slt.s32 s1, $0x1869F;
	s18 =	smul.u32 $0xA0, s8;
	s5 =	sadd.s32 s20, s24  }
0x290: {  	s1 =	simm.s32 @!p0 $0x1869F;
	s24 =	smul.u32 $0xA0, s22;
	p0 =	slt.s32 s3, $0x1869F  }
0x291: {  	s6 =	sadd.s32 s21, s23;
	s3 =	simm.s32 @!p0 $0x1869F;
	s4 =	sadd.s32 s18, s25;
	v1 =	vmov s1  }
0x292: {  	s25 =	smul.u32 $0xA0, s28;
	s7 =	sadd.s32 s24, s26;
	p0 =	slt.s32 s4, $0x1869F;
	v1 =	vnsel vm8, $0x0, v1  }
0x293: {  	s26 =	smul.u32 $0xA0, s17;
	s4 =	simm.s32 @!p0 $0x1869F;
	p0 =	slt.s32 s5, $0x1869F;
	v1 =	vsel vm9, s3, v1  }
0x294: {  	s0 =	sadd.s32 s25, s0;
	s5 =	simm.s32 @!p0 $0x1869F;
	p0 =	slt.s32 s6, $0x1869F;
	v1 =	vsel vm10, s4, v1  }
0x295: {  	s6 =	simm.s32 @!p0 $0x1869F;
	p0 =	slt.s32 s7, $0x1869F;
	v1 =	vsel vm11, s5, v1;
	s28 =	spop (v2sf)  }
0x296: {  	s7 =	simm.s32 @!p0 $0x1869F;
	p0 =	slt.s32 s0, $0x1869F;
	v1 =	vsel vm12, s6, v1;
	s1 =	sadd.s32 s26, s28  }
0x297: {  	s0 =	simm.s32 @!p0 $0x1869F;
	v1 =	vsel vm13, s7, v1;
	p0 =	slt.s32 s1, $0x1869F  }
0x298: {  	v1 =	vsel vm14, s0, v1;
	s1 =	simm.s32 @!p0 $0x1869F  }
0x299: {  	v1 =	vsel vm15, s1, v1  }
0x29a: {  	s29 =	rddreg [dreg:$0x5];
	s30 =	simm.s32 $0x18780;
	[tilespmem:$0x18780] =	vst v1  }
0x29b: {  	[hbm4b:s29+s2] =	stream.linear.scatter [tilespmem:s30], [sflag:$0x1], $0x80, $0x38;
	[tilespmem:$0x18800] =	vst v63  }
0x29c: {  	_ =	swait.ge [sflag:s11], $0x80  }
0x29d: {  	s12 =	sadd.s32 $0x1, s12;
	s31 =	rddreg [dreg:$0x6]  }
0x29e: {  	p0 =	sne.s32 s12, s31  }
.Ltmp1:
0x29f: {  	_ = 	snop;
	(pc) =	sbr.rel @p0 .LBB2_1-.Ltmp1, $3  }
0x2a0: {  	_ =	sdelay $0x1  }
0x2a1: {  	[sflag:s11] =	ssyncset.done $0x0  }
0x2a2: {  	[sflag:s11] =	ssyncadd.s32 $0xFFFFFF80  }
0x2a3: {  	_ =	sfence.sel $0x180000  }
0x2a4: {  	[bflag:$0x0] =	sbarrier.arrive $0xFFFF  }
0x2a5: {  	_ =	strace $0x90000047  }
0x2a6: {  	s0 =	stileid.u32;
	[bflag:$0x2] =	sbarrier.arrive $0xFFFF  }
0x2a7: {  	p0 =	sne.s32 s0, $0x0;
	s0 =	rddreg [dreg:$0x2]  }
0x2a8: {  	s0 =	sadd.s32 @!p0 $0x100000, s0  }
0x2a9: {  	[sflag:s0] =	ssyncadd.tile.s32 @!p0 $0x1;
	_ =	shalt  }
.Lfunc_end2:
_tile_overlayer_lowered:
.L_overlay_start_2:
0x2aa: {  	(tag) =	ssettag $0x2  }
0x2ab: {  	s0 =	rddreg [dreg:$0x0];
	s2 =	stileid.u32  }
0x2ac: {  	s1 =	rddreg [dreg:$0x1];
	p0 =	sne.s32 s2, $0x0  }
0x2ad: {  	s3 =	rddreg [dreg:$0x2];
	[bflag:$0x3] =	sbarrier.arrive $0xFFFF;
	s2 =	simm.s32 @!p0 $0x1C01  }
0x2ae: {  	[timem:s3], [sflag:s2] =	dma.local @!p0 [hbm:s0], s1  }
0x2af: {  	s0 =	simm.s32 @!p0 $0x1  }
0x2b0: {  	_ =	swait.ge @!p0 [sflag:s0], s1  }
0x2b1: {  	s1 =	ssub.s32 @!p0 $0x0, s1;
	[sflag:s0] =	ssyncset.done @!p0 $0x0  }
0x2b2: {  	[sflag:s0] =	ssyncadd.s32 @!p0 s1  }
0x2b3: {  	[bflag:$0x3] =	sbarrier.arrive $0xFFFF  }
0x2b4: {  	_ =	shalt  }

</sc_bundles>
